<compile_context>
chip_gen: v7x
topology: tpu7x:2x2x1
jax: 0.10.2.dev20260603
libtpu: 0.0.44.dev20260713+nightly
codegen_flags: <defaults>
</compile_context>

<pallas_src>
import functools

import jax
import jax.numpy as jnp
from jax import lax
from jax.experimental import pallas as pl
from jax.experimental.pallas import tpu as pltpu
from jax.experimental.pallas import tpu_sc as plsc

B = 16384
ND = 13
NS = 26
E = 16
V = 100000
D0 = (ND + NS) * E
H1 = 512
H2 = 256
DE = ND * E
SE = NS * E

NC = 2
NSUB = 16
NW = NC * NSUB
ROWS = B * NS
RPW = ROWS // NW
CH = 832
NCHUNK = RPW // CH
SUBG = 128
NSUBG = CH // SUBG + 1


GR = NS * V // 8
BAGS = CH // NS
NG16 = CH // 16


def _fix_indices(idx_v, sub_v, fv_v):
    @plsc.parallel_loop(0, CH // 16, unroll=4)
    def _fix(i):
        g = idx_v[pl.ds(i * 16, 16)] + fv_v[pl.ds(i * 16, 16)]
        idx_v[pl.ds(i * 16, 16)] = lax.shift_right_logical(g, 3)
        sub_v[pl.ds(i * 16, 16)] = lax.bitwise_and(g, 7)


def _gather_chunk(tab, idx_v, rows_v, sem):
    offs = list(range(0, CH, SUBG))
    cps = [
        pltpu.async_copy(
            tab.at[idx_v.at[pl.ds(o, min(SUBG, CH - o))]],
            rows_v.at[pl.ds(o, min(SUBG, CH - o))],
            sem,
        )
        for o in offs
    ]
    for cp in cps:
        cp.wait()


def _select_rows(rows_v, sub_v, sel_v, bagl_v, lanel_v, lane):
    @plsc.parallel_loop(0, NG16, unroll=1)
    def _sel(i):
        r0 = i * 16
        rvec = r0 + lane
        subs = sub_v[pl.ds(r0, 16)]
        bagv = bagl_v[pl.ds(r0, 16)]
        lanev = lanel_v[pl.ds(r0, 16)]
        soff = lax.shift_left(subs, 4)
        for k in range(E):
            col = plsc.load_gather(rows_v, [rvec, soff + k])
            plsc.store_scatter(sel_v, [bagv, lanev + k], col)


def _sc_gather_tab_body(tab, idxh, fvh, baglh, lanelh, out,
                        idx_v, sub_v, fv_v, bagl_v, lanel_v, rows_v, sel_v,
                        sem):
    c = lax.axis_index("c")
    s = lax.axis_index("s")
    base_w = (s * NC + c) * RPW
    lane = lax.iota(jnp.int32, 16)
    pltpu.sync_copy(baglh, bagl_v)
    pltpu.sync_copy(lanelh, lanel_v)

    def chunk(k, carry):
        base = pl.multiple_of(base_w + k * CH, 8)
        pltpu.sync_copy(idxh.at[pl.ds(base, CH)], idx_v)
        pltpu.sync_copy(fvh.at[pl.ds(base, CH)], fv_v)
        _fix_indices(idx_v, sub_v, fv_v)
        _gather_chunk(tab, idx_v, rows_v, sem)
        _select_rows(rows_v, sub_v, sel_v, bagl_v, lanel_v, lane)
        pltpu.sync_copy(sel_v, out.at[pl.ds(pl.multiple_of(base // NS, 8), BAGS)])
        return carry

    lax.fori_loop(0, NCHUNK, chunk, 0)


def _sc_mesh():
    return plsc.VectorSubcoreMesh(
        core_axis_name="c", subcore_axis_name="s",
        num_cores=NC, num_subcores=NSUB,
    )


@functools.cache
def _get_sc_gather_tab():
    return functools.partial(
        pl.kernel,
        out_type=jax.ShapeDtypeStruct((B, 512), jnp.float32),
        mesh=_sc_mesh(),
        scratch_types=[
            pltpu.VMEM((CH,), jnp.int32),
            pltpu.VMEM((CH,), jnp.int32),
            pltpu.VMEM((CH,), jnp.int32),
            pltpu.VMEM((CH,), jnp.int32),
            pltpu.VMEM((CH,), jnp.int32),
            pltpu.VMEM((CH, 128), jnp.float32),
            pltpu.VMEM((BAGS, 512), jnp.float32),
            pltpu.SemaphoreType.DMA,
        ],
        compiler_params=pltpu.CompilerParams(
            use_tc_tiling_on_sc=True, needs_layout_passes=False),
    )(_sc_gather_tab_body)


BK = 1024
G = B // BK


def _expand_mat(wf):
    d = lax.broadcasted_iota(jnp.int32, (ND, DE), 0)
    j = lax.broadcasted_iota(jnp.int32, (ND, DE), 1)
    return jnp.where(j // E == d, jnp.broadcast_to(wf, (ND, DE)), 0.0)


def _k1_body(xi, w1f, b1f, co1):
    w1e = _expand_mat(w1f[0:1, :])
    co1[...] = (jnp.dot(xi[...], w1e, preferred_element_type=jnp.float32, precision=lax.Precision.HIGHEST)
                + b1f[0:1, :])


def _make_k1(interpret=False):
    return pl.pallas_call(
        _k1_body,
        grid=(G,),
        in_specs=[
            pl.BlockSpec((BK, ND), lambda i: (i, 0)),
            pl.BlockSpec((8, DE), lambda i: (0, 0)),
            pl.BlockSpec((8, DE), lambda i: (0, 0)),
        ],
        out_specs=pl.BlockSpec((BK, DE), lambda i: (i, 0)),
        out_shape=jax.ShapeDtypeStruct((B, DE), jnp.float32),
        interpret=interpret,
    )


def _p1_body(e1, e2, w1, y, xvd, xi, w2f, b2f, l1w, l1b,
             sfm, h1, hsum, hsq):
    i = pl.program_id(0)
    f32 = jnp.float32
    E1 = e1[...][:, 0:SE]
    W1 = w1[...]
    md = (lax.broadcasted_iota(jnp.int32, (DE, ND), 0) // E
          == lax.broadcasted_iota(jnp.int32, (DE, ND), 1)).astype(f32)
    ys = jnp.dot(y[...], md, preferred_element_type=f32, precision=lax.Precision.HIGHEST)
    s1 = jnp.sum(E1 * W1, axis=1) + jnp.sum(ys * xvd[...], axis=1)
    w2e = _expand_mat(w2f[0:1, :])
    co2 = jnp.dot(xi[...], w2e, preferred_element_type=f32, precision=lax.Precision.HIGHEST) + b2f[0:1, :]
    P2 = e2[...][:, 0:SE] * W1
    r208 = lax.broadcasted_iota(jnp.int32, (DE, E), 0) % E
    m208 = (r208 == lax.broadcasted_iota(jnp.int32, (DE, E), 1)).astype(jnp.float32)
    r416 = lax.broadcasted_iota(jnp.int32, (SE, E), 0) % E
    m416 = (r416 == lax.broadcasted_iota(jnp.int32, (SE, E), 1)).astype(jnp.float32)
    s = (jnp.dot(co2, m208, preferred_element_type=f32, precision=lax.Precision.HIGHEST)
         + jnp.dot(P2, m416, preferred_element_type=f32, precision=lax.Precision.HIGHEST))
    sqs = (jnp.dot(co2 * co2, m208, preferred_element_type=f32, precision=lax.Precision.HIGHEST)
           + jnp.dot(P2 * P2, m416, preferred_element_type=f32, precision=lax.Precision.HIGHEST))
    S2 = 0.5 * jnp.sum(s * s - sqs, axis=1)
    sfm[...] = s1 + S2
    h = (jnp.dot(co2, l1w[0:DE, :], preferred_element_type=f32)
         + jnp.dot(P2, l1w[DE:D0, :], preferred_element_type=f32)
         + l1b[...])
    h1[...] = h

    @pl.when(i == 0)
    def _():
        hsum[...] = jnp.zeros_like(hsum)
        hsq[...] = jnp.zeros_like(hsq)

    hsum[...] += jnp.sum(h, axis=0)
    hsq[...] += jnp.sum(h * h, axis=0)


def _make_p1(interpret=False):
    full512 = pl.BlockSpec((H1,), lambda i: (0,))
    return pl.pallas_call(
        _p1_body,
        grid=(G,),
        in_specs=[
            pl.BlockSpec((BK, 512), lambda i: (i, 0)),
            pl.BlockSpec((BK, 512), lambda i: (i, 0)),
            pl.BlockSpec((BK, SE), lambda i: (i, 0)),
            pl.BlockSpec((BK, DE), lambda i: (i, 0)),
            pl.BlockSpec((BK, ND), lambda i: (i, 0)),
            pl.BlockSpec((BK, ND), lambda i: (i, 0)),
            pl.BlockSpec((8, DE), lambda i: (0, 0)),
            pl.BlockSpec((8, DE), lambda i: (0, 0)),
            pl.BlockSpec((D0, H1), lambda i: (0, 0)),
            full512,
        ],
        out_specs=[
            pl.BlockSpec((BK,), lambda i: (i,)),
            pl.BlockSpec((BK, H1), lambda i: (i, 0)),
            full512,
            full512,
        ],
        out_shape=[
            jax.ShapeDtypeStruct((B,), jnp.float32),
            jax.ShapeDtypeStruct((B, H1), jnp.float32),
            jax.ShapeDtypeStruct((H1,), jnp.float32),
            jax.ShapeDtypeStruct((H1,), jnp.float32),
        ],
        interpret=interpret,
    )


def _p2_body(h1, hsum, hsq, g1, l2w, u, usum, usq):
    i = pl.program_id(0)
    mu = hsum[...] * (1.0 / B)
    va = hsq[...] * (1.0 / B) - mu * mu
    a1 = g1[...] * lax.rsqrt(va + 1e-5)
    zn = (h1[...] - mu) * a1
    uu = jnp.dot(zn, l2w[...], preferred_element_type=jnp.float32)
    u[...] = uu

    @pl.when(i == 0)
    def _():
        usum[...] = jnp.zeros_like(usum)
        usq[...] = jnp.zeros_like(usq)

    usum[...] += jnp.sum(uu, axis=0)
    usq[...] += jnp.sum(uu * uu, axis=0)


def _make_p2(interpret=False):
    full512 = pl.BlockSpec((H1,), lambda i: (0,))
    full256 = pl.BlockSpec((H2,), lambda i: (0,))
    return pl.pallas_call(
        _p2_body,
        grid=(G,),
        in_specs=[
            pl.BlockSpec((BK, H1), lambda i: (i, 0)),
            full512,
            full512,
            full512,
            pl.BlockSpec((H1, H2), lambda i: (0, 0)),
        ],
        out_specs=[
            pl.BlockSpec((BK, H2), lambda i: (i, 0)),
            full256,
            full256,
        ],
        out_shape=[
            jax.ShapeDtypeStruct((B, H2), jnp.float32),
            jax.ShapeDtypeStruct((H2,), jnp.float32),
            jax.ShapeDtypeStruct((H2,), jnp.float32),
        ],
        interpret=interpret,
    )


def _p3_body(u, usum, usq, g2, bb2, sfm, bias, out):
    mu = usum[...] * (1.0 / B)
    va = usq[...] * (1.0 / B) - mu * mu
    a2 = g2[...] * lax.rsqrt(va + 1e-5)
    c3 = jnp.sum(bb2[...]) - jnp.sum(mu * a2)
    s3 = jnp.sum(u[...] * a2, axis=1) + c3
    out[...] = sfm[...] + s3 + bias[...]


def _make_p3(interpret=False):
    full256 = pl.BlockSpec((H2,), lambda i: (0,))
    vec = pl.BlockSpec((BK,), lambda i: (i,))
    return pl.pallas_call(
        _p3_body,
        grid=(G,),
        in_specs=[
            pl.BlockSpec((BK, H2), lambda i: (i, 0)),
            full256,
            full256,
            full256,
            full256,
            vec,
            vec,
        ],
        out_specs=vec,
        out_shape=jax.ShapeDtypeStruct((B,), jnp.float32),
        interpret=interpret,
    )


_k1 = _make_k1()
_p1 = _make_p1()
_p2 = _make_p2()
_p3 = _make_p3()


@jax.jit
def kernel(Xi, Xv, conv1_W, conv1_b, conv2_W, conv2_b, emb1, emb2,
           lin1_W, lin1_b, bn1_g, bn1_b, lin2_W, lin2_b, bn2_g, bn2_b, bias):
    Xi_lin = Xi[:, :ND, 0].astype(jnp.float32)
    idx_flat = Xi[:, ND:, 0].reshape(-1)
    W1 = jnp.broadcast_to(Xv[:, ND:].reshape(NS, 1, B), (NS, E, B)).reshape(B, SE)
    XvD = Xv[:, :ND]
    w1f = jnp.broadcast_to(conv1_W.reshape(1, DE), (8, DE))
    b1f = jnp.broadcast_to(conv1_b.reshape(1, DE), (8, DE))
    w2f = jnp.broadcast_to(conv2_W.reshape(1, DE), (8, DE))
    b2f = jnp.broadcast_to(conv2_b.reshape(1, DE), (8, DE))

    ar = jnp.arange(ROWS, dtype=jnp.int32)
    fv = (ar % NS) * V
    arc = jnp.arange(CH, dtype=jnp.int32)
    bagl = arc // NS
    lanel = (arc % NS) * E
    E1s = _get_sc_gather_tab()(emb1.reshape(GR, 128), idx_flat, fv, bagl, lanel)
    E2s = _get_sc_gather_tab()(emb2.reshape(GR, 128), idx_flat, fv, bagl, lanel)

    co1 = _k1(Xi_lin, w1f, b1f)
    Y = co1.T.reshape(B, DE)

    sfm, h1, hsum, hsq = _p1(E1s, E2s, W1, Y, XvD, Xi_lin, w2f, b2f,
                             lin1_W, lin1_b)
    u, usum, usq = _p2(h1, hsum, hsq, bn1_g, lin2_W)
    return _p3(u, usum, usq, bn2_g, bn2_b, sfm, bias)

# --- scband reference (transcript-rebuilt; emitter-appended) ---
"""Pipeline reference for scband-deep-fm-31112743092597 (READ-ONLY COPY).

The authoritative reference and input builder live on the scoring server;
editing this copy changes nothing except your own understanding.
"""

import jax, jax.numpy as jnp
import numpy as np

B = 16384
F = 39
ND = 13
NS = 26
E = 16
V = 100000
D0 = F * E
H1, H2 = 512, 256


def setup_inputs(seed: int = 0):
    key = jax.random.key(seed)
    ks = jax.random.split(key, 12)
    Xi = jax.random.randint(ks[0], (B, F, 1), 0, V, dtype=jnp.int32)
    Xv = jax.random.uniform(ks[1], (B, F), dtype=jnp.float32)
    conv1_W = jax.random.normal(ks[2], (ND, E), dtype=jnp.float32) * 0.1
    conv1_b = jnp.zeros((ND, E), dtype=jnp.float32)
    conv2_W = jax.random.normal(ks[3], (ND, E), dtype=jnp.float32) * 0.1
    conv2_b = jnp.zeros((ND, E), dtype=jnp.float32)
    emb1 = jax.random.normal(ks[4], (NS, V, E), dtype=jnp.float32) * 0.01
    emb2 = jax.random.normal(ks[5], (NS, V, E), dtype=jnp.float32) * 0.01
    lin1_W = jax.random.normal(ks[6], (D0, H1), dtype=jnp.float32) * (1.0 / np.sqrt(D0))
    lin1_b = jnp.zeros((H1,), dtype=jnp.float32)
    bn1_g = jnp.ones((H1,), dtype=jnp.float32)
    bn1_b = jnp.zeros((H1,), dtype=jnp.float32)
    lin2_W = jax.random.normal(ks[7], (H1, H2), dtype=jnp.float32) * (1.0 / np.sqrt(H1))
    lin2_b = jnp.zeros((H2,), dtype=jnp.float32)
    bn2_g = jnp.ones((H2,), dtype=jnp.float32)
    bn2_b = jnp.zeros((H2,), dtype=jnp.float32)
    bias = jax.random.normal(ks[8], (B,), dtype=jnp.float32)
    return {"Xi": Xi, "Xv": Xv, "conv1_W": conv1_W, "conv1_b": conv1_b,
            "conv2_W": conv2_W, "conv2_b": conv2_b, "emb1": emb1, "emb2": emb2,
            "lin1_W": lin1_W, "lin1_b": lin1_b, "bn1_g": bn1_g, "bn1_b": bn1_b,
            "lin2_W": lin2_W, "lin2_b": lin2_b, "bn2_g": bn2_g, "bn2_b": bn2_b,
            "bias": bias}


def _lookup(tables, idx):
    # tables: (T, V, E), idx: (B, T) -> (B, T, E); per-table gather like
    # TableBatchedEmbeddingBags with one index per bag (offsets = arange).
    return tables[jnp.arange(tables.shape[0])[None, :], idx]


def reference(Xi, Xv, conv1_W, conv1_b, conv2_W, conv2_b, emb1, emb2,
              lin1_W, lin1_b, bn1_g, bn1_b, lin2_W, lin2_b, bn2_g, bn2_b, bias):
    Bn = Xi.shape[0]
    Xi_lin = Xi[:, :ND, 0].astype(jnp.float32)
    idx = Xi[:, ND:, 0]
    # first-order: grouped 1x1 conv over 13 dense fields -> (B, 13*E, 1)
    co1 = (Xi_lin[:, :, None] * conv1_W[None] + conv1_b[None]).reshape(Bn, ND * E, 1)
    t = jnp.transpose(co1, (1, 0, 2)).reshape(-1, E)
    ffl = (t.reshape(Bn, ND, E) * Xv[:, :ND, None]).reshape(Bn, -1)
    e1 = _lookup(emb1, idx)
    ffe = (e1.reshape(NS, -1, Bn) * Xv[:, ND:].reshape(NS, 1, Bn)).reshape(Bn, -1)
    fm1 = jnp.concatenate([ffl, ffe], axis=1)
    # second-order
    co2 = (Xi_lin[:, :, None] * conv2_W[None] + conv2_b[None]).reshape(Bn, ND * E, 1)
    e2 = _lookup(emb2, idx)
    fse = (e2.reshape(NS, -1, Bn) * Xv[:, ND:].reshape(NS, 1, Bn)).reshape(Bn, NS, -1)
    deep_emb = jnp.concatenate([co2.reshape(Bn, -1), fse.reshape(Bn, -1)], axis=1)
    fsl = jnp.transpose(co2.reshape(Bn, -1, E), (1, 0, 2))
    s = jnp.sum(fsl, axis=0) + jnp.sum(fse, axis=1)
    ssq = s * s
    sqs = jnp.sum(fsl * fsl, axis=0) + jnp.sum(fse * fse, axis=1)
    fm2 = (ssq - sqs) * 0.5
    # deep MLP (train-mode batchnorm with batch stats; dropout = identity)
    h = deep_emb @ lin1_W + lin1_b
    mu = h.mean(axis=0); va = h.var(axis=0)
    h = (h - mu) / jnp.sqrt(va + 1e-5) * bn1_g + bn1_b
    h = h @ lin2_W + lin2_b
    mu2 = h.mean(axis=0); va2 = h.var(axis=0)
    h = (h - mu2) / jnp.sqrt(va2 + 1e-5) * bn2_g + bn2_b
    return jnp.sum(fm1, axis=1) + jnp.sum(fm2, axis=1) + jnp.sum(h, axis=1) + bias

if __name__ == "__main__":
    import jax
    _d = setup_inputs()
    print(jax.jit(kernel)(*tuple(_d.values())))

</pallas_src>

<mosaic_0001>
#map = affine_map<(d0, d1) -> (0, 0)>
#map1 = affine_map<(d0, d1) -> (0)>
module attributes {stable_mosaic.version = 14 : i64} {
  func.func @_sc_gather_tab_body(%arg0: i32, %arg1: i32, %arg2: memref<325000x128xf32, #tpu.memory_space<hbm>>, %arg3: memref<425984xi32, #tpu.memory_space<hbm>>, %arg4: memref<425984xi32, #tpu.memory_space<hbm>>, %arg5: memref<832xi32, #tpu.memory_space<hbm>>, %arg6: memref<832xi32, #tpu.memory_space<hbm>>, %arg7: memref<16384x512xf32, #tpu.memory_space<hbm>>, %arg8: memref<832xi32, #tpu.memory_space<vmem>>, %arg9: memref<832xi32, #tpu.memory_space<vmem>>, %arg10: memref<832xi32, #tpu.memory_space<vmem>>, %arg11: memref<832xi32, #tpu.memory_space<vmem>>, %arg12: memref<832xi32, #tpu.memory_space<vmem>>, %arg13: memref<832x128xf32, #tpu.memory_space<vmem>>, %arg14: memref<32x512xf32, #tpu.memory_space<vmem>>, %arg15: memref<!tpu.dma_semaphore, #tpu.memory_space<semaphore_mem>>) attributes {dimension_semantics = [#tpu.dimension_semantics<core_parallel>, #tpu.dimension_semantics<subcore_parallel>], iteration_bounds = array<i64: 2, 16>, scalar_prefetch = 0 : i64, scratch_operands = 8 : i64, tpu.core_type = #tpu.core_type<sc_vector_subcore>, window_params = [{transform_indices = #map}, {transform_indices = #map1}, {transform_indices = #map1}, {transform_indices = #map1}, {transform_indices = #map1}, {transform_indices = #map}]} {
    %mul3A = arith.constant 2 : i32
    %mul3A_0 = arith.muli %arg1, %mul3A : i32
    %add3A = arith.addi %mul3A_0, %arg0 : i32
    %mul3A_1 = arith.constant 13312 : i32
    %mul3A_2 = arith.muli %add3A, %mul3A_1 : i32
    %iota3A = tpu.iota {dimensions = array<i32: 0>} : vector<16xi32>
    "tpu.region"() ({
      %run_scoped3A = tpu.sem_alloc : memref<!tpu.dma_semaphore, #tpu.memory_space<semaphore_mem>>
      tpu.enqueue_dma source(%arg5 : memref<832xi32, #tpu.memory_space<hbm>>) target(%arg11 : memref<832xi32, #tpu.memory_space<vmem>>) target_semaphore(%run_scoped3A : memref<!tpu.dma_semaphore, #tpu.memory_space<semaphore_mem>>)
      tpu.wait_dma2 semaphore(%run_scoped3A : memref<!tpu.dma_semaphore, #tpu.memory_space<semaphore_mem>>) src(%arg5 : memref<832xi32, #tpu.memory_space<hbm>>) dst(%arg11 : memref<832xi32, #tpu.memory_space<vmem>>)
      tpu.yield
    }) : () -> ()
    "tpu.region"() ({
      %run_scoped3A = tpu.sem_alloc : memref<!tpu.dma_semaphore, #tpu.memory_space<semaphore_mem>>
      tpu.enqueue_dma source(%arg6 : memref<832xi32, #tpu.memory_space<hbm>>) target(%arg12 : memref<832xi32, #tpu.memory_space<vmem>>) target_semaphore(%run_scoped3A : memref<!tpu.dma_semaphore, #tpu.memory_space<semaphore_mem>>)
      tpu.wait_dma2 semaphore(%run_scoped3A : memref<!tpu.dma_semaphore, #tpu.memory_space<semaphore_mem>>) src(%arg6 : memref<832xi32, #tpu.memory_space<hbm>>) dst(%arg12 : memref<832xi32, #tpu.memory_space<vmem>>)
      tpu.yield
    }) : () -> ()
    %scan3A = arith.constant 0 : i32
    %scan3A_3 = arith.constant 0 : i32
    %scan3A_4 = arith.constant 16 : i32
    %scan3A_5 = arith.addi %scan3A_3, %scan3A_4 : i32
    %scan3A_6 = arith.constant 1 : i32
    scf.for %scan3A_8 = %scan3A_3 to %scan3A_5 step %scan3A_6  : i32 {
      %mul3A_9 = arith.constant 832 : i32
      %mul3A_10 = arith.muli %scan3A_8, %mul3A_9 : i32
      %add3A_11 = arith.addi %mul3A_2, %mul3A_10 : i32
      %multiple_of3A = tpu.assume_multiple %add3A_11, 8 : i32
      "tpu.region"() ({
        %run_scoped3A = tpu.sem_alloc : memref<!tpu.dma_semaphore, #tpu.memory_space<semaphore_mem>>
        %dma_start3A_144 = tpu.memref_slice %arg3[%multiple_of3A] : memref<425984xi32, #tpu.memory_space<hbm>> -> memref<832xi32, #tpu.memory_space<hbm>>
        %dma_start3A_145 = tpu.memref_slice %arg3[%multiple_of3A] : memref<425984xi32, #tpu.memory_space<hbm>> -> memref<832xi32, #tpu.memory_space<hbm>>
        tpu.enqueue_dma source(%dma_start3A_145 : memref<832xi32, #tpu.memory_space<hbm>>) target(%arg8 : memref<832xi32, #tpu.memory_space<vmem>>) target_semaphore(%run_scoped3A : memref<!tpu.dma_semaphore, #tpu.memory_space<semaphore_mem>>)
        %dma_wait3A_146 = tpu.memref_slice %arg3[%multiple_of3A] : memref<425984xi32, #tpu.memory_space<hbm>> -> memref<832xi32, #tpu.memory_space<hbm>>
        %dma_wait3A_147 = tpu.memref_slice %arg3[%multiple_of3A] : memref<425984xi32, #tpu.memory_space<hbm>> -> memref<832xi32, #tpu.memory_space<hbm>>
        tpu.wait_dma2 semaphore(%run_scoped3A : memref<!tpu.dma_semaphore, #tpu.memory_space<semaphore_mem>>) src(%dma_wait3A_147 : memref<832xi32, #tpu.memory_space<hbm>>) dst(%arg8 : memref<832xi32, #tpu.memory_space<vmem>>)
        tpu.yield
      }) : () -> ()
      "tpu.region"() ({
        %run_scoped3A = tpu.sem_alloc : memref<!tpu.dma_semaphore, #tpu.memory_space<semaphore_mem>>
        %dma_start3A_144 = tpu.memref_slice %arg4[%multiple_of3A] : memref<425984xi32, #tpu.memory_space<hbm>> -> memref<832xi32, #tpu.memory_space<hbm>>
        %dma_start3A_145 = tpu.memref_slice %arg4[%multiple_of3A] : memref<425984xi32, #tpu.memory_space<hbm>> -> memref<832xi32, #tpu.memory_space<hbm>>
        tpu.enqueue_dma source(%dma_start3A_145 : memref<832xi32, #tpu.memory_space<hbm>>) target(%arg10 : memref<832xi32, #tpu.memory_space<vmem>>) target_semaphore(%run_scoped3A : memref<!tpu.dma_semaphore, #tpu.memory_space<semaphore_mem>>)
        %dma_wait3A_146 = tpu.memref_slice %arg4[%multiple_of3A] : memref<425984xi32, #tpu.memory_space<hbm>> -> memref<832xi32, #tpu.memory_space<hbm>>
        %dma_wait3A_147 = tpu.memref_slice %arg4[%multiple_of3A] : memref<425984xi32, #tpu.memory_space<hbm>> -> memref<832xi32, #tpu.memory_space<hbm>>
        tpu.wait_dma2 semaphore(%run_scoped3A : memref<!tpu.dma_semaphore, #tpu.memory_space<semaphore_mem>>) src(%dma_wait3A_147 : memref<832xi32, #tpu.memory_space<hbm>>) dst(%arg10 : memref<832xi32, #tpu.memory_space<vmem>>)
        tpu.yield
      }) : () -> ()
      %parallel_loop3A = arith.constant 0 : i32
      %parallel_loop3A_12 = arith.constant 52 : i32
      %parallel_loop3A_13 = arith.constant 1 : i32
      scf.for %parallel_loop3A_144 = %parallel_loop3A to %parallel_loop3A_12 step %parallel_loop3A_13  : i32 {
        %parallel_loop3A_145 = arith.constant 16 : i32
        %parallel_loop3A_146 = arith.muli %parallel_loop3A_144, %parallel_loop3A_145 : i32
        %parallel_loop3A_147 = arith.index_cast %parallel_loop3A_146 : i32 to index
        %parallel_loop3A_148 = tpu.vector_load %arg8[%parallel_loop3A_147] {strides = array<i32>} : memref<832xi32, #tpu.memory_space<vmem>>, vector<16xi32>,
        %parallel_loop3A_149 = arith.constant 16 : i32
        %parallel_loop3A_150 = arith.muli %parallel_loop3A_144, %parallel_loop3A_149 : i32
        %parallel_loop3A_151 = arith.index_cast %parallel_loop3A_150 : i32 to index
        %parallel_loop3A_152 = tpu.vector_load %arg10[%parallel_loop3A_151] {strides = array<i32>} : memref<832xi32, #tpu.memory_space<vmem>>, vector<16xi32>,
        %parallel_loop3A_153 = arith.addi %parallel_loop3A_148, %parallel_loop3A_152 : vector<16xi32>
        %parallel_loop3A_154 = arith.constant 3 : i32
        %parallel_loop3A_155 = vector.broadcast %parallel_loop3A_154 : i32 to vector<16xi32>
        %parallel_loop3A_156 = arith.shrui %parallel_loop3A_153, %parallel_loop3A_155 : vector<16xi32>
        %parallel_loop3A_157 = arith.constant 16 : i32
        %parallel_loop3A_158 = arith.muli %parallel_loop3A_144, %parallel_loop3A_157 : i32
        %parallel_loop3A_159 = arith.index_cast %parallel_loop3A_158 : i32 to index
        %parallel_loop3A_160 = tpu.vector_load %arg8[%parallel_loop3A_159] {strides = array<i32>} : memref<832xi32, #tpu.memory_space<vmem>>, vector<16xi32>,
        tpu.vector_store %arg8[%parallel_loop3A_159], %parallel_loop3A_156 {strides = array<i32>} : memref<832xi32, #tpu.memory_space<vmem>>, vector<16xi32>,
        %parallel_loop3A_161 = arith.constant 7 : i32
        %parallel_loop3A_162 = vector.broadcast %parallel_loop3A_161 : i32 to vector<16xi32>
        %parallel_loop3A_163 = arith.andi %parallel_loop3A_153, %parallel_loop3A_162 : vector<16xi32>
        %parallel_loop3A_164 = arith.constant 16 : i32
        %parallel_loop3A_165 = arith.muli %parallel_loop3A_144, %parallel_loop3A_164 : i32
        %parallel_loop3A_166 = arith.index_cast %parallel_loop3A_165 : i32 to index
        %parallel_loop3A_167 = tpu.vector_load %arg9[%parallel_loop3A_166] {strides = array<i32>} : memref<832xi32, #tpu.memory_space<vmem>>, vector<16xi32>,
        tpu.vector_store %arg9[%parallel_loop3A_166], %parallel_loop3A_163 {strides = array<i32>} : memref<832xi32, #tpu.memory_space<vmem>>, vector<16xi32>,
      } {sc.loop_unroll_factor = 4 : i64, sc.parallel_access}
      %dma_start3A = arith.constant 0 : i32
      %dma_start3A_14 = arith.constant 0 : i32
      %dma_start3A_15 = tpu.memref_slice %arg13[%dma_start3A, %dma_start3A_14] : memref<832x128xf32, #tpu.memory_space<vmem>> -> memref<128x128xf32, #tpu.memory_space<vmem>>
      %dma_start3A_16 = arith.constant 0 : i32
      %dma_start3A_17 = tpu.memref_slice %arg8[%dma_start3A_16] : memref<832xi32, #tpu.memory_space<vmem>> -> memref<128xi32, #tpu.memory_space<vmem>>
      %dma_start3A_18 = arith.constant 0 : i32
      %dma_start3A_19 = arith.constant 0 : i32
      %dma_start3A_20 = tpu.memref_slice %arg2[%dma_start3A_18, %dma_start3A_19] : memref<325000x128xf32, #tpu.memory_space<hbm>> -> memref<325000x128xf32, #tpu.memory_space<hbm>>
      tpu.enqueue_indirect_dma source(%dma_start3A_20 : memref<325000x128xf32, #tpu.memory_space<hbm>>) target(%dma_start3A_15 : memref<128x128xf32, #tpu.memory_space<vmem>>) offsets(%dma_start3A_17 : memref<128xi32, #tpu.memory_space<vmem>>) semaphore(%arg15 : memref<!tpu.dma_semaphore, #tpu.memory_space<semaphore_mem>>)
      %dma_start3A_21 = arith.constant 128 : i32
      %dma_start3A_22 = arith.constant 0 : i32
      %dma_start3A_23 = tpu.memref_slice %arg13[%dma_start3A_21, %dma_start3A_22] : memref<832x128xf32, #tpu.memory_space<vmem>> -> memref<128x128xf32, #tpu.memory_space<vmem>>
      %dma_start3A_24 = arith.constant 128 : i32
      %dma_start3A_25 = tpu.memref_slice %arg8[%dma_start3A_24] : memref<832xi32, #tpu.memory_space<vmem>> -> memref<128xi32, #tpu.memory_space<vmem>>
      %dma_start3A_26 = arith.constant 0 : i32
      %dma_start3A_27 = arith.constant 0 : i32
      %dma_start3A_28 = tpu.memref_slice %arg2[%dma_start3A_26, %dma_start3A_27] : memref<325000x128xf32, #tpu.memory_space<hbm>> -> memref<325000x128xf32, #tpu.memory_space<hbm>>
      tpu.enqueue_indirect_dma source(%dma_start3A_28 : memref<325000x128xf32, #tpu.memory_space<hbm>>) target(%dma_start3A_23 : memref<128x128xf32, #tpu.memory_space<vmem>>) offsets(%dma_start3A_25 : memref<128xi32, #tpu.memory_space<vmem>>) semaphore(%arg15 : memref<!tpu.dma_semaphore, #tpu.memory_space<semaphore_mem>>)
      %dma_start3A_29 = arith.constant 256 : i32
      %dma_start3A_30 = arith.constant 0 : i32
      %dma_start3A_31 = tpu.memref_slice %arg13[%dma_start3A_29, %dma_start3A_30] : memref<832x128xf32, #tpu.memory_space<vmem>> -> memref<128x128xf32, #tpu.memory_space<vmem>>
      %dma_start3A_32 = arith.constant 256 : i32
      %dma_start3A_33 = tpu.memref_slice %arg8[%dma_start3A_32] : memref<832xi32, #tpu.memory_space<vmem>> -> memref<128xi32, #tpu.memory_space<vmem>>
      %dma_start3A_34 = arith.constant 0 : i32
      %dma_start3A_35 = arith.constant 0 : i32
      %dma_start3A_36 = tpu.memref_slice %arg2[%dma_start3A_34, %dma_start3A_35] : memref<325000x128xf32, #tpu.memory_space<hbm>> -> memref<325000x128xf32, #tpu.memory_space<hbm>>
      tpu.enqueue_indirect_dma source(%dma_start3A_36 : memref<325000x128xf32, #tpu.memory_space<hbm>>) target(%dma_start3A_31 : memref<128x128xf32, #tpu.memory_space<vmem>>) offsets(%dma_start3A_33 : memref<128xi32, #tpu.memory_space<vmem>>) semaphore(%arg15 : memref<!tpu.dma_semaphore, #tpu.memory_space<semaphore_mem>>)
      %dma_start3A_37 = arith.constant 384 : i32
      %dma_start3A_38 = arith.constant 0 : i32
      %dma_start3A_39 = tpu.memref_slice %arg13[%dma_start3A_37, %dma_start3A_38] : memref<832x128xf32, #tpu.memory_space<vmem>> -> memref<128x128xf32, #tpu.memory_space<vmem>>
      %dma_start3A_40 = arith.constant 384 : i32
      %dma_start3A_41 = tpu.memref_slice %arg8[%dma_start3A_40] : memref<832xi32, #tpu.memory_space<vmem>> -> memref<128xi32, #tpu.memory_space<vmem>>
      %dma_start3A_42 = arith.constant 0 : i32
      %dma_start3A_43 = arith.constant 0 : i32
      %dma_start3A_44 = tpu.memref_slice %arg2[%dma_start3A_42, %dma_start3A_43] : memref<325000x128xf32, #tpu.memory_space<hbm>> -> memref<325000x128xf32, #tpu.memory_space<hbm>>
      tpu.enqueue_indirect_dma source(%dma_start3A_44 : memref<325000x128xf32, #tpu.memory_space<hbm>>) target(%dma_start3A_39 : memref<128x128xf32, #tpu.memory_space<vmem>>) offsets(%dma_start3A_41 : memref<128xi32, #tpu.memory_space<vmem>>) semaphore(%arg15 : memref<!tpu.dma_semaphore, #tpu.memory_space<semaphore_mem>>)
      %dma_start3A_45 = arith.constant 512 : i32
      %dma_start3A_46 = arith.constant 0 : i32
      %dma_start3A_47 = tpu.memref_slice %arg13[%dma_start3A_45, %dma_start3A_46] : memref<832x128xf32, #tpu.memory_space<vmem>> -> memref<128x128xf32, #tpu.memory_space<vmem>>
      %dma_start3A_48 = arith.constant 512 : i32
      %dma_start3A_49 = tpu.memref_slice %arg8[%dma_start3A_48] : memref<832xi32, #tpu.memory_space<vmem>> -> memref<128xi32, #tpu.memory_space<vmem>>
      %dma_start3A_50 = arith.constant 0 : i32
      %dma_start3A_51 = arith.constant 0 : i32
      %dma_start3A_52 = tpu.memref_slice %arg2[%dma_start3A_50, %dma_start3A_51] : memref<325000x128xf32, #tpu.memory_space<hbm>> -> memref<325000x128xf32, #tpu.memory_space<hbm>>
      tpu.enqueue_indirect_dma source(%dma_start3A_52 : memref<325000x128xf32, #tpu.memory_space<hbm>>) target(%dma_start3A_47 : memref<128x128xf32, #tpu.memory_space<vmem>>) offsets(%dma_start3A_49 : memref<128xi32, #tpu.memory_space<vmem>>) semaphore(%arg15 : memref<!tpu.dma_semaphore, #tpu.memory_space<semaphore_mem>>)
      %dma_start3A_53 = arith.constant 640 : i32
      %dma_start3A_54 = arith.constant 0 : i32
      %dma_start3A_55 = tpu.memref_slice %arg13[%dma_start3A_53, %dma_start3A_54] : memref<832x128xf32, #tpu.memory_space<vmem>> -> memref<128x128xf32, #tpu.memory_space<vmem>>
      %dma_start3A_56 = arith.constant 640 : i32
      %dma_start3A_57 = tpu.memref_slice %arg8[%dma_start3A_56] : memref<832xi32, #tpu.memory_space<vmem>> -> memref<128xi32, #tpu.memory_space<vmem>>
      %dma_start3A_58 = arith.constant 0 : i32
      %dma_start3A_59 = arith.constant 0 : i32
      %dma_start3A_60 = tpu.memref_slice %arg2[%dma_start3A_58, %dma_start3A_59] : memref<325000x128xf32, #tpu.memory_space<hbm>> -> memref<325000x128xf32, #tpu.memory_space<hbm>>
      tpu.enqueue_indirect_dma source(%dma_start3A_60 : memref<325000x128xf32, #tpu.memory_space<hbm>>) target(%dma_start3A_55 : memref<128x128xf32, #tpu.memory_space<vmem>>) offsets(%dma_start3A_57 : memref<128xi32, #tpu.memory_space<vmem>>) semaphore(%arg15 : memref<!tpu.dma_semaphore, #tpu.memory_space<semaphore_mem>>)
      %dma_start3A_61 = arith.constant 768 : i32
      %dma_start3A_62 = arith.constant 0 : i32
      %dma_start3A_63 = tpu.memref_slice %arg13[%dma_start3A_61, %dma_start3A_62] : memref<832x128xf32, #tpu.memory_space<vmem>> -> memref<64x128xf32, #tpu.memory_space<vmem>>
      %dma_start3A_64 = arith.constant 768 : i32
      %dma_start3A_65 = tpu.memref_slice %arg8[%dma_start3A_64] : memref<832xi32, #tpu.memory_space<vmem>> -> memref<64xi32, #tpu.memory_space<vmem>>
      %dma_start3A_66 = arith.constant 0 : i32
      %dma_start3A_67 = arith.constant 0 : i32
      %dma_start3A_68 = tpu.memref_slice %arg2[%dma_start3A_66, %dma_start3A_67] : memref<325000x128xf32, #tpu.memory_space<hbm>> -> memref<325000x128xf32, #tpu.memory_space<hbm>>
      tpu.enqueue_indirect_dma source(%dma_start3A_68 : memref<325000x128xf32, #tpu.memory_space<hbm>>) target(%dma_start3A_63 : memref<64x128xf32, #tpu.memory_space<vmem>>) offsets(%dma_start3A_65 : memref<64xi32, #tpu.memory_space<vmem>>) semaphore(%arg15 : memref<!tpu.dma_semaphore, #tpu.memory_space<semaphore_mem>>)
      %dma_wait3A = arith.constant 0 : i32
      %dma_wait3A_69 = arith.constant 0 : i32
      %dma_wait3A_70 = tpu.memref_slice %arg13[%dma_wait3A, %dma_wait3A_69] : memref<832x128xf32, #tpu.memory_space<vmem>> -> memref<128x128xf32, #tpu.memory_space<vmem>>
      %dma_wait3A_71 = arith.constant 0 : i32
      %dma_wait3A_72 = tpu.memref_slice %arg8[%dma_wait3A_71] : memref<832xi32, #tpu.memory_space<vmem>> -> memref<128xi32, #tpu.memory_space<vmem>>
      %dma_wait3A_73 = arith.constant 0 : i32
      %dma_wait3A_74 = arith.constant 0 : i32
      %dma_wait3A_75 = tpu.memref_slice %arg2[%dma_wait3A_73, %dma_wait3A_74] : memref<325000x128xf32, #tpu.memory_space<hbm>> -> memref<325000x128xf32, #tpu.memory_space<hbm>>
      tpu.wait_indirect_dma semaphore(%arg15 : memref<!tpu.dma_semaphore, #tpu.memory_space<semaphore_mem>>) src(%dma_wait3A_75 : memref<325000x128xf32, #tpu.memory_space<hbm>>) dst(%dma_wait3A_70 : memref<128x128xf32, #tpu.memory_space<vmem>>)
      %dma_wait3A_76 = arith.constant 128 : i32
      %dma_wait3A_77 = arith.constant 0 : i32
      %dma_wait3A_78 = tpu.memref_slice %arg13[%dma_wait3A_76, %dma_wait3A_77] : memref<832x128xf32, #tpu.memory_space<vmem>> -> memref<128x128xf32, #tpu.memory_space<vmem>>
      %dma_wait3A_79 = arith.constant 128 : i32
      %dma_wait3A_80 = tpu.memref_slice %arg8[%dma_wait3A_79] : memref<832xi32, #tpu.memory_space<vmem>> -> memref<128xi32, #tpu.memory_space<vmem>>
      %dma_wait3A_81 = arith.constant 0 : i32
      %dma_wait3A_82 = arith.constant 0 : i32
      %dma_wait3A_83 = tpu.memref_slice %arg2[%dma_wait3A_81, %dma_wait3A_82] : memref<325000x128xf32, #tpu.memory_space<hbm>> -> memref<325000x128xf32, #tpu.memory_space<hbm>>
      tpu.wait_indirect_dma semaphore(%arg15 : memref<!tpu.dma_semaphore, #tpu.memory_space<semaphore_mem>>) src(%dma_wait3A_83 : memref<325000x128xf32, #tpu.memory_space<hbm>>) dst(%dma_wait3A_78 : memref<128x128xf32, #tpu.memory_space<vmem>>)
      %dma_wait3A_84 = arith.constant 256 : i32
      %dma_wait3A_85 = arith.constant 0 : i32
      %dma_wait3A_86 = tpu.memref_slice %arg13[%dma_wait3A_84, %dma_wait3A_85] : memref<832x128xf32, #tpu.memory_space<vmem>> -> memref<128x128xf32, #tpu.memory_space<vmem>>
      %dma_wait3A_87 = arith.constant 256 : i32
      %dma_wait3A_88 = tpu.memref_slice %arg8[%dma_wait3A_87] : memref<832xi32, #tpu.memory_space<vmem>> -> memref<128xi32, #tpu.memory_space<vmem>>
      %dma_wait3A_89 = arith.constant 0 : i32
      %dma_wait3A_90 = arith.constant 0 : i32
      %dma_wait3A_91 = tpu.memref_slice %arg2[%dma_wait3A_89, %dma_wait3A_90] : memref<325000x128xf32, #tpu.memory_space<hbm>> -> memref<325000x128xf32, #tpu.memory_space<hbm>>
      tpu.wait_indirect_dma semaphore(%arg15 : memref<!tpu.dma_semaphore, #tpu.memory_space<semaphore_mem>>) src(%dma_wait3A_91 : memref<325000x128xf32, #tpu.memory_space<hbm>>) dst(%dma_wait3A_86 : memref<128x128xf32, #tpu.memory_space<vmem>>)
      %dma_wait3A_92 = arith.constant 384 : i32
      %dma_wait3A_93 = arith.constant 0 : i32
      %dma_wait3A_94 = tpu.memref_slice %arg13[%dma_wait3A_92, %dma_wait3A_93] : memref<832x128xf32, #tpu.memory_space<vmem>> -> memref<128x128xf32, #tpu.memory_space<vmem>>
      %dma_wait3A_95 = arith.constant 384 : i32
      %dma_wait3A_96 = tpu.memref_slice %arg8[%dma_wait3A_95] : memref<832xi32, #tpu.memory_space<vmem>> -> memref<128xi32, #tpu.memory_space<vmem>>
      %dma_wait3A_97 = arith.constant 0 : i32
      %dma_wait3A_98 = arith.constant 0 : i32
      %dma_wait3A_99 = tpu.memref_slice %arg2[%dma_wait3A_97, %dma_wait3A_98] : memref<325000x128xf32, #tpu.memory_space<hbm>> -> memref<325000x128xf32, #tpu.memory_space<hbm>>
      tpu.wait_indirect_dma semaphore(%arg15 : memref<!tpu.dma_semaphore, #tpu.memory_space<semaphore_mem>>) src(%dma_wait3A_99 : memref<325000x128xf32, #tpu.memory_space<hbm>>) dst(%dma_wait3A_94 : memref<128x128xf32, #tpu.memory_space<vmem>>)
      %dma_wait3A_100 = arith.constant 512 : i32
      %dma_wait3A_101 = arith.constant 0 : i32
      %dma_wait3A_102 = tpu.memref_slice %arg13[%dma_wait3A_100, %dma_wait3A_101] : memref<832x128xf32, #tpu.memory_space<vmem>> -> memref<128x128xf32, #tpu.memory_space<vmem>>
      %dma_wait3A_103 = arith.constant 512 : i32
      %dma_wait3A_104 = tpu.memref_slice %arg8[%dma_wait3A_103] : memref<832xi32, #tpu.memory_space<vmem>> -> memref<128xi32, #tpu.memory_space<vmem>>
      %dma_wait3A_105 = arith.constant 0 : i32
      %dma_wait3A_106 = arith.constant 0 : i32
      %dma_wait3A_107 = tpu.memref_slice %arg2[%dma_wait3A_105, %dma_wait3A_106] : memref<325000x128xf32, #tpu.memory_space<hbm>> -> memref<325000x128xf32, #tpu.memory_space<hbm>>
      tpu.wait_indirect_dma semaphore(%arg15 : memref<!tpu.dma_semaphore, #tpu.memory_space<semaphore_mem>>) src(%dma_wait3A_107 : memref<325000x128xf32, #tpu.memory_space<hbm>>) dst(%dma_wait3A_102 : memref<128x128xf32, #tpu.memory_space<vmem>>)
      %dma_wait3A_108 = arith.constant 640 : i32
      %dma_wait3A_109 = arith.constant 0 : i32
      %dma_wait3A_110 = tpu.memref_slice %arg13[%dma_wait3A_108, %dma_wait3A_109] : memref<832x128xf32, #tpu.memory_space<vmem>> -> memref<128x128xf32, #tpu.memory_space<vmem>>
      %dma_wait3A_111 = arith.constant 640 : i32
      %dma_wait3A_112 = tpu.memref_slice %arg8[%dma_wait3A_111] : memref<832xi32, #tpu.memory_space<vmem>> -> memref<128xi32, #tpu.memory_space<vmem>>
      %dma_wait3A_113 = arith.constant 0 : i32
      %dma_wait3A_114 = arith.constant 0 : i32
      %dma_wait3A_115 = tpu.memref_slice %arg2[%dma_wait3A_113, %dma_wait3A_114] : memref<325000x128xf32, #tpu.memory_space<hbm>> -> memref<325000x128xf32, #tpu.memory_space<hbm>>
      tpu.wait_indirect_dma semaphore(%arg15 : memref<!tpu.dma_semaphore, #tpu.memory_space<semaphore_mem>>) src(%dma_wait3A_115 : memref<325000x128xf32, #tpu.memory_space<hbm>>) dst(%dma_wait3A_110 : memref<128x128xf32, #tpu.memory_space<vmem>>)
      %dma_wait3A_116 = arith.constant 768 : i32
      %dma_wait3A_117 = arith.constant 0 : i32
      %dma_wait3A_118 = tpu.memref_slice %arg13[%dma_wait3A_116, %dma_wait3A_117] : memref<832x128xf32, #tpu.memory_space<vmem>> -> memref<64x128xf32, #tpu.memory_space<vmem>>
      %dma_wait3A_119 = arith.constant 768 : i32
      %dma_wait3A_120 = tpu.memref_slice %arg8[%dma_wait3A_119] : memref<832xi32, #tpu.memory_space<vmem>> -> memref<64xi32, #tpu.memory_space<vmem>>
      %dma_wait3A_121 = arith.constant 0 : i32
      %dma_wait3A_122 = arith.constant 0 : i32
      %dma_wait3A_123 = tpu.memref_slice %arg2[%dma_wait3A_121, %dma_wait3A_122] : memref<325000x128xf32, #tpu.memory_space<hbm>> -> memref<325000x128xf32, #tpu.memory_space<hbm>>
      tpu.wait_indirect_dma semaphore(%arg15 : memref<!tpu.dma_semaphore, #tpu.memory_space<semaphore_mem>>) src(%dma_wait3A_123 : memref<325000x128xf32, #tpu.memory_space<hbm>>) dst(%dma_wait3A_118 : memref<64x128xf32, #tpu.memory_space<vmem>>)
      %parallel_loop3A_124 = arith.constant 0 : i32
      %parallel_loop3A_125 = arith.constant 52 : i32
      %parallel_loop3A_126 = arith.constant 1 : i32
      scf.for %parallel_loop3A_144 = %parallel_loop3A_124 to %parallel_loop3A_125 step %parallel_loop3A_126  : i32 {
        %parallel_loop3A_145 = arith.constant 16 : i32
        %parallel_loop3A_146 = arith.muli %parallel_loop3A_144, %parallel_loop3A_145 : i32
        %parallel_loop3A_147 = vector.broadcast %parallel_loop3A_146 : i32 to vector<16xi32>
        %parallel_loop3A_148 = arith.addi %parallel_loop3A_147, %iota3A : vector<16xi32>
        %parallel_loop3A_149 = arith.index_cast %parallel_loop3A_146 : i32 to index
        %parallel_loop3A_150 = tpu.vector_load %arg9[%parallel_loop3A_149] {strides = array<i32>} : memref<832xi32, #tpu.memory_space<vmem>>, vector<16xi32>,
        %parallel_loop3A_151 = arith.index_cast %parallel_loop3A_146 : i32 to index
        %parallel_loop3A_152 = tpu.vector_load %arg11[%parallel_loop3A_151] {strides = array<i32>} : memref<832xi32, #tpu.memory_space<vmem>>, vector<16xi32>,
        %parallel_loop3A_153 = arith.index_cast %parallel_loop3A_146 : i32 to index
        %parallel_loop3A_154 = tpu.vector_load %arg12[%parallel_loop3A_153] {strides = array<i32>} : memref<832xi32, #tpu.memory_space<vmem>>, vector<16xi32>,
        %parallel_loop3A_155 = arith.constant 4 : i32
        %parallel_loop3A_156 = vector.broadcast %parallel_loop3A_155 : i32 to vector<16xi32>
        %parallel_loop3A_157 = arith.shli %parallel_loop3A_150, %parallel_loop3A_156 : vector<16xi32>
        %parallel_loop3A_158 = arith.constant 0 : i32
        %parallel_loop3A_159 = vector.broadcast %parallel_loop3A_158 : i32 to vector<16xi32>
        %parallel_loop3A_160 = arith.addi %parallel_loop3A_157, %parallel_loop3A_159 : vector<16xi32>
        %parallel_loop3A_161 = tpu.vector_load_idx %arg13[%parallel_loop3A_148, %parallel_loop3A_160] : memref<832x128xf32, #tpu.memory_space<vmem>>[vector<16xi32>, vector<16xi32>], vector<16xf32>,
        %parallel_loop3A_162 = arith.constant 0 : i32
        %parallel_loop3A_163 = vector.broadcast %parallel_loop3A_162 : i32 to vector<16xi32>
        %parallel_loop3A_164 = arith.addi %parallel_loop3A_154, %parallel_loop3A_163 : vector<16xi32>
        tpu.vector_store_idx %arg14[%parallel_loop3A_152, %parallel_loop3A_164], %parallel_loop3A_161 : memref<32x512xf32, #tpu.memory_space<vmem>>[vector<16xi32>, vector<16xi32>], vector<16xf32>,
        %parallel_loop3A_165 = arith.constant 1 : i32
        %parallel_loop3A_166 = vector.broadcast %parallel_loop3A_165 : i32 to vector<16xi32>
        %parallel_loop3A_167 = arith.addi %parallel_loop3A_157, %parallel_loop3A_166 : vector<16xi32>
        %parallel_loop3A_168 = tpu.vector_load_idx %arg13[%parallel_loop3A_148, %parallel_loop3A_167] : memref<832x128xf32, #tpu.memory_space<vmem>>[vector<16xi32>, vector<16xi32>], vector<16xf32>,
        %parallel_loop3A_169 = arith.constant 1 : i32
        %parallel_loop3A_170 = vector.broadcast %parallel_loop3A_169 : i32 to vector<16xi32>
        %parallel_loop3A_171 = arith.addi %parallel_loop3A_154, %parallel_loop3A_170 : vector<16xi32>
        tpu.vector_store_idx %arg14[%parallel_loop3A_152, %parallel_loop3A_171], %parallel_loop3A_168 : memref<32x512xf32, #tpu.memory_space<vmem>>[vector<16xi32>, vector<16xi32>], vector<16xf32>,
        %parallel_loop3A_172 = arith.constant 2 : i32
        %parallel_loop3A_173 = vector.broadcast %parallel_loop3A_172 : i32 to vector<16xi32>
        %parallel_loop3A_174 = arith.addi %parallel_loop3A_157, %parallel_loop3A_173 : vector<16xi32>
        %parallel_loop3A_175 = tpu.vector_load_idx %arg13[%parallel_loop3A_148, %parallel_loop3A_174] : memref<832x128xf32, #tpu.memory_space<vmem>>[vector<16xi32>, vector<16xi32>], vector<16xf32>,
        %parallel_loop3A_176 = arith.constant 2 : i32
        %parallel_loop3A_177 = vector.broadcast %parallel_loop3A_176 : i32 to vector<16xi32>
        %parallel_loop3A_178 = arith.addi %parallel_loop3A_154, %parallel_loop3A_177 : vector<16xi32>
        tpu.vector_store_idx %arg14[%parallel_loop3A_152, %parallel_loop3A_178], %parallel_loop3A_175 : memref<32x512xf32, #tpu.memory_space<vmem>>[vector<16xi32>, vector<16xi32>], vector<16xf32>,
        %parallel_loop3A_179 = arith.constant 3 : i32
        %parallel_loop3A_180 = vector.broadcast %parallel_loop3A_179 : i32 to vector<16xi32>
        %parallel_loop3A_181 = arith.addi %parallel_loop3A_157, %parallel_loop3A_180 : vector<16xi32>
        %parallel_loop3A_182 = tpu.vector_load_idx %arg13[%parallel_loop3A_148, %parallel_loop3A_181] : memref<832x128xf32, #tpu.memory_space<vmem>>[vector<16xi32>, vector<16xi32>], vector<16xf32>,
        %parallel_loop3A_183 = arith.constant 3 : i32
        %parallel_loop3A_184 = vector.broadcast %parallel_loop3A_183 : i32 to vector<16xi32>
        %parallel_loop3A_185 = arith.addi %parallel_loop3A_154, %parallel_loop3A_184 : vector<16xi32>
        tpu.vector_store_idx %arg14[%parallel_loop3A_152, %parallel_loop3A_185], %parallel_loop3A_182 : memref<32x512xf32, #tpu.memory_space<vmem>>[vector<16xi32>, vector<16xi32>], vector<16xf32>,
        %parallel_loop3A_186 = arith.constant 4 : i32
        %parallel_loop3A_187 = vector.broadcast %parallel_loop3A_186 : i32 to vector<16xi32>
        %parallel_loop3A_188 = arith.addi %parallel_loop3A_157, %parallel_loop3A_187 : vector<16xi32>
        %parallel_loop3A_189 = tpu.vector_load_idx %arg13[%parallel_loop3A_148, %parallel_loop3A_188] : memref<832x128xf32, #tpu.memory_space<vmem>>[vector<16xi32>, vector<16xi32>], vector<16xf32>,
        %parallel_loop3A_190 = arith.constant 4 : i32
        %parallel_loop3A_191 = vector.broadcast %parallel_loop3A_190 : i32 to vector<16xi32>
        %parallel_loop3A_192 = arith.addi %parallel_loop3A_154, %parallel_loop3A_191 : vector<16xi32>
        tpu.vector_store_idx %arg14[%parallel_loop3A_152, %parallel_loop3A_192], %parallel_loop3A_189 : memref<32x512xf32, #tpu.memory_space<vmem>>[vector<16xi32>, vector<16xi32>], vector<16xf32>,
        %parallel_loop3A_193 = arith.constant 5 : i32
        %parallel_loop3A_194 = vector.broadcast %parallel_loop3A_193 : i32 to vector<16xi32>
        %parallel_loop3A_195 = arith.addi %parallel_loop3A_157, %parallel_loop3A_194 : vector<16xi32>
        %parallel_loop3A_196 = tpu.vector_load_idx %arg13[%parallel_loop3A_148, %parallel_loop3A_195] : memref<832x128xf32, #tpu.memory_space<vmem>>[vector<16xi32>, vector<16xi32>], vector<16xf32>,
        %parallel_loop3A_197 = arith.constant 5 : i32
        %parallel_loop3A_198 = vector.broadcast %parallel_loop3A_197 : i32 to vector<16xi32>
        %parallel_loop3A_199 = arith.addi %parallel_loop3A_154, %parallel_loop3A_198 : vector<16xi32>
        tpu.vector_store_idx %arg14[%parallel_loop3A_152, %parallel_loop3A_199], %parallel_loop3A_196 : memref<32x512xf32, #tpu.memory_space<vmem>>[vector<16xi32>, vector<16xi32>], vector<16xf32>,
        %parallel_loop3A_200 = arith.constant 6 : i32
        %parallel_loop3A_201 = vector.broadcast %parallel_loop3A_200 : i32 to vector<16xi32>
        %parallel_loop3A_202 = arith.addi %parallel_loop3A_157, %parallel_loop3A_201 : vector<16xi32>
        %parallel_loop3A_203 = tpu.vector_load_idx %arg13[%parallel_loop3A_148, %parallel_loop3A_202] : memref<832x128xf32, #tpu.memory_space<vmem>>[vector<16xi32>, vector<16xi32>], vector<16xf32>,
        %parallel_loop3A_204 = arith.constant 6 : i32
        %parallel_loop3A_205 = vector.broadcast %parallel_loop3A_204 : i32 to vector<16xi32>
        %parallel_loop3A_206 = arith.addi %parallel_loop3A_154, %parallel_loop3A_205 : vector<16xi32>
        tpu.vector_store_idx %arg14[%parallel_loop3A_152, %parallel_loop3A_206], %parallel_loop3A_203 : memref<32x512xf32, #tpu.memory_space<vmem>>[vector<16xi32>, vector<16xi32>], vector<16xf32>,
        %parallel_loop3A_207 = arith.constant 7 : i32
        %parallel_loop3A_208 = vector.broadcast %parallel_loop3A_207 : i32 to vector<16xi32>
        %parallel_loop3A_209 = arith.addi %parallel_loop3A_157, %parallel_loop3A_208 : vector<16xi32>
        %parallel_loop3A_210 = tpu.vector_load_idx %arg13[%parallel_loop3A_148, %parallel_loop3A_209] : memref<832x128xf32, #tpu.memory_space<vmem>>[vector<16xi32>, vector<16xi32>], vector<16xf32>,
        %parallel_loop3A_211 = arith.constant 7 : i32
        %parallel_loop3A_212 = vector.broadcast %parallel_loop3A_211 : i32 to vector<16xi32>
        %parallel_loop3A_213 = arith.addi %parallel_loop3A_154, %parallel_loop3A_212 : vector<16xi32>
        tpu.vector_store_idx %arg14[%parallel_loop3A_152, %parallel_loop3A_213], %parallel_loop3A_210 : memref<32x512xf32, #tpu.memory_space<vmem>>[vector<16xi32>, vector<16xi32>], vector<16xf32>,
        %parallel_loop3A_214 = arith.constant 8 : i32
        %parallel_loop3A_215 = vector.broadcast %parallel_loop3A_214 : i32 to vector<16xi32>
        %parallel_loop3A_216 = arith.addi %parallel_loop3A_157, %parallel_loop3A_215 : vector<16xi32>
        %parallel_loop3A_217 = tpu.vector_load_idx %arg13[%parallel_loop3A_148, %parallel_loop3A_216] : memref<832x128xf32, #tpu.memory_space<vmem>>[vector<16xi32>, vector<16xi32>], vector<16xf32>,
        %parallel_loop3A_218 = arith.constant 8 : i32
        %parallel_loop3A_219 = vector.broadcast %parallel_loop3A_218 : i32 to vector<16xi32>
        %parallel_loop3A_220 = arith.addi %parallel_loop3A_154, %parallel_loop3A_219 : vector<16xi32>
        tpu.vector_store_idx %arg14[%parallel_loop3A_152, %parallel_loop3A_220], %parallel_loop3A_217 : memref<32x512xf32, #tpu.memory_space<vmem>>[vector<16xi32>, vector<16xi32>], vector<16xf32>,
        %parallel_loop3A_221 = arith.constant 9 : i32
        %parallel_loop3A_222 = vector.broadcast %parallel_loop3A_221 : i32 to vector<16xi32>
        %parallel_loop3A_223 = arith.addi %parallel_loop3A_157, %parallel_loop3A_222 : vector<16xi32>
        %parallel_loop3A_224 = tpu.vector_load_idx %arg13[%parallel_loop3A_148, %parallel_loop3A_223] : memref<832x128xf32, #tpu.memory_space<vmem>>[vector<16xi32>, vector<16xi32>], vector<16xf32>,
        %parallel_loop3A_225 = arith.constant 9 : i32
        %parallel_loop3A_226 = vector.broadcast %parallel_loop3A_225 : i32 to vector<16xi32>
        %parallel_loop3A_227 = arith.addi %parallel_loop3A_154, %parallel_loop3A_226 : vector<16xi32>
        tpu.vector_store_idx %arg14[%parallel_loop3A_152, %parallel_loop3A_227], %parallel_loop3A_224 : memref<32x512xf32, #tpu.memory_space<vmem>>[vector<16xi32>, vector<16xi32>], vector<16xf32>,
        %parallel_loop3A_228 = arith.constant 10 : i32
        %parallel_loop3A_229 = vector.broadcast %parallel_loop3A_228 : i32 to vector<16xi32>
        %parallel_loop3A_230 = arith.addi %parallel_loop3A_157, %parallel_loop3A_229 : vector<16xi32>
        %parallel_loop3A_231 = tpu.vector_load_idx %arg13[%parallel_loop3A_148, %parallel_loop3A_230] : memref<832x128xf32, #tpu.memory_space<vmem>>[vector<16xi32>, vector<16xi32>], vector<16xf32>,
        %parallel_loop3A_232 = arith.constant 10 : i32
        %parallel_loop3A_233 = vector.broadcast %parallel_loop3A_232 : i32 to vector<16xi32>
        %parallel_loop3A_234 = arith.addi %parallel_loop3A_154, %parallel_loop3A_233 : vector<16xi32>
        tpu.vector_store_idx %arg14[%parallel_loop3A_152, %parallel_loop3A_234], %parallel_loop3A_231 : memref<32x512xf32, #tpu.memory_space<vmem>>[vector<16xi32>, vector<16xi32>], vector<16xf32>,
        %parallel_loop3A_235 = arith.constant 11 : i32
        %parallel_loop3A_236 = vector.broadcast %parallel_loop3A_235 : i32 to vector<16xi32>
        %parallel_loop3A_237 = arith.addi %parallel_loop3A_157, %parallel_loop3A_236 : vector<16xi32>
        %parallel_loop3A_238 = tpu.vector_load_idx %arg13[%parallel_loop3A_148, %parallel_loop3A_237] : memref<832x128xf32, #tpu.memory_space<vmem>>[vector<16xi32>, vector<16xi32>], vector<16xf32>,
        %parallel_loop3A_239 = arith.constant 11 : i32
        %parallel_loop3A_240 = vector.broadcast %parallel_loop3A_239 : i32 to vector<16xi32>
        %parallel_loop3A_241 = arith.addi %parallel_loop3A_154, %parallel_loop3A_240 : vector<16xi32>
        tpu.vector_store_idx %arg14[%parallel_loop3A_152, %parallel_loop3A_241], %parallel_loop3A_238 : memref<32x512xf32, #tpu.memory_space<vmem>>[vector<16xi32>, vector<16xi32>], vector<16xf32>,
        %parallel_loop3A_242 = arith.constant 12 : i32
        %parallel_loop3A_243 = vector.broadcast %parallel_loop3A_242 : i32 to vector<16xi32>
        %parallel_loop3A_244 = arith.addi %parallel_loop3A_157, %parallel_loop3A_243 : vector<16xi32>
        %parallel_loop3A_245 = tpu.vector_load_idx %arg13[%parallel_loop3A_148, %parallel_loop3A_244] : memref<832x128xf32, #tpu.memory_space<vmem>>[vector<16xi32>, vector<16xi32>], vector<16xf32>,
        %parallel_loop3A_246 = arith.constant 12 : i32
        %parallel_loop3A_247 = vector.broadcast %parallel_loop3A_246 : i32 to vector<16xi32>
        %parallel_loop3A_248 = arith.addi %parallel_loop3A_154, %parallel_loop3A_247 : vector<16xi32>
        tpu.vector_store_idx %arg14[%parallel_loop3A_152, %parallel_loop3A_248], %parallel_loop3A_245 : memref<32x512xf32, #tpu.memory_space<vmem>>[vector<16xi32>, vector<16xi32>], vector<16xf32>,
        %parallel_loop3A_249 = arith.constant 13 : i32
        %parallel_loop3A_250 = vector.broadcast %parallel_loop3A_249 : i32 to vector<16xi32>
        %parallel_loop3A_251 = arith.addi %parallel_loop3A_157, %parallel_loop3A_250 : vector<16xi32>
        %parallel_loop3A_252 = tpu.vector_load_idx %arg13[%parallel_loop3A_148, %parallel_loop3A_251] : memref<832x128xf32, #tpu.memory_space<vmem>>[vector<16xi32>, vector<16xi32>], vector<16xf32>,
        %parallel_loop3A_253 = arith.constant 13 : i32
        %parallel_loop3A_254 = vector.broadcast %parallel_loop3A_253 : i32 to vector<16xi32>
        %parallel_loop3A_255 = arith.addi %parallel_loop3A_154, %parallel_loop3A_254 : vector<16xi32>
        tpu.vector_store_idx %arg14[%parallel_loop3A_152, %parallel_loop3A_255], %parallel_loop3A_252 : memref<32x512xf32, #tpu.memory_space<vmem>>[vector<16xi32>, vector<16xi32>], vector<16xf32>,
        %parallel_loop3A_256 = arith.constant 14 : i32
        %parallel_loop3A_257 = vector.broadcast %parallel_loop3A_256 : i32 to vector<16xi32>
        %parallel_loop3A_258 = arith.addi %parallel_loop3A_157, %parallel_loop3A_257 : vector<16xi32>
        %parallel_loop3A_259 = tpu.vector_load_idx %arg13[%parallel_loop3A_148, %parallel_loop3A_258] : memref<832x128xf32, #tpu.memory_space<vmem>>[vector<16xi32>, vector<16xi32>], vector<16xf32>,
        %parallel_loop3A_260 = arith.constant 14 : i32
        %parallel_loop3A_261 = vector.broadcast %parallel_loop3A_260 : i32 to vector<16xi32>
        %parallel_loop3A_262 = arith.addi %parallel_loop3A_154, %parallel_loop3A_261 : vector<16xi32>
        tpu.vector_store_idx %arg14[%parallel_loop3A_152, %parallel_loop3A_262], %parallel_loop3A_259 : memref<32x512xf32, #tpu.memory_space<vmem>>[vector<16xi32>, vector<16xi32>], vector<16xf32>,
        %parallel_loop3A_263 = arith.constant 15 : i32
        %parallel_loop3A_264 = vector.broadcast %parallel_loop3A_263 : i32 to vector<16xi32>
        %parallel_loop3A_265 = arith.addi %parallel_loop3A_157, %parallel_loop3A_264 : vector<16xi32>
        %parallel_loop3A_266 = tpu.vector_load_idx %arg13[%parallel_loop3A_148, %parallel_loop3A_265] : memref<832x128xf32, #tpu.memory_space<vmem>>[vector<16xi32>, vector<16xi32>], vector<16xf32>,
        %parallel_loop3A_267 = arith.constant 15 : i32
        %parallel_loop3A_268 = vector.broadcast %parallel_loop3A_267 : i32 to vector<16xi32>
        %parallel_loop3A_269 = arith.addi %parallel_loop3A_154, %parallel_loop3A_268 : vector<16xi32>
        tpu.vector_store_idx %arg14[%parallel_loop3A_152, %parallel_loop3A_269], %parallel_loop3A_266 : memref<32x512xf32, #tpu.memory_space<vmem>>[vector<16xi32>, vector<16xi32>], vector<16xf32>,
      } {sc.loop_unroll_factor = 1 : i64, sc.parallel_access}
      %jit3A = arith.constant 26 : i32
      %div3A = arith.divsi %multiple_of3A, %jit3A : i32
      %sign3A = arith.constant 0 : i32
      %sign3A_127 = arith.cmpi sgt, %multiple_of3A, %sign3A : i32
      %sign3A_128 = arith.extui %sign3A_127 : i1 to i32
      %sign3A_129 = arith.constant 0 : i32
      %sign3A_130 = arith.cmpi slt, %multiple_of3A, %sign3A_129 : i32
      %sign3A_131 = arith.extui %sign3A_130 : i1 to i32
      %sign3A_132 = arith.subi %sign3A_128, %sign3A_131 : i32
      %sign3A_133 = arith.constant 0 : i32
      %sign3A_134 = arith.cmpi sgt, %jit3A, %sign3A_133 : i32
      %sign3A_135 = arith.extui %sign3A_134 : i1 to i32
      %sign3A_136 = arith.constant 0 : i32
      %sign3A_137 = arith.cmpi slt, %jit3A, %sign3A_136 : i32
      %sign3A_138 = arith.extui %sign3A_137 : i1 to i32
      %sign3A_139 = arith.subi %sign3A_135, %sign3A_138 : i32
      %ne3A = arith.cmpi ne, %sign3A_132, %sign3A_139 : i32
      %rem3A = arith.remsi %multiple_of3A, %jit3A : i32
      %ne3A_140 = arith.constant 0 : i32
      %ne3A_141 = arith.cmpi ne, %rem3A, %ne3A_140 : i32
      %and3A = arith.andi %ne3A, %ne3A_141 : i1
      %sub3A = arith.constant 1 : i32
      %sub3A_142 = arith.subi %div3A, %sub3A : i32
      %select_n3A = arith.select %and3A, %sub3A_142, %div3A : i32
      %multiple_of3A_143 = tpu.assume_multiple %select_n3A, 8 : i32
      "tpu.region"() ({
        %run_scoped3A = tpu.sem_alloc : memref<!tpu.dma_semaphore, #tpu.memory_space<semaphore_mem>>
        %dma_start3A_144 = arith.constant 0 : i32
        %dma_start3A_145 = tpu.memref_slice %arg7[%multiple_of3A_143, %dma_start3A_144] : memref<16384x512xf32, #tpu.memory_space<hbm>> -> memref<32x512xf32, #tpu.memory_space<hbm>>
        %dma_start3A_146 = arith.constant 0 : i32
        %dma_start3A_147 = tpu.memref_slice %arg7[%multiple_of3A_143, %dma_start3A_146] : memref<16384x512xf32, #tpu.memory_space<hbm>> -> memref<32x512xf32, #tpu.memory_space<hbm>>
        tpu.enqueue_dma source(%arg14 : memref<32x512xf32, #tpu.memory_space<vmem>>) target(%dma_start3A_147 : memref<32x512xf32, #tpu.memory_space<hbm>>) target_semaphore(%run_scoped3A : memref<!tpu.dma_semaphore, #tpu.memory_space<semaphore_mem>>)
        %dma_wait3A_148 = arith.constant 0 : i32
        %dma_wait3A_149 = tpu.memref_slice %arg7[%multiple_of3A_143, %dma_wait3A_148] : memref<16384x512xf32, #tpu.memory_space<hbm>> -> memref<32x512xf32, #tpu.memory_space<hbm>>
        %dma_wait3A_150 = arith.constant 0 : i32
        %dma_wait3A_151 = tpu.memref_slice %arg7[%multiple_of3A_143, %dma_wait3A_150] : memref<16384x512xf32, #tpu.memory_space<hbm>> -> memref<32x512xf32, #tpu.memory_space<hbm>>
        tpu.wait_dma2 semaphore(%run_scoped3A : memref<!tpu.dma_semaphore, #tpu.memory_space<semaphore_mem>>) src(%arg14 : memref<32x512xf32, #tpu.memory_space<vmem>>) dst(%dma_wait3A_151 : memref<32x512xf32, #tpu.memory_space<hbm>>)
        tpu.yield
      }) : () -> ()
    }
    %scan3A_7 = arith.constant 16 : i32
    return
  }
}

#map = affine_map<(d0, d1) -> (0, 0)>
#map1 = affine_map<(d0, d1) -> (0)>
module attributes {stable_mosaic.version = 14 : i64} {
  func.func @_sc_gather_tab_body(%arg0: i32, %arg1: i32, %arg2: memref<325000x128xf32, #tpu.memory_space<hbm>>, %arg3: memref<425984xi32, #tpu.memory_space<hbm>>, %arg4: memref<425984xi32, #tpu.memory_space<hbm>>, %arg5: memref<832xi32, #tpu.memory_space<hbm>>, %arg6: memref<832xi32, #tpu.memory_space<hbm>>, %arg7: memref<16384x512xf32, #tpu.memory_space<hbm>>, %arg8: memref<832xi32, #tpu.memory_space<vmem>>, %arg9: memref<832xi32, #tpu.memory_space<vmem>>, %arg10: memref<832xi32, #tpu.memory_space<vmem>>, %arg11: memref<832xi32, #tpu.memory_space<vmem>>, %arg12: memref<832xi32, #tpu.memory_space<vmem>>, %arg13: memref<832x128xf32, #tpu.memory_space<vmem>>, %arg14: memref<32x512xf32, #tpu.memory_space<vmem>>, %arg15: memref<!tpu.dma_semaphore, #tpu.memory_space<semaphore_mem>>) attributes {dimension_semantics = [#tpu.dimension_semantics<core_parallel>, #tpu.dimension_semantics<subcore_parallel>], iteration_bounds = array<i64: 2, 16>, scalar_prefetch = 0 : i64, scratch_operands = 8 : i64, tpu.core_type = #tpu.core_type<sc_vector_subcore>, window_params = [{transform_indices = #map}, {transform_indices = #map1}, {transform_indices = #map1}, {transform_indices = #map1}, {transform_indices = #map1}, {transform_indices = #map}]} {
    %mul3A = arith.constant 2 : i32
    %mul3A_0 = arith.muli %arg1, %mul3A : i32
    %add3A = arith.addi %mul3A_0, %arg0 : i32
    %mul3A_1 = arith.constant 13312 : i32
    %mul3A_2 = arith.muli %add3A, %mul3A_1 : i32
    %iota3A = tpu.iota {dimensions = array<i32: 0>} : vector<16xi32>
    "tpu.region"() ({
      %run_scoped3A = tpu.sem_alloc : memref<!tpu.dma_semaphore, #tpu.memory_space<semaphore_mem>>
      tpu.enqueue_dma source(%arg5 : memref<832xi32, #tpu.memory_space<hbm>>) target(%arg11 : memref<832xi32, #tpu.memory_space<vmem>>) target_semaphore(%run_scoped3A : memref<!tpu.dma_semaphore, #tpu.memory_space<semaphore_mem>>)
      tpu.wait_dma2 semaphore(%run_scoped3A : memref<!tpu.dma_semaphore, #tpu.memory_space<semaphore_mem>>) src(%arg5 : memref<832xi32, #tpu.memory_space<hbm>>) dst(%arg11 : memref<832xi32, #tpu.memory_space<vmem>>)
      tpu.yield
    }) : () -> ()
    "tpu.region"() ({
      %run_scoped3A = tpu.sem_alloc : memref<!tpu.dma_semaphore, #tpu.memory_space<semaphore_mem>>
      tpu.enqueue_dma source(%arg6 : memref<832xi32, #tpu.memory_space<hbm>>) target(%arg12 : memref<832xi32, #tpu.memory_space<vmem>>) target_semaphore(%run_scoped3A : memref<!tpu.dma_semaphore, #tpu.memory_space<semaphore_mem>>)
      tpu.wait_dma2 semaphore(%run_scoped3A : memref<!tpu.dma_semaphore, #tpu.memory_space<semaphore_mem>>) src(%arg6 : memref<832xi32, #tpu.memory_space<hbm>>) dst(%arg12 : memref<832xi32, #tpu.memory_space<vmem>>)
      tpu.yield
    }) : () -> ()
    %scan3A = arith.constant 0 : i32
    %scan3A_3 = arith.constant 0 : i32
    %scan3A_4 = arith.constant 16 : i32
    %scan3A_5 = arith.addi %scan3A_3, %scan3A_4 : i32
    %scan3A_6 = arith.constant 1 : i32
    scf.for %scan3A_8 = %scan3A_3 to %scan3A_5 step %scan3A_6  : i32 {
      %mul3A_9 = arith.constant 832 : i32
      %mul3A_10 = arith.muli %scan3A_8, %mul3A_9 : i32
      %add3A_11 = arith.addi %mul3A_2, %mul3A_10 : i32
      %multiple_of3A = tpu.assume_multiple %add3A_11, 8 : i32
      "tpu.region"() ({
        %run_scoped3A = tpu.sem_alloc : memref<!tpu.dma_semaphore, #tpu.memory_space<semaphore_mem>>
        %dma_start3A_144 = tpu.memref_slice %arg3[%multiple_of3A] : memref<425984xi32, #tpu.memory_space<hbm>> -> memref<832xi32, #tpu.memory_space<hbm>>
        %dma_start3A_145 = tpu.memref_slice %arg3[%multiple_of3A] : memref<425984xi32, #tpu.memory_space<hbm>> -> memref<832xi32, #tpu.memory_space<hbm>>
        tpu.enqueue_dma source(%dma_start3A_145 : memref<832xi32, #tpu.memory_space<hbm>>) target(%arg8 : memref<832xi32, #tpu.memory_space<vmem>>) target_semaphore(%run_scoped3A : memref<!tpu.dma_semaphore, #tpu.memory_space<semaphore_mem>>)
        %dma_wait3A_146 = tpu.memref_slice %arg3[%multiple_of3A] : memref<425984xi32, #tpu.memory_space<hbm>> -> memref<832xi32, #tpu.memory_space<hbm>>
        %dma_wait3A_147 = tpu.memref_slice %arg3[%multiple_of3A] : memref<425984xi32, #tpu.memory_space<hbm>> -> memref<832xi32, #tpu.memory_space<hbm>>
        tpu.wait_dma2 semaphore(%run_scoped3A : memref<!tpu.dma_semaphore, #tpu.memory_space<semaphore_mem>>) src(%dma_wait3A_147 : memref<832xi32, #tpu.memory_space<hbm>>) dst(%arg8 : memref<832xi32, #tpu.memory_space<vmem>>)
        tpu.yield
      }) : () -> ()
      "tpu.region"() ({
        %run_scoped3A = tpu.sem_alloc : memref<!tpu.dma_semaphore, #tpu.memory_space<semaphore_mem>>
        %dma_start3A_144 = tpu.memref_slice %arg4[%multiple_of3A] : memref<425984xi32, #tpu.memory_space<hbm>> -> memref<832xi32, #tpu.memory_space<hbm>>
        %dma_start3A_145 = tpu.memref_slice %arg4[%multiple_of3A] : memref<425984xi32, #tpu.memory_space<hbm>> -> memref<832xi32, #tpu.memory_space<hbm>>
        tpu.enqueue_dma source(%dma_start3A_145 : memref<832xi32, #tpu.memory_space<hbm>>) target(%arg10 : memref<832xi32, #tpu.memory_space<vmem>>) target_semaphore(%run_scoped3A : memref<!tpu.dma_semaphore, #tpu.memory_space<semaphore_mem>>)
        %dma_wait3A_146 = tpu.memref_slice %arg4[%multiple_of3A] : memref<425984xi32, #tpu.memory_space<hbm>> -> memref<832xi32, #tpu.memory_space<hbm>>
        %dma_wait3A_147 = tpu.memref_slice %arg4[%multiple_of3A] : memref<425984xi32, #tpu.memory_space<hbm>> -> memref<832xi32, #tpu.memory_space<hbm>>
        tpu.wait_dma2 semaphore(%run_scoped3A : memref<!tpu.dma_semaphore, #tpu.memory_space<semaphore_mem>>) src(%dma_wait3A_147 : memref<832xi32, #tpu.memory_space<hbm>>) dst(%arg10 : memref<832xi32, #tpu.memory_space<vmem>>)
        tpu.yield
      }) : () -> ()
      %parallel_loop3A = arith.constant 0 : i32
      %parallel_loop3A_12 = arith.constant 52 : i32
      %parallel_loop3A_13 = arith.constant 1 : i32
      scf.for %parallel_loop3A_144 = %parallel_loop3A to %parallel_loop3A_12 step %parallel_loop3A_13  : i32 {
        %parallel_loop3A_145 = arith.constant 16 : i32
        %parallel_loop3A_146 = arith.muli %parallel_loop3A_144, %parallel_loop3A_145 : i32
        %parallel_loop3A_147 = arith.index_cast %parallel_loop3A_146 : i32 to index
        %parallel_loop3A_148 = tpu.vector_load %arg8[%parallel_loop3A_147] {strides = array<i32>} : memref<832xi32, #tpu.memory_space<vmem>>, vector<16xi32>,
        %parallel_loop3A_149 = arith.constant 16 : i32
        %parallel_loop3A_150 = arith.muli %parallel_loop3A_144, %parallel_loop3A_149 : i32
        %parallel_loop3A_151 = arith.index_cast %parallel_loop3A_150 : i32 to index
        %parallel_loop3A_152 = tpu.vector_load %arg10[%parallel_loop3A_151] {strides = array<i32>} : memref<832xi32, #tpu.memory_space<vmem>>, vector<16xi32>,
        %parallel_loop3A_153 = arith.addi %parallel_loop3A_148, %parallel_loop3A_152 : vector<16xi32>
        %parallel_loop3A_154 = arith.constant 3 : i32
        %parallel_loop3A_155 = vector.broadcast %parallel_loop3A_154 : i32 to vector<16xi32>
        %parallel_loop3A_156 = arith.shrui %parallel_loop3A_153, %parallel_loop3A_155 : vector<16xi32>
        %parallel_loop3A_157 = arith.constant 16 : i32
        %parallel_loop3A_158 = arith.muli %parallel_loop3A_144, %parallel_loop3A_157 : i32
        %parallel_loop3A_159 = arith.index_cast %parallel_loop3A_158 : i32 to index
        %parallel_loop3A_160 = tpu.vector_load %arg8[%parallel_loop3A_159] {strides = array<i32>} : memref<832xi32, #tpu.memory_space<vmem>>, vector<16xi32>,
        tpu.vector_store %arg8[%parallel_loop3A_159], %parallel_loop3A_156 {strides = array<i32>} : memref<832xi32, #tpu.memory_space<vmem>>, vector<16xi32>,
        %parallel_loop3A_161 = arith.constant 7 : i32
        %parallel_loop3A_162 = vector.broadcast %parallel_loop3A_161 : i32 to vector<16xi32>
        %parallel_loop3A_163 = arith.andi %parallel_loop3A_153, %parallel_loop3A_162 : vector<16xi32>
        %parallel_loop3A_164 = arith.constant 16 : i32
        %parallel_loop3A_165 = arith.muli %parallel_loop3A_144, %parallel_loop3A_164 : i32
        %parallel_loop3A_166 = arith.index_cast %parallel_loop3A_165 : i32 to index
        %parallel_loop3A_167 = tpu.vector_load %arg9[%parallel_loop3A_166] {strides = array<i32>} : memref<832xi32, #tpu.memory_space<vmem>>, vector<16xi32>,
        tpu.vector_store %arg9[%parallel_loop3A_166], %parallel_loop3A_163 {strides = array<i32>} : memref<832xi32, #tpu.memory_space<vmem>>, vector<16xi32>,
      } {sc.loop_unroll_factor = 4 : i64, sc.parallel_access}
      %dma_start3A = arith.constant 0 : i32
      %dma_start3A_14 = arith.constant 0 : i32
      %dma_start3A_15 = tpu.memref_slice %arg13[%dma_start3A, %dma_start3A_14] : memref<832x128xf32, #tpu.memory_space<vmem>> -> memref<128x128xf32, #tpu.memory_space<vmem>>
      %dma_start3A_16 = arith.constant 0 : i32
      %dma_start3A_17 = tpu.memref_slice %arg8[%dma_start3A_16] : memref<832xi32, #tpu.memory_space<vmem>> -> memref<128xi32, #tpu.memory_space<vmem>>
      %dma_start3A_18 = arith.constant 0 : i32
      %dma_start3A_19 = arith.constant 0 : i32
      %dma_start3A_20 = tpu.memref_slice %arg2[%dma_start3A_18, %dma_start3A_19] : memref<325000x128xf32, #tpu.memory_space<hbm>> -> memref<325000x128xf32, #tpu.memory_space<hbm>>
      tpu.enqueue_indirect_dma source(%dma_start3A_20 : memref<325000x128xf32, #tpu.memory_space<hbm>>) target(%dma_start3A_15 : memref<128x128xf32, #tpu.memory_space<vmem>>) offsets(%dma_start3A_17 : memref<128xi32, #tpu.memory_space<vmem>>) semaphore(%arg15 : memref<!tpu.dma_semaphore, #tpu.memory_space<semaphore_mem>>)
      %dma_start3A_21 = arith.constant 128 : i32
      %dma_start3A_22 = arith.constant 0 : i32
      %dma_start3A_23 = tpu.memref_slice %arg13[%dma_start3A_21, %dma_start3A_22] : memref<832x128xf32, #tpu.memory_space<vmem>> -> memref<128x128xf32, #tpu.memory_space<vmem>>
      %dma_start3A_24 = arith.constant 128 : i32
      %dma_start3A_25 = tpu.memref_slice %arg8[%dma_start3A_24] : memref<832xi32, #tpu.memory_space<vmem>> -> memref<128xi32, #tpu.memory_space<vmem>>
      %dma_start3A_26 = arith.constant 0 : i32
      %dma_start3A_27 = arith.constant 0 : i32
      %dma_start3A_28 = tpu.memref_slice %arg2[%dma_start3A_26, %dma_start3A_27] : memref<325000x128xf32, #tpu.memory_space<hbm>> -> memref<325000x128xf32, #tpu.memory_space<hbm>>
      tpu.enqueue_indirect_dma source(%dma_start3A_28 : memref<325000x128xf32, #tpu.memory_space<hbm>>) target(%dma_start3A_23 : memref<128x128xf32, #tpu.memory_space<vmem>>) offsets(%dma_start3A_25 : memref<128xi32, #tpu.memory_space<vmem>>) semaphore(%arg15 : memref<!tpu.dma_semaphore, #tpu.memory_space<semaphore_mem>>)
      %dma_start3A_29 = arith.constant 256 : i32
      %dma_start3A_30 = arith.constant 0 : i32
      %dma_start3A_31 = tpu.memref_slice %arg13[%dma_start3A_29, %dma_start3A_30] : memref<832x128xf32, #tpu.memory_space<vmem>> -> memref<128x128xf32, #tpu.memory_space<vmem>>
      %dma_start3A_32 = arith.constant 256 : i32
      %dma_start3A_33 = tpu.memref_slice %arg8[%dma_start3A_32] : memref<832xi32, #tpu.memory_space<vmem>> -> memref<128xi32, #tpu.memory_space<vmem>>
      %dma_start3A_34 = arith.constant 0 : i32
      %dma_start3A_35 = arith.constant 0 : i32
      %dma_start3A_36 = tpu.memref_slice %arg2[%dma_start3A_34, %dma_start3A_35] : memref<325000x128xf32, #tpu.memory_space<hbm>> -> memref<325000x128xf32, #tpu.memory_space<hbm>>
      tpu.enqueue_indirect_dma source(%dma_start3A_36 : memref<325000x128xf32, #tpu.memory_space<hbm>>) target(%dma_start3A_31 : memref<128x128xf32, #tpu.memory_space<vmem>>) offsets(%dma_start3A_33 : memref<128xi32, #tpu.memory_space<vmem>>) semaphore(%arg15 : memref<!tpu.dma_semaphore, #tpu.memory_space<semaphore_mem>>)
      %dma_start3A_37 = arith.constant 384 : i32
      %dma_start3A_38 = arith.constant 0 : i32
      %dma_start3A_39 = tpu.memref_slice %arg13[%dma_start3A_37, %dma_start3A_38] : memref<832x128xf32, #tpu.memory_space<vmem>> -> memref<128x128xf32, #tpu.memory_space<vmem>>
      %dma_start3A_40 = arith.constant 384 : i32
      %dma_start3A_41 = tpu.memref_slice %arg8[%dma_start3A_40] : memref<832xi32, #tpu.memory_space<vmem>> -> memref<128xi32, #tpu.memory_space<vmem>>
      %dma_start3A_42 = arith.constant 0 : i32
      %dma_start3A_43 = arith.constant 0 : i32
      %dma_start3A_44 = tpu.memref_slice %arg2[%dma_start3A_42, %dma_start3A_43] : memref<325000x128xf32, #tpu.memory_space<hbm>> -> memref<325000x128xf32, #tpu.memory_space<hbm>>
      tpu.enqueue_indirect_dma source(%dma_start3A_44 : memref<325000x128xf32, #tpu.memory_space<hbm>>) target(%dma_start3A_39 : memref<128x128xf32, #tpu.memory_space<vmem>>) offsets(%dma_start3A_41 : memref<128xi32, #tpu.memory_space<vmem>>) semaphore(%arg15 : memref<!tpu.dma_semaphore, #tpu.memory_space<semaphore_mem>>)
      %dma_start3A_45 = arith.constant 512 : i32
      %dma_start3A_46 = arith.constant 0 : i32
      %dma_start3A_47 = tpu.memref_slice %arg13[%dma_start3A_45, %dma_start3A_46] : memref<832x128xf32, #tpu.memory_space<vmem>> -> memref<128x128xf32, #tpu.memory_space<vmem>>
      %dma_start3A_48 = arith.constant 512 : i32
      %dma_start3A_49 = tpu.memref_slice %arg8[%dma_start3A_48] : memref<832xi32, #tpu.memory_space<vmem>> -> memref<128xi32, #tpu.memory_space<vmem>>
      %dma_start3A_50 = arith.constant 0 : i32
      %dma_start3A_51 = arith.constant 0 : i32
      %dma_start3A_52 = tpu.memref_slice %arg2[%dma_start3A_50, %dma_start3A_51] : memref<325000x128xf32, #tpu.memory_space<hbm>> -> memref<325000x128xf32, #tpu.memory_space<hbm>>
      tpu.enqueue_indirect_dma source(%dma_start3A_52 : memref<325000x128xf32, #tpu.memory_space<hbm>>) target(%dma_start3A_47 : memref<128x128xf32, #tpu.memory_space<vmem>>) offsets(%dma_start3A_49 : memref<128xi32, #tpu.memory_space<vmem>>) semaphore(%arg15 : memref<!tpu.dma_semaphore, #tpu.memory_space<semaphore_mem>>)
      %dma_start3A_53 = arith.constant 640 : i32
      %dma_start3A_54 = arith.constant 0 : i32
      %dma_start3A_55 = tpu.memref_slice %arg13[%dma_start3A_53, %dma_start3A_54] : memref<832x128xf32, #tpu.memory_space<vmem>> -> memref<128x128xf32, #tpu.memory_space<vmem>>
      %dma_start3A_56 = arith.constant 640 : i32
      %dma_start3A_57 = tpu.memref_slice %arg8[%dma_start3A_56] : memref<832xi32, #tpu.memory_space<vmem>> -> memref<128xi32, #tpu.memory_space<vmem>>
      %dma_start3A_58 = arith.constant 0 : i32
      %dma_start3A_59 = arith.constant 0 : i32
      %dma_start3A_60 = tpu.memref_slice %arg2[%dma_start3A_58, %dma_start3A_59] : memref<325000x128xf32, #tpu.memory_space<hbm>> -> memref<325000x128xf32, #tpu.memory_space<hbm>>
      tpu.enqueue_indirect_dma source(%dma_start3A_60 : memref<325000x128xf32, #tpu.memory_space<hbm>>) target(%dma_start3A_55 : memref<128x128xf32, #tpu.memory_space<vmem>>) offsets(%dma_start3A_57 : memref<128xi32, #tpu.memory_space<vmem>>) semaphore(%arg15 : memref<!tpu.dma_semaphore, #tpu.memory_space<semaphore_mem>>)
      %dma_start3A_61 = arith.constant 768 : i32
      %dma_start3A_62 = arith.constant 0 : i32
      %dma_start3A_63 = tpu.memref_slice %arg13[%dma_start3A_61, %dma_start3A_62] : memref<832x128xf32, #tpu.memory_space<vmem>> -> memref<64x128xf32, #tpu.memory_space<vmem>>
      %dma_start3A_64 = arith.constant 768 : i32
      %dma_start3A_65 = tpu.memref_slice %arg8[%dma_start3A_64] : memref<832xi32, #tpu.memory_space<vmem>> -> memref<64xi32, #tpu.memory_space<vmem>>
      %dma_start3A_66 = arith.constant 0 : i32
      %dma_start3A_67 = arith.constant 0 : i32
      %dma_start3A_68 = tpu.memref_slice %arg2[%dma_start3A_66, %dma_start3A_67] : memref<325000x128xf32, #tpu.memory_space<hbm>> -> memref<325000x128xf32, #tpu.memory_space<hbm>>
      tpu.enqueue_indirect_dma source(%dma_start3A_68 : memref<325000x128xf32, #tpu.memory_space<hbm>>) target(%dma_start3A_63 : memref<64x128xf32, #tpu.memory_space<vmem>>) offsets(%dma_start3A_65 : memref<64xi32, #tpu.memory_space<vmem>>) semaphore(%arg15 : memref<!tpu.dma_semaphore, #tpu.memory_space<semaphore_mem>>)
      %dma_wait3A = arith.constant 0 : i32
      %dma_wait3A_69 = arith.constant 0 : i32
      %dma_wait3A_70 = tpu.memref_slice %arg13[%dma_wait3A, %dma_wait3A_69] : memref<832x128xf32, #tpu.memory_space<vmem>> -> memref<128x128xf32, #tpu.memory_space<vmem>>
      %dma_wait3A_71 = arith.constant 0 : i32
      %dma_wait3A_72 = tpu.memref_slice %arg8[%dma_wait3A_71] : memref<832xi32, #tpu.memory_space<vmem>> -> memref<128xi32, #tpu.memory_space<vmem>>
      %dma_wait3A_73 = arith.constant 0 : i32
      %dma_wait3A_74 = arith.constant 0 : i32
      %dma_wait3A_75 = tpu.memref_slice %arg2[%dma_wait3A_73, %dma_wait3A_74] : memref<325000x128xf32, #tpu.memory_space<hbm>> -> memref<325000x128xf32, #tpu.memory_space<hbm>>
      tpu.wait_indirect_dma semaphore(%arg15 : memref<!tpu.dma_semaphore, #tpu.memory_space<semaphore_mem>>) src(%dma_wait3A_75 : memref<325000x128xf32, #tpu.memory_space<hbm>>) dst(%dma_wait3A_70 : memref<128x128xf32, #tpu.memory_space<vmem>>)
      %dma_wait3A_76 = arith.constant 128 : i32
      %dma_wait3A_77 = arith.constant 0 : i32
      %dma_wait3A_78 = tpu.memref_slice %arg13[%dma_wait3A_76, %dma_wait3A_77] : memref<832x128xf32, #tpu.memory_space<vmem>> -> memref<128x128xf32, #tpu.memory_space<vmem>>
      %dma_wait3A_79 = arith.constant 128 : i32
      %dma_wait3A_80 = tpu.memref_slice %arg8[%dma_wait3A_79] : memref<832xi32, #tpu.memory_space<vmem>> -> memref<128xi32, #tpu.memory_space<vmem>>
      %dma_wait3A_81 = arith.constant 0 : i32
      %dma_wait3A_82 = arith.constant 0 : i32
      %dma_wait3A_83 = tpu.memref_slice %arg2[%dma_wait3A_81, %dma_wait3A_82] : memref<325000x128xf32, #tpu.memory_space<hbm>> -> memref<325000x128xf32, #tpu.memory_space<hbm>>
      tpu.wait_indirect_dma semaphore(%arg15 : memref<!tpu.dma_semaphore, #tpu.memory_space<semaphore_mem>>) src(%dma_wait3A_83 : memref<325000x128xf32, #tpu.memory_space<hbm>>) dst(%dma_wait3A_78 : memref<128x128xf32, #tpu.memory_space<vmem>>)
      %dma_wait3A_84 = arith.constant 256 : i32
      %dma_wait3A_85 = arith.constant 0 : i32
      %dma_wait3A_86 = tpu.memref_slice %arg13[%dma_wait3A_84, %dma_wait3A_85] : memref<832x128xf32, #tpu.memory_space<vmem>> -> memref<128x128xf32, #tpu.memory_space<vmem>>
      %dma_wait3A_87 = arith.constant 256 : i32
      %dma_wait3A_88 = tpu.memref_slice %arg8[%dma_wait3A_87] : memref<832xi32, #tpu.memory_space<vmem>> -> memref<128xi32, #tpu.memory_space<vmem>>
      %dma_wait3A_89 = arith.constant 0 : i32
      %dma_wait3A_90 = arith.constant 0 : i32
      %dma_wait3A_91 = tpu.memref_slice %arg2[%dma_wait3A_89, %dma_wait3A_90] : memref<325000x128xf32, #tpu.memory_space<hbm>> -> memref<325000x128xf32, #tpu.memory_space<hbm>>
      tpu.wait_indirect_dma semaphore(%arg15 : memref<!tpu.dma_semaphore, #tpu.memory_space<semaphore_mem>>) src(%dma_wait3A_91 : memref<325000x128xf32, #tpu.memory_space<hbm>>) dst(%dma_wait3A_86 : memref<128x128xf32, #tpu.memory_space<vmem>>)
      %dma_wait3A_92 = arith.constant 384 : i32
      %dma_wait3A_93 = arith.constant 0 : i32
      %dma_wait3A_94 = tpu.memref_slice %arg13[%dma_wait3A_92, %dma_wait3A_93] : memref<832x128xf32, #tpu.memory_space<vmem>> -> memref<128x128xf32, #tpu.memory_space<vmem>>
      %dma_wait3A_95 = arith.constant 384 : i32
      %dma_wait3A_96 = tpu.memref_slice %arg8[%dma_wait3A_95] : memref<832xi32, #tpu.memory_space<vmem>> -> memref<128xi32, #tpu.memory_space<vmem>>
      %dma_wait3A_97 = arith.constant 0 : i32
      %dma_wait3A_98 = arith.constant 0 : i32
      %dma_wait3A_99 = tpu.memref_slice %arg2[%dma_wait3A_97, %dma_wait3A_98] : memref<325000x128xf32, #tpu.memory_space<hbm>> -> memref<325000x128xf32, #tpu.memory_space<hbm>>
      tpu.wait_indirect_dma semaphore(%arg15 : memref<!tpu.dma_semaphore, #tpu.memory_space<semaphore_mem>>) src(%dma_wait3A_99 : memref<325000x128xf32, #tpu.memory_space<hbm>>) dst(%dma_wait3A_94 : memref<128x128xf32, #tpu.memory_space<vmem>>)
      %dma_wait3A_100 = arith.constant 512 : i32
      %dma_wait3A_101 = arith.constant 0 : i32
      %dma_wait3A_102 = tpu.memref_slice %arg13[%dma_wait3A_100, %dma_wait3A_101] : memref<832x128xf32, #tpu.memory_space<vmem>> -> memref<128x128xf32, #tpu.memory_space<vmem>>
      %dma_wait3A_103 = arith.constant 512 : i32
      %dma_wait3A_104 = tpu.memref_slice %arg8[%dma_wait3A_103] : memref<832xi32, #tpu.memory_space<vmem>> -> memref<128xi32, #tpu.memory_space<vmem>>
      %dma_wait3A_105 = arith.constant 0 : i32
      %dma_wait3A_106 = arith.constant 0 : i32
      %dma_wait3A_107 = tpu.memref_slice %arg2[%dma_wait3A_105, %dma_wait3A_106] : memref<325000x128xf32, #tpu.memory_space<hbm>> -> memref<325000x128xf32, #tpu.memory_space<hbm>>
      tpu.wait_indirect_dma semaphore(%arg15 : memref<!tpu.dma_semaphore, #tpu.memory_space<semaphore_mem>>) src(%dma_wait3A_107 : memref<325000x128xf32, #tpu.memory_space<hbm>>) dst(%dma_wait3A_102 : memref<128x128xf32, #tpu.memory_space<vmem>>)
      %dma_wait3A_108 = arith.constant 640 : i32
      %dma_wait3A_109 = arith.constant 0 : i32
      %dma_wait3A_110 = tpu.memref_slice %arg13[%dma_wait3A_108, %dma_wait3A_109] : memref<832x128xf32, #tpu.memory_space<vmem>> -> memref<128x128xf32, #tpu.memory_space<vmem>>
      %dma_wait3A_111 = arith.constant 640 : i32
      %dma_wait3A_112 = tpu.memref_slice %arg8[%dma_wait3A_111] : memref<832xi32, #tpu.memory_space<vmem>> -> memref<128xi32, #tpu.memory_space<vmem>>
      %dma_wait3A_113 = arith.constant 0 : i32
      %dma_wait3A_114 = arith.constant 0 : i32
      %dma_wait3A_115 = tpu.memref_slice %arg2[%dma_wait3A_113, %dma_wait3A_114] : memref<325000x128xf32, #tpu.memory_space<hbm>> -> memref<325000x128xf32, #tpu.memory_space<hbm>>
      tpu.wait_indirect_dma semaphore(%arg15 : memref<!tpu.dma_semaphore, #tpu.memory_space<semaphore_mem>>) src(%dma_wait3A_115 : memref<325000x128xf32, #tpu.memory_space<hbm>>) dst(%dma_wait3A_110 : memref<128x128xf32, #tpu.memory_space<vmem>>)
      %dma_wait3A_116 = arith.constant 768 : i32
      %dma_wait3A_117 = arith.constant 0 : i32
      %dma_wait3A_118 = tpu.memref_slice %arg13[%dma_wait3A_116, %dma_wait3A_117] : memref<832x128xf32, #tpu.memory_space<vmem>> -> memref<64x128xf32, #tpu.memory_space<vmem>>
      %dma_wait3A_119 = arith.constant 768 : i32
      %dma_wait3A_120 = tpu.memref_slice %arg8[%dma_wait3A_119] : memref<832xi32, #tpu.memory_space<vmem>> -> memref<64xi32, #tpu.memory_space<vmem>>
      %dma_wait3A_121 = arith.constant 0 : i32
      %dma_wait3A_122 = arith.constant 0 : i32
      %dma_wait3A_123 = tpu.memref_slice %arg2[%dma_wait3A_121, %dma_wait3A_122] : memref<325000x128xf32, #tpu.memory_space<hbm>> -> memref<325000x128xf32, #tpu.memory_space<hbm>>
      tpu.wait_indirect_dma semaphore(%arg15 : memref<!tpu.dma_semaphore, #tpu.memory_space<semaphore_mem>>) src(%dma_wait3A_123 : memref<325000x128xf32, #tpu.memory_space<hbm>>) dst(%dma_wait3A_118 : memref<64x128xf32, #tpu.memory_space<vmem>>)
      %parallel_loop3A_124 = arith.constant 0 : i32
      %parallel_loop3A_125 = arith.constant 52 : i32
      %parallel_loop3A_126 = arith.constant 1 : i32
      scf.for %parallel_loop3A_144 = %parallel_loop3A_124 to %parallel_loop3A_125 step %parallel_loop3A_126  : i32 {
        %parallel_loop3A_145 = arith.constant 16 : i32
        %parallel_loop3A_146 = arith.muli %parallel_loop3A_144, %parallel_loop3A_145 : i32
        %parallel_loop3A_147 = vector.broadcast %parallel_loop3A_146 : i32 to vector<16xi32>
        %parallel_loop3A_148 = arith.addi %parallel_loop3A_147, %iota3A : vector<16xi32>
        %parallel_loop3A_149 = arith.index_cast %parallel_loop3A_146 : i32 to index
        %parallel_loop3A_150 = tpu.vector_load %arg9[%parallel_loop3A_149] {strides = array<i32>} : memref<832xi32, #tpu.memory_space<vmem>>, vector<16xi32>,
        %parallel_loop3A_151 = arith.index_cast %parallel_loop3A_146 : i32 to index
        %parallel_loop3A_152 = tpu.vector_load %arg11[%parallel_loop3A_151] {strides = array<i32>} : memref<832xi32, #tpu.memory_space<vmem>>, vector<16xi32>,
        %parallel_loop3A_153 = arith.index_cast %parallel_loop3A_146 : i32 to index
        %parallel_loop3A_154 = tpu.vector_load %arg12[%parallel_loop3A_153] {strides = array<i32>} : memref<832xi32, #tpu.memory_space<vmem>>, vector<16xi32>,
        %parallel_loop3A_155 = arith.constant 4 : i32
        %parallel_loop3A_156 = vector.broadcast %parallel_loop3A_155 : i32 to vector<16xi32>
        %parallel_loop3A_157 = arith.shli %parallel_loop3A_150, %parallel_loop3A_156 : vector<16xi32>
        %parallel_loop3A_158 = arith.constant 0 : i32
        %parallel_loop3A_159 = vector.broadcast %parallel_loop3A_158 : i32 to vector<16xi32>
        %parallel_loop3A_160 = arith.addi %parallel_loop3A_157, %parallel_loop3A_159 : vector<16xi32>
        %parallel_loop3A_161 = tpu.vector_load_idx %arg13[%parallel_loop3A_148, %parallel_loop3A_160] : memref<832x128xf32, #tpu.memory_space<vmem>>[vector<16xi32>, vector<16xi32>], vector<16xf32>,
        %parallel_loop3A_162 = arith.constant 0 : i32
        %parallel_loop3A_163 = vector.broadcast %parallel_loop3A_162 : i32 to vector<16xi32>
        %parallel_loop3A_164 = arith.addi %parallel_loop3A_154, %parallel_loop3A_163 : vector<16xi32>
        tpu.vector_store_idx %arg14[%parallel_loop3A_152, %parallel_loop3A_164], %parallel_loop3A_161 : memref<32x512xf32, #tpu.memory_space<vmem>>[vector<16xi32>, vector<16xi32>], vector<16xf32>,
        %parallel_loop3A_165 = arith.constant 1 : i32
        %parallel_loop3A_166 = vector.broadcast %parallel_loop3A_165 : i32 to vector<16xi32>
        %parallel_loop3A_167 = arith.addi %parallel_loop3A_157, %parallel_loop3A_166 : vector<16xi32>
        %parallel_loop3A_168 = tpu.vector_load_idx %arg13[%parallel_loop3A_148, %parallel_loop3A_167] : memref<832x128xf32, #tpu.memory_space<vmem>>[vector<16xi32>, vector<16xi32>], vector<16xf32>,
        %parallel_loop3A_169 = arith.constant 1 : i32
        %parallel_loop3A_170 = vector.broadcast %parallel_loop3A_169 : i32 to vector<16xi32>
        %parallel_loop3A_171 = arith.addi %parallel_loop3A_154, %parallel_loop3A_170 : vector<16xi32>
        tpu.vector_store_idx %arg14[%parallel_loop3A_152, %parallel_loop3A_171], %parallel_loop3A_168 : memref<32x512xf32, #tpu.memory_space<vmem>>[vector<16xi32>, vector<16xi32>], vector<16xf32>,
        %parallel_loop3A_172 = arith.constant 2 : i32
        %parallel_loop3A_173 = vector.broadcast %parallel_loop3A_172 : i32 to vector<16xi32>
        %parallel_loop3A_174 = arith.addi %parallel_loop3A_157, %parallel_loop3A_173 : vector<16xi32>
        %parallel_loop3A_175 = tpu.vector_load_idx %arg13[%parallel_loop3A_148, %parallel_loop3A_174] : memref<832x128xf32, #tpu.memory_space<vmem>>[vector<16xi32>, vector<16xi32>], vector<16xf32>,
        %parallel_loop3A_176 = arith.constant 2 : i32
        %parallel_loop3A_177 = vector.broadcast %parallel_loop3A_176 : i32 to vector<16xi32>
        %parallel_loop3A_178 = arith.addi %parallel_loop3A_154, %parallel_loop3A_177 : vector<16xi32>
        tpu.vector_store_idx %arg14[%parallel_loop3A_152, %parallel_loop3A_178], %parallel_loop3A_175 : memref<32x512xf32, #tpu.memory_space<vmem>>[vector<16xi32>, vector<16xi32>], vector<16xf32>,
        %parallel_loop3A_179 = arith.constant 3 : i32
        %parallel_loop3A_180 = vector.broadcast %parallel_loop3A_179 : i32 to vector<16xi32>
        %parallel_loop3A_181 = arith.addi %parallel_loop3A_157, %parallel_loop3A_180 : vector<16xi32>
        %parallel_loop3A_182 = tpu.vector_load_idx %arg13[%parallel_loop3A_148, %parallel_loop3A_181] : memref<832x128xf32, #tpu.memory_space<vmem>>[vector<16xi32>, vector<16xi32>], vector<16xf32>,
        %parallel_loop3A_183 = arith.constant 3 : i32
        %parallel_loop3A_184 = vector.broadcast %parallel_loop3A_183 : i32 to vector<16xi32>
        %parallel_loop3A_185 = arith.addi %parallel_loop3A_154, %parallel_loop3A_184 : vector<16xi32>
        tpu.vector_store_idx %arg14[%parallel_loop3A_152, %parallel_loop3A_185], %parallel_loop3A_182 : memref<32x512xf32, #tpu.memory_space<vmem>>[vector<16xi32>, vector<16xi32>], vector<16xf32>,
        %parallel_loop3A_186 = arith.constant 4 : i32
        %parallel_loop3A_187 = vector.broadcast %parallel_loop3A_186 : i32 to vector<16xi32>
        %parallel_loop3A_188 = arith.addi %parallel_loop3A_157, %parallel_loop3A_187 : vector<16xi32>
        %parallel_loop3A_189 = tpu.vector_load_idx %arg13[%parallel_loop3A_148, %parallel_loop3A_188] : memref<832x128xf32, #tpu.memory_space<vmem>>[vector<16xi32>, vector<16xi32>], vector<16xf32>,
        %parallel_loop3A_190 = arith.constant 4 : i32
        %parallel_loop3A_191 = vector.broadcast %parallel_loop3A_190 : i32 to vector<16xi32>
        %parallel_loop3A_192 = arith.addi %parallel_loop3A_154, %parallel_loop3A_191 : vector<16xi32>
        tpu.vector_store_idx %arg14[%parallel_loop3A_152, %parallel_loop3A_192], %parallel_loop3A_189 : memref<32x512xf32, #tpu.memory_space<vmem>>[vector<16xi32>, vector<16xi32>], vector<16xf32>,
        %parallel_loop3A_193 = arith.constant 5 : i32
        %parallel_loop3A_194 = vector.broadcast %parallel_loop3A_193 : i32 to vector<16xi32>
        %parallel_loop3A_195 = arith.addi %parallel_loop3A_157, %parallel_loop3A_194 : vector<16xi32>
        %parallel_loop3A_196 = tpu.vector_load_idx %arg13[%parallel_loop3A_148, %parallel_loop3A_195] : memref<832x128xf32, #tpu.memory_space<vmem>>[vector<16xi32>, vector<16xi32>], vector<16xf32>,
        %parallel_loop3A_197 = arith.constant 5 : i32
        %parallel_loop3A_198 = vector.broadcast %parallel_loop3A_197 : i32 to vector<16xi32>
        %parallel_loop3A_199 = arith.addi %parallel_loop3A_154, %parallel_loop3A_198 : vector<16xi32>
        tpu.vector_store_idx %arg14[%parallel_loop3A_152, %parallel_loop3A_199], %parallel_loop3A_196 : memref<32x512xf32, #tpu.memory_space<vmem>>[vector<16xi32>, vector<16xi32>], vector<16xf32>,
        %parallel_loop3A_200 = arith.constant 6 : i32
        %parallel_loop3A_201 = vector.broadcast %parallel_loop3A_200 : i32 to vector<16xi32>
        %parallel_loop3A_202 = arith.addi %parallel_loop3A_157, %parallel_loop3A_201 : vector<16xi32>
        %parallel_loop3A_203 = tpu.vector_load_idx %arg13[%parallel_loop3A_148, %parallel_loop3A_202] : memref<832x128xf32, #tpu.memory_space<vmem>>[vector<16xi32>, vector<16xi32>], vector<16xf32>,
        %parallel_loop3A_204 = arith.constant 6 : i32
        %parallel_loop3A_205 = vector.broadcast %parallel_loop3A_204 : i32 to vector<16xi32>
        %parallel_loop3A_206 = arith.addi %parallel_loop3A_154, %parallel_loop3A_205 : vector<16xi32>
        tpu.vector_store_idx %arg14[%parallel_loop3A_152, %parallel_loop3A_206], %parallel_loop3A_203 : memref<32x512xf32, #tpu.memory_space<vmem>>[vector<16xi32>, vector<16xi32>], vector<16xf32>,
        %parallel_loop3A_207 = arith.constant 7 : i32
        %parallel_loop3A_208 = vector.broadcast %parallel_loop3A_207 : i32 to vector<16xi32>
        %parallel_loop3A_209 = arith.addi %parallel_loop3A_157, %parallel_loop3A_208 : vector<16xi32>
        %parallel_loop3A_210 = tpu.vector_load_idx %arg13[%parallel_loop3A_148, %parallel_loop3A_209] : memref<832x128xf32, #tpu.memory_space<vmem>>[vector<16xi32>, vector<16xi32>], vector<16xf32>,
        %parallel_loop3A_211 = arith.constant 7 : i32
        %parallel_loop3A_212 = vector.broadcast %parallel_loop3A_211 : i32 to vector<16xi32>
        %parallel_loop3A_213 = arith.addi %parallel_loop3A_154, %parallel_loop3A_212 : vector<16xi32>
        tpu.vector_store_idx %arg14[%parallel_loop3A_152, %parallel_loop3A_213], %parallel_loop3A_210 : memref<32x512xf32, #tpu.memory_space<vmem>>[vector<16xi32>, vector<16xi32>], vector<16xf32>,
        %parallel_loop3A_214 = arith.constant 8 : i32
        %parallel_loop3A_215 = vector.broadcast %parallel_loop3A_214 : i32 to vector<16xi32>
        %parallel_loop3A_216 = arith.addi %parallel_loop3A_157, %parallel_loop3A_215 : vector<16xi32>
        %parallel_loop3A_217 = tpu.vector_load_idx %arg13[%parallel_loop3A_148, %parallel_loop3A_216] : memref<832x128xf32, #tpu.memory_space<vmem>>[vector<16xi32>, vector<16xi32>], vector<16xf32>,
        %parallel_loop3A_218 = arith.constant 8 : i32
        %parallel_loop3A_219 = vector.broadcast %parallel_loop3A_218 : i32 to vector<16xi32>
        %parallel_loop3A_220 = arith.addi %parallel_loop3A_154, %parallel_loop3A_219 : vector<16xi32>
        tpu.vector_store_idx %arg14[%parallel_loop3A_152, %parallel_loop3A_220], %parallel_loop3A_217 : memref<32x512xf32, #tpu.memory_space<vmem>>[vector<16xi32>, vector<16xi32>], vector<16xf32>,
        %parallel_loop3A_221 = arith.constant 9 : i32
        %parallel_loop3A_222 = vector.broadcast %parallel_loop3A_221 : i32 to vector<16xi32>
        %parallel_loop3A_223 = arith.addi %parallel_loop3A_157, %parallel_loop3A_222 : vector<16xi32>
        %parallel_loop3A_224 = tpu.vector_load_idx %arg13[%parallel_loop3A_148, %parallel_loop3A_223] : memref<832x128xf32, #tpu.memory_space<vmem>>[vector<16xi32>, vector<16xi32>], vector<16xf32>,
        %parallel_loop3A_225 = arith.constant 9 : i32
        %parallel_loop3A_226 = vector.broadcast %parallel_loop3A_225 : i32 to vector<16xi32>
        %parallel_loop3A_227 = arith.addi %parallel_loop3A_154, %parallel_loop3A_226 : vector<16xi32>
        tpu.vector_store_idx %arg14[%parallel_loop3A_152, %parallel_loop3A_227], %parallel_loop3A_224 : memref<32x512xf32, #tpu.memory_space<vmem>>[vector<16xi32>, vector<16xi32>], vector<16xf32>,
        %parallel_loop3A_228 = arith.constant 10 : i32
        %parallel_loop3A_229 = vector.broadcast %parallel_loop3A_228 : i32 to vector<16xi32>
        %parallel_loop3A_230 = arith.addi %parallel_loop3A_157, %parallel_loop3A_229 : vector<16xi32>
        %parallel_loop3A_231 = tpu.vector_load_idx %arg13[%parallel_loop3A_148, %parallel_loop3A_230] : memref<832x128xf32, #tpu.memory_space<vmem>>[vector<16xi32>, vector<16xi32>], vector<16xf32>,
        %parallel_loop3A_232 = arith.constant 10 : i32
        %parallel_loop3A_233 = vector.broadcast %parallel_loop3A_232 : i32 to vector<16xi32>
        %parallel_loop3A_234 = arith.addi %parallel_loop3A_154, %parallel_loop3A_233 : vector<16xi32>
        tpu.vector_store_idx %arg14[%parallel_loop3A_152, %parallel_loop3A_234], %parallel_loop3A_231 : memref<32x512xf32, #tpu.memory_space<vmem>>[vector<16xi32>, vector<16xi32>], vector<16xf32>,
        %parallel_loop3A_235 = arith.constant 11 : i32
        %parallel_loop3A_236 = vector.broadcast %parallel_loop3A_235 : i32 to vector<16xi32>
        %parallel_loop3A_237 = arith.addi %parallel_loop3A_157, %parallel_loop3A_236 : vector<16xi32>
        %parallel_loop3A_238 = tpu.vector_load_idx %arg13[%parallel_loop3A_148, %parallel_loop3A_237] : memref<832x128xf32, #tpu.memory_space<vmem>>[vector<16xi32>, vector<16xi32>], vector<16xf32>,
        %parallel_loop3A_239 = arith.constant 11 : i32
        %parallel_loop3A_240 = vector.broadcast %parallel_loop3A_239 : i32 to vector<16xi32>
        %parallel_loop3A_241 = arith.addi %parallel_loop3A_154, %parallel_loop3A_240 : vector<16xi32>
        tpu.vector_store_idx %arg14[%parallel_loop3A_152, %parallel_loop3A_241], %parallel_loop3A_238 : memref<32x512xf32, #tpu.memory_space<vmem>>[vector<16xi32>, vector<16xi32>], vector<16xf32>,
        %parallel_loop3A_242 = arith.constant 12 : i32
        %parallel_loop3A_243 = vector.broadcast %parallel_loop3A_242 : i32 to vector<16xi32>
        %parallel_loop3A_244 = arith.addi %parallel_loop3A_157, %parallel_loop3A_243 : vector<16xi32>
        %parallel_loop3A_245 = tpu.vector_load_idx %arg13[%parallel_loop3A_148, %parallel_loop3A_244] : memref<832x128xf32, #tpu.memory_space<vmem>>[vector<16xi32>, vector<16xi32>], vector<16xf32>,
        %parallel_loop3A_246 = arith.constant 12 : i32
        %parallel_loop3A_247 = vector.broadcast %parallel_loop3A_246 : i32 to vector<16xi32>
        %parallel_loop3A_248 = arith.addi %parallel_loop3A_154, %parallel_loop3A_247 : vector<16xi32>
        tpu.vector_store_idx %arg14[%parallel_loop3A_152, %parallel_loop3A_248], %parallel_loop3A_245 : memref<32x512xf32, #tpu.memory_space<vmem>>[vector<16xi32>, vector<16xi32>], vector<16xf32>,
        %parallel_loop3A_249 = arith.constant 13 : i32
        %parallel_loop3A_250 = vector.broadcast %parallel_loop3A_249 : i32 to vector<16xi32>
        %parallel_loop3A_251 = arith.addi %parallel_loop3A_157, %parallel_loop3A_250 : vector<16xi32>
        %parallel_loop3A_252 = tpu.vector_load_idx %arg13[%parallel_loop3A_148, %parallel_loop3A_251] : memref<832x128xf32, #tpu.memory_space<vmem>>[vector<16xi32>, vector<16xi32>], vector<16xf32>,
        %parallel_loop3A_253 = arith.constant 13 : i32
        %parallel_loop3A_254 = vector.broadcast %parallel_loop3A_253 : i32 to vector<16xi32>
        %parallel_loop3A_255 = arith.addi %parallel_loop3A_154, %parallel_loop3A_254 : vector<16xi32>
        tpu.vector_store_idx %arg14[%parallel_loop3A_152, %parallel_loop3A_255], %parallel_loop3A_252 : memref<32x512xf32, #tpu.memory_space<vmem>>[vector<16xi32>, vector<16xi32>], vector<16xf32>,
        %parallel_loop3A_256 = arith.constant 14 : i32
        %parallel_loop3A_257 = vector.broadcast %parallel_loop3A_256 : i32 to vector<16xi32>
        %parallel_loop3A_258 = arith.addi %parallel_loop3A_157, %parallel_loop3A_257 : vector<16xi32>
        %parallel_loop3A_259 = tpu.vector_load_idx %arg13[%parallel_loop3A_148, %parallel_loop3A_258] : memref<832x128xf32, #tpu.memory_space<vmem>>[vector<16xi32>, vector<16xi32>], vector<16xf32>,
        %parallel_loop3A_260 = arith.constant 14 : i32
        %parallel_loop3A_261 = vector.broadcast %parallel_loop3A_260 : i32 to vector<16xi32>
        %parallel_loop3A_262 = arith.addi %parallel_loop3A_154, %parallel_loop3A_261 : vector<16xi32>
        tpu.vector_store_idx %arg14[%parallel_loop3A_152, %parallel_loop3A_262], %parallel_loop3A_259 : memref<32x512xf32, #tpu.memory_space<vmem>>[vector<16xi32>, vector<16xi32>], vector<16xf32>,
        %parallel_loop3A_263 = arith.constant 15 : i32
        %parallel_loop3A_264 = vector.broadcast %parallel_loop3A_263 : i32 to vector<16xi32>
        %parallel_loop3A_265 = arith.addi %parallel_loop3A_157, %parallel_loop3A_264 : vector<16xi32>
        %parallel_loop3A_266 = tpu.vector_load_idx %arg13[%parallel_loop3A_148, %parallel_loop3A_265] : memref<832x128xf32, #tpu.memory_space<vmem>>[vector<16xi32>, vector<16xi32>], vector<16xf32>,
        %parallel_loop3A_267 = arith.constant 15 : i32
        %parallel_loop3A_268 = vector.broadcast %parallel_loop3A_267 : i32 to vector<16xi32>
        %parallel_loop3A_269 = arith.addi %parallel_loop3A_154, %parallel_loop3A_268 : vector<16xi32>
        tpu.vector_store_idx %arg14[%parallel_loop3A_152, %parallel_loop3A_269], %parallel_loop3A_266 : memref<32x512xf32, #tpu.memory_space<vmem>>[vector<16xi32>, vector<16xi32>], vector<16xf32>,
      } {sc.loop_unroll_factor = 1 : i64, sc.parallel_access}
      %jit3A = arith.constant 26 : i32
      %div3A = arith.divsi %multiple_of3A, %jit3A : i32
      %sign3A = arith.constant 0 : i32
      %sign3A_127 = arith.cmpi sgt, %multiple_of3A, %sign3A : i32
      %sign3A_128 = arith.extui %sign3A_127 : i1 to i32
      %sign3A_129 = arith.constant 0 : i32
      %sign3A_130 = arith.cmpi slt, %multiple_of3A, %sign3A_129 : i32
      %sign3A_131 = arith.extui %sign3A_130 : i1 to i32
      %sign3A_132 = arith.subi %sign3A_128, %sign3A_131 : i32
      %sign3A_133 = arith.constant 0 : i32
      %sign3A_134 = arith.cmpi sgt, %jit3A, %sign3A_133 : i32
      %sign3A_135 = arith.extui %sign3A_134 : i1 to i32
      %sign3A_136 = arith.constant 0 : i32
      %sign3A_137 = arith.cmpi slt, %jit3A, %sign3A_136 : i32
      %sign3A_138 = arith.extui %sign3A_137 : i1 to i32
      %sign3A_139 = arith.subi %sign3A_135, %sign3A_138 : i32
      %ne3A = arith.cmpi ne, %sign3A_132, %sign3A_139 : i32
      %rem3A = arith.remsi %multiple_of3A, %jit3A : i32
      %ne3A_140 = arith.constant 0 : i32
      %ne3A_141 = arith.cmpi ne, %rem3A, %ne3A_140 : i32
      %and3A = arith.andi %ne3A, %ne3A_141 : i1
      %sub3A = arith.constant 1 : i32
      %sub3A_142 = arith.subi %div3A, %sub3A : i32
      %select_n3A = arith.select %and3A, %sub3A_142, %div3A : i32
      %multiple_of3A_143 = tpu.assume_multiple %select_n3A, 8 : i32
      "tpu.region"() ({
        %run_scoped3A = tpu.sem_alloc : memref<!tpu.dma_semaphore, #tpu.memory_space<semaphore_mem>>
        %dma_start3A_144 = arith.constant 0 : i32
        %dma_start3A_145 = tpu.memref_slice %arg7[%multiple_of3A_143, %dma_start3A_144] : memref<16384x512xf32, #tpu.memory_space<hbm>> -> memref<32x512xf32, #tpu.memory_space<hbm>>
        %dma_start3A_146 = arith.constant 0 : i32
        %dma_start3A_147 = tpu.memref_slice %arg7[%multiple_of3A_143, %dma_start3A_146] : memref<16384x512xf32, #tpu.memory_space<hbm>> -> memref<32x512xf32, #tpu.memory_space<hbm>>
        tpu.enqueue_dma source(%arg14 : memref<32x512xf32, #tpu.memory_space<vmem>>) target(%dma_start3A_147 : memref<32x512xf32, #tpu.memory_space<hbm>>) target_semaphore(%run_scoped3A : memref<!tpu.dma_semaphore, #tpu.memory_space<semaphore_mem>>)
        %dma_wait3A_148 = arith.constant 0 : i32
        %dma_wait3A_149 = tpu.memref_slice %arg7[%multiple_of3A_143, %dma_wait3A_148] : memref<16384x512xf32, #tpu.memory_space<hbm>> -> memref<32x512xf32, #tpu.memory_space<hbm>>
        %dma_wait3A_150 = arith.constant 0 : i32
        %dma_wait3A_151 = tpu.memref_slice %arg7[%multiple_of3A_143, %dma_wait3A_150] : memref<16384x512xf32, #tpu.memory_space<hbm>> -> memref<32x512xf32, #tpu.memory_space<hbm>>
        tpu.wait_dma2 semaphore(%run_scoped3A : memref<!tpu.dma_semaphore, #tpu.memory_space<semaphore_mem>>) src(%arg14 : memref<32x512xf32, #tpu.memory_space<vmem>>) dst(%dma_wait3A_151 : memref<32x512xf32, #tpu.memory_space<hbm>>)
        tpu.yield
      }) : () -> ()
    }
    %scan3A_7 = arith.constant 16 : i32
    return
  }
}

module attributes {stable_mosaic.version = 14 : i64} {
  func.func @_k1_body(%arg0: i32, %arg1: memref<1024x13xf32, #tpu.memory_space<vmem>>, %arg2: memref<8x208xf32, #tpu.memory_space<vmem>>, %arg3: memref<8x208xf32, #tpu.memory_space<vmem>>, %arg4: memref<1024x208xf32, #tpu.memory_space<vmem>>) attributes {dimension_semantics = [#tpu.dimension_semantics<arbitrary>], iteration_bounds = array<i64: 16>, scalar_prefetch = 0 : i64, scratch_operands = 0 : i64, tpu.core_type = #tpu.core_type<tc>, window_params = [{transform_indices = @transform_0, window_bounds = array<i64: 1024, 13>}, {pipeline_mode = #tpu.pipeline_mode<synchronous>, transform_indices = @transform_1, window_bounds = array<i64: 8, 208>}, {pipeline_mode = #tpu.pipeline_mode<synchronous>, transform_indices = @transform_2, window_bounds = array<i64: 8, 208>}, {transform_indices = @transform_3, window_bounds = array<i64: 1024, 208>}]} {
    %get3A = arith.constant 0 : index
    %get3A_0 = arith.constant 0 : index
    %get3A_1 = vector.load %arg2[%get3A, %get3A_0] : memref<8x208xf32, #tpu.memory_space<vmem>>, vector<1x208xf32>
    %iota3A = tpu.iota {dimensions = array<i32: 0>} : vector<13x208xi32>
    %iota3A_2 = tpu.iota {dimensions = array<i32: 1>} : vector<13x208xi32>
    %jit3A = arith.constant 16 : i32
    %div3A = vector.broadcast %jit3A : i32 to vector<13x208xi32>
    %div3A_3 = arith.divsi %iota3A_2, %div3A : vector<13x208xi32>
    %sign3A = arith.constant 0 : i32
    %sign3A_4 = vector.broadcast %sign3A : i32 to vector<13x208xi32>
    %sign3A_5 = arith.cmpi sgt, %iota3A_2, %sign3A_4 : vector<13x208xi32>
    %sign3A_6 = arith.extui %sign3A_5 : vector<13x208xi1> to vector<13x208xi32>
    %sign3A_7 = arith.constant 0 : i32
    %sign3A_8 = vector.broadcast %sign3A_7 : i32 to vector<13x208xi32>
    %sign3A_9 = arith.cmpi slt, %iota3A_2, %sign3A_8 : vector<13x208xi32>
    %sign3A_10 = arith.extui %sign3A_9 : vector<13x208xi1> to vector<13x208xi32>
    %sign3A_11 = arith.subi %sign3A_6, %sign3A_10 : vector<13x208xi32>
    %sign3A_12 = arith.constant 0 : i32
    %sign3A_13 = arith.cmpi sgt, %jit3A, %sign3A_12 : i32
    %sign3A_14 = arith.extui %sign3A_13 : i1 to i32
    %sign3A_15 = arith.constant 0 : i32
    %sign3A_16 = arith.cmpi slt, %jit3A, %sign3A_15 : i32
    %sign3A_17 = arith.extui %sign3A_16 : i1 to i32
    %sign3A_18 = arith.subi %sign3A_14, %sign3A_17 : i32
    %ne3A = vector.broadcast %sign3A_18 : i32 to vector<13x208xi32>
    %ne3A_19 = arith.cmpi ne, %sign3A_11, %ne3A : vector<13x208xi32>
    %rem3A = vector.broadcast %jit3A : i32 to vector<13x208xi32>
    %rem3A_20 = arith.remsi %iota3A_2, %rem3A : vector<13x208xi32>
    %ne3A_21 = arith.constant 0 : i32
    %ne3A_22 = vector.broadcast %ne3A_21 : i32 to vector<13x208xi32>
    %ne3A_23 = arith.cmpi ne, %rem3A_20, %ne3A_22 : vector<13x208xi32>
    %and3A = arith.andi %ne3A_19, %ne3A_23 : vector<13x208xi1>
    %sub3A = arith.constant 1 : i32
    %sub3A_24 = vector.broadcast %sub3A : i32 to vector<13x208xi32>
    %sub3A_25 = arith.subi %div3A_3, %sub3A_24 : vector<13x208xi32>
    %select_n3A = arith.select %and3A, %sub3A_25, %div3A_3 : vector<13x208xi1>, vector<13x208xi32>
    %eq3A = arith.cmpi eq, %select_n3A, %iota3A : vector<13x208xi32>
    %broadcast_in_dim3A = vector.shape_cast %get3A_1 : vector<1x208xf32> to vector<1x208xf32>
    %broadcast_in_dim3A_26 = vector.broadcast %broadcast_in_dim3A : vector<1x208xf32> to vector<13x208xf32>
    %jit3A_27 = arith.constant 0.000000e+00 : f32
    %broadcast_in_dim3A_28 = vector.broadcast %jit3A_27 : f32 to vector<13x208xf32>
    %select_n3A_29 = arith.select %eq3A, %broadcast_in_dim3A_26, %broadcast_in_dim3A_28 : vector<13x208xi1>, vector<13x208xf32>
    %get3A_30 = arith.constant 0 : index
    %get3A_31 = arith.constant 0 : index
    %get3A_32 = vector.load %arg1[%get3A_30, %get3A_31] : memref<1024x13xf32, #tpu.memory_space<vmem>>, vector<1024x13xf32>
    %dot_general3A = arith.constant dense<0.000000e+00> : vector<1024x208xf32>
    %dot_general3A_33 = tpu.matmul %get3A_32, %select_n3A_29, %dot_general3A {dimension_numbers = #tpu.dot_dimension_numbers<[1], [0], [0], [1], [0, 0, 1, 1], [], []>, precision = #tpu.contract_precision<fp32>, transpose_lhs_hint = false} : vector<1024x13xf32>, vector<13x208xf32>, vector<1024x208xf32> -> vector<1024x208xf32>
    %get3A_34 = arith.constant 0 : index
    %get3A_35 = arith.constant 0 : index
    %get3A_36 = vector.load %arg3[%get3A_34, %get3A_35] : memref<8x208xf32, #tpu.memory_space<vmem>>, vector<1x208xf32>
    %add3A = vector.broadcast %get3A_36 : vector<1x208xf32> to vector<1024x208xf32>
    %add3A_37 = arith.addf %dot_general3A_33, %add3A : vector<1024x208xf32>
    %swap3A = arith.constant 0 : index
    %swap3A_38 = arith.constant 0 : index
    %swap3A_39 = vector.load %arg4[%swap3A, %swap3A_38] : memref<1024x208xf32, #tpu.memory_space<vmem>>, vector<1024x208xf32>
    tpu.vector_store %arg4[%swap3A, %swap3A_38], %add3A_37 {strides = array<i32>} : memref<1024x208xf32, #tpu.memory_space<vmem>>, vector<1024x208xf32>,
    return
  }
  func.func @transform_0(%arg0: i32) -> (i32, i32) {
    %c0_i32 = arith.constant 0 : i32
    %c0_i32_0 = arith.constant 0 : i32
    return %arg0, %c0_i32 : i32, i32
  }
  func.func @transform_1(%arg0: i32) -> (i32, i32) {
    %c0_i32 = arith.constant 0 : i32
    %c0_i32_0 = arith.constant 0 : i32
    %c0_i32_1 = arith.constant 0 : i32
    return %c0_i32, %c0_i32_0 : i32, i32
  }
  func.func @transform_2(%arg0: i32) -> (i32, i32) {
    %c0_i32 = arith.constant 0 : i32
    %c0_i32_0 = arith.constant 0 : i32
    %c0_i32_1 = arith.constant 0 : i32
    return %c0_i32, %c0_i32_0 : i32, i32
  }
  func.func @transform_3(%arg0: i32) -> (i32, i32) {
    %c0_i32 = arith.constant 0 : i32
    %c0_i32_0 = arith.constant 0 : i32
    return %arg0, %c0_i32 : i32, i32
  }
}

module attributes {stable_mosaic.version = 14 : i64} {
  func.func @_p1_body(%arg0: i32, %arg1: memref<1024x512xf32, #tpu.memory_space<vmem>>, %arg2: memref<1024x512xf32, #tpu.memory_space<vmem>>, %arg3: memref<1024x416xf32, #tpu.memory_space<vmem>>, %arg4: memref<1024x208xf32, #tpu.memory_space<vmem>>, %arg5: memref<1024x13xf32, #tpu.memory_space<vmem>>, %arg6: memref<1024x13xf32, #tpu.memory_space<vmem>>, %arg7: memref<8x208xf32, #tpu.memory_space<vmem>>, %arg8: memref<8x208xf32, #tpu.memory_space<vmem>>, %arg9: memref<624x512xf32, #tpu.memory_space<vmem>>, %arg10: memref<512xf32, #tpu.memory_space<vmem>>, %arg11: memref<1024xf32, #tpu.memory_space<vmem>>, %arg12: memref<1024x512xf32, #tpu.memory_space<vmem>>, %arg13: memref<512xf32, #tpu.memory_space<vmem>>, %arg14: memref<512xf32, #tpu.memory_space<vmem>>) attributes {dimension_semantics = [#tpu.dimension_semantics<arbitrary>], iteration_bounds = array<i64: 16>, scalar_prefetch = 0 : i64, scratch_operands = 0 : i64, tpu.core_type = #tpu.core_type<tc>, window_params = [{transform_indices = @transform_0, window_bounds = array<i64: 1024, 512>}, {transform_indices = @transform_1, window_bounds = array<i64: 1024, 512>}, {transform_indices = @transform_2, window_bounds = array<i64: 1024, 416>}, {transform_indices = @transform_3, window_bounds = array<i64: 1024, 208>}, {transform_indices = @transform_4, window_bounds = array<i64: 1024, 13>}, {transform_indices = @transform_5, window_bounds = array<i64: 1024, 13>}, {pipeline_mode = #tpu.pipeline_mode<synchronous>, transform_indices = @transform_6, window_bounds = array<i64: 8, 208>}, {pipeline_mode = #tpu.pipeline_mode<synchronous>, transform_indices = @transform_7, window_bounds = array<i64: 8, 208>}, {pipeline_mode = #tpu.pipeline_mode<synchronous>, transform_indices = @transform_8, window_bounds = array<i64: 624, 512>}, {pipeline_mode = #tpu.pipeline_mode<synchronous>, transform_indices = @transform_9, window_bounds = array<i64: 512>}, {transform_indices = @transform_10, window_bounds = array<i64: 1024>}, {transform_indices = @transform_11, window_bounds = array<i64: 1024, 512>}, {pipeline_mode = #tpu.pipeline_mode<synchronous>, transform_indices = @transform_12, window_bounds = array<i64: 512>}, {pipeline_mode = #tpu.pipeline_mode<synchronous>, transform_indices = @transform_13, window_bounds = array<i64: 512>}]} {
    %get3A = arith.constant 0 : index
    %get3A_0 = arith.constant 0 : index
    %get3A_1 = vector.load %arg1[%get3A, %get3A_0] : memref<1024x512xf32, #tpu.memory_space<vmem>>, vector<1024x512xf32>
    %slice3A = vector.extract_strided_slice %get3A_1 {offsets = [0, 0], sizes = [1024, 416], strides = [1, 1]} : vector<1024x512xf32> to vector<1024x416xf32>
    %get3A_2 = arith.constant 0 : index
    %get3A_3 = arith.constant 0 : index
    %get3A_4 = vector.load %arg3[%get3A_2, %get3A_3] : memref<1024x416xf32, #tpu.memory_space<vmem>>, vector<1024x416xf32>
    %iota3A = tpu.iota {dimensions = array<i32: 0>} : vector<208x13xi32>
    %jit3A = arith.constant 16 : i32
    %div3A = vector.broadcast %jit3A : i32 to vector<208x13xi32>
    %div3A_5 = arith.divsi %iota3A, %div3A : vector<208x13xi32>
    %sign3A = arith.constant 0 : i32
    %sign3A_6 = vector.broadcast %sign3A : i32 to vector<208x13xi32>
    %sign3A_7 = arith.cmpi sgt, %iota3A, %sign3A_6 : vector<208x13xi32>
    %sign3A_8 = arith.extui %sign3A_7 : vector<208x13xi1> to vector<208x13xi32>
    %sign3A_9 = arith.constant 0 : i32
    %sign3A_10 = vector.broadcast %sign3A_9 : i32 to vector<208x13xi32>
    %sign3A_11 = arith.cmpi slt, %iota3A, %sign3A_10 : vector<208x13xi32>
    %sign3A_12 = arith.extui %sign3A_11 : vector<208x13xi1> to vector<208x13xi32>
    %sign3A_13 = arith.subi %sign3A_8, %sign3A_12 : vector<208x13xi32>
    %sign3A_14 = arith.constant 0 : i32
    %sign3A_15 = arith.cmpi sgt, %jit3A, %sign3A_14 : i32
    %sign3A_16 = arith.extui %sign3A_15 : i1 to i32
    %sign3A_17 = arith.constant 0 : i32
    %sign3A_18 = arith.cmpi slt, %jit3A, %sign3A_17 : i32
    %sign3A_19 = arith.extui %sign3A_18 : i1 to i32
    %sign3A_20 = arith.subi %sign3A_16, %sign3A_19 : i32
    %ne3A = vector.broadcast %sign3A_20 : i32 to vector<208x13xi32>
    %ne3A_21 = arith.cmpi ne, %sign3A_13, %ne3A : vector<208x13xi32>
    %rem3A = vector.broadcast %jit3A : i32 to vector<208x13xi32>
    %rem3A_22 = arith.remsi %iota3A, %rem3A : vector<208x13xi32>
    %ne3A_23 = arith.constant 0 : i32
    %ne3A_24 = vector.broadcast %ne3A_23 : i32 to vector<208x13xi32>
    %ne3A_25 = arith.cmpi ne, %rem3A_22, %ne3A_24 : vector<208x13xi32>
    %and3A = arith.andi %ne3A_21, %ne3A_25 : vector<208x13xi1>
    %sub3A = arith.constant 1 : i32
    %sub3A_26 = vector.broadcast %sub3A : i32 to vector<208x13xi32>
    %sub3A_27 = arith.subi %div3A_5, %sub3A_26 : vector<208x13xi32>
    %select_n3A = arith.select %and3A, %sub3A_27, %div3A_5 : vector<208x13xi1>, vector<208x13xi32>
    %iota3A_28 = tpu.iota {dimensions = array<i32: 1>} : vector<208x13xi32>
    %eq3A = arith.cmpi eq, %select_n3A, %iota3A_28 : vector<208x13xi32>
    %convert_element_type3A = arith.extui %eq3A : vector<208x13xi1> to vector<208x13xi32>
    %convert_element_type3A_29 = arith.sitofp %convert_element_type3A : vector<208x13xi32> to vector<208x13xf32>
    %get3A_30 = arith.constant 0 : index
    %get3A_31 = arith.constant 0 : index
    %get3A_32 = vector.load %arg4[%get3A_30, %get3A_31] : memref<1024x208xf32, #tpu.memory_space<vmem>>, vector<1024x208xf32>
    %dot_general3A = arith.constant dense<0.000000e+00> : vector<1024x13xf32>
    %dot_general3A_33 = tpu.matmul %get3A_32, %convert_element_type3A_29, %dot_general3A {dimension_numbers = #tpu.dot_dimension_numbers<[1], [0], [0], [1], [0, 0, 1, 1], [], []>, precision = #tpu.contract_precision<fp32>, transpose_lhs_hint = false} : vector<1024x208xf32>, vector<208x13xf32>, vector<1024x13xf32> -> vector<1024x13xf32>
    %mul3A = arith.mulf %slice3A, %get3A_4 : vector<1024x416xf32>
    %reduce_sum3A = arith.constant dense<0.000000e+00> : vector<1024xf32>
    %reduce_sum3A_34 = vector.multi_reduction <add>, %mul3A, %reduce_sum3A [1] : vector<1024x416xf32> to vector<1024xf32>
    %get3A_35 = arith.constant 0 : index
    %get3A_36 = arith.constant 0 : index
    %get3A_37 = vector.load %arg5[%get3A_35, %get3A_36] : memref<1024x13xf32, #tpu.memory_space<vmem>>, vector<1024x13xf32>
    %mul3A_38 = arith.mulf %dot_general3A_33, %get3A_37 : vector<1024x13xf32>
    %reduce_sum3A_39 = arith.constant dense<0.000000e+00> : vector<1024xf32>
    %reduce_sum3A_40 = vector.multi_reduction <add>, %mul3A_38, %reduce_sum3A_39 [1] : vector<1024x13xf32> to vector<1024xf32>
    %add3A = arith.addf %reduce_sum3A_34, %reduce_sum3A_40 : vector<1024xf32>
    %get3A_41 = arith.constant 0 : index
    %get3A_42 = arith.constant 0 : index
    %get3A_43 = vector.load %arg7[%get3A_41, %get3A_42] : memref<8x208xf32, #tpu.memory_space<vmem>>, vector<1x208xf32>
    %iota3A_44 = tpu.iota {dimensions = array<i32: 0>} : vector<13x208xi32>
    %iota3A_45 = tpu.iota {dimensions = array<i32: 1>} : vector<13x208xi32>
    %jit3A_46 = arith.constant 16 : i32
    %div3A_47 = vector.broadcast %jit3A_46 : i32 to vector<13x208xi32>
    %div3A_48 = arith.divsi %iota3A_45, %div3A_47 : vector<13x208xi32>
    %sign3A_49 = arith.constant 0 : i32
    %sign3A_50 = vector.broadcast %sign3A_49 : i32 to vector<13x208xi32>
    %sign3A_51 = arith.cmpi sgt, %iota3A_45, %sign3A_50 : vector<13x208xi32>
    %sign3A_52 = arith.extui %sign3A_51 : vector<13x208xi1> to vector<13x208xi32>
    %sign3A_53 = arith.constant 0 : i32
    %sign3A_54 = vector.broadcast %sign3A_53 : i32 to vector<13x208xi32>
    %sign3A_55 = arith.cmpi slt, %iota3A_45, %sign3A_54 : vector<13x208xi32>
    %sign3A_56 = arith.extui %sign3A_55 : vector<13x208xi1> to vector<13x208xi32>
    %sign3A_57 = arith.subi %sign3A_52, %sign3A_56 : vector<13x208xi32>
    %sign3A_58 = arith.constant 0 : i32
    %sign3A_59 = arith.cmpi sgt, %jit3A_46, %sign3A_58 : i32
    %sign3A_60 = arith.extui %sign3A_59 : i1 to i32
    %sign3A_61 = arith.constant 0 : i32
    %sign3A_62 = arith.cmpi slt, %jit3A_46, %sign3A_61 : i32
    %sign3A_63 = arith.extui %sign3A_62 : i1 to i32
    %sign3A_64 = arith.subi %sign3A_60, %sign3A_63 : i32
    %ne3A_65 = vector.broadcast %sign3A_64 : i32 to vector<13x208xi32>
    %ne3A_66 = arith.cmpi ne, %sign3A_57, %ne3A_65 : vector<13x208xi32>
    %rem3A_67 = vector.broadcast %jit3A_46 : i32 to vector<13x208xi32>
    %rem3A_68 = arith.remsi %iota3A_45, %rem3A_67 : vector<13x208xi32>
    %ne3A_69 = arith.constant 0 : i32
    %ne3A_70 = vector.broadcast %ne3A_69 : i32 to vector<13x208xi32>
    %ne3A_71 = arith.cmpi ne, %rem3A_68, %ne3A_70 : vector<13x208xi32>
    %and3A_72 = arith.andi %ne3A_66, %ne3A_71 : vector<13x208xi1>
    %sub3A_73 = arith.constant 1 : i32
    %sub3A_74 = vector.broadcast %sub3A_73 : i32 to vector<13x208xi32>
    %sub3A_75 = arith.subi %div3A_48, %sub3A_74 : vector<13x208xi32>
    %select_n3A_76 = arith.select %and3A_72, %sub3A_75, %div3A_48 : vector<13x208xi1>, vector<13x208xi32>
    %eq3A_77 = arith.cmpi eq, %select_n3A_76, %iota3A_44 : vector<13x208xi32>
    %broadcast_in_dim3A = vector.shape_cast %get3A_43 : vector<1x208xf32> to vector<1x208xf32>
    %broadcast_in_dim3A_78 = vector.broadcast %broadcast_in_dim3A : vector<1x208xf32> to vector<13x208xf32>
    %jit3A_79 = arith.constant 0.000000e+00 : f32
    %broadcast_in_dim3A_80 = vector.broadcast %jit3A_79 : f32 to vector<13x208xf32>
    %select_n3A_81 = arith.select %eq3A_77, %broadcast_in_dim3A_78, %broadcast_in_dim3A_80 : vector<13x208xi1>, vector<13x208xf32>
    %get3A_82 = arith.constant 0 : index
    %get3A_83 = arith.constant 0 : index
    %get3A_84 = vector.load %arg6[%get3A_82, %get3A_83] : memref<1024x13xf32, #tpu.memory_space<vmem>>, vector<1024x13xf32>
    %dot_general3A_85 = arith.constant dense<0.000000e+00> : vector<1024x208xf32>
    %dot_general3A_86 = tpu.matmul %get3A_84, %select_n3A_81, %dot_general3A_85 {dimension_numbers = #tpu.dot_dimension_numbers<[1], [0], [0], [1], [0, 0, 1, 1], [], []>, precision = #tpu.contract_precision<fp32>, transpose_lhs_hint = false} : vector<1024x13xf32>, vector<13x208xf32>, vector<1024x208xf32> -> vector<1024x208xf32>
    %get3A_87 = arith.constant 0 : index
    %get3A_88 = arith.constant 0 : index
    %get3A_89 = vector.load %arg8[%get3A_87, %get3A_88] : memref<8x208xf32, #tpu.memory_space<vmem>>, vector<1x208xf32>
    %add3A_90 = vector.broadcast %get3A_89 : vector<1x208xf32> to vector<1024x208xf32>
    %add3A_91 = arith.addf %dot_general3A_86, %add3A_90 : vector<1024x208xf32>
    %get3A_92 = arith.constant 0 : index
    %get3A_93 = arith.constant 0 : index
    %get3A_94 = vector.load %arg2[%get3A_92, %get3A_93] : memref<1024x512xf32, #tpu.memory_space<vmem>>, vector<1024x512xf32>
    %slice3A_95 = vector.extract_strided_slice %get3A_94 {offsets = [0, 0], sizes = [1024, 416], strides = [1, 1]} : vector<1024x512xf32> to vector<1024x416xf32>
    %mul3A_96 = arith.mulf %slice3A_95, %get3A_4 : vector<1024x416xf32>
    %iota3A_97 = tpu.iota {dimensions = array<i32: 0>} : vector<208x16xi32>
    %jit3A_98 = arith.constant 16 : i32
    %eq3A_99 = arith.constant 0 : i32
    %eq3A_100 = arith.cmpi eq, %jit3A_98, %eq3A_99 : i32
    %jit3A_101 = arith.constant 1 : i32
    %select_n3A_102 = arith.select %eq3A_100, %jit3A_101, %jit3A_98 : i32
    %rem3A_103 = vector.broadcast %select_n3A_102 : i32 to vector<208x16xi32>
    %rem3A_104 = arith.remsi %iota3A_97, %rem3A_103 : vector<208x16xi32>
    %ne3A_105 = arith.constant 0 : i32
    %ne3A_106 = vector.broadcast %ne3A_105 : i32 to vector<208x16xi32>
    %ne3A_107 = arith.cmpi ne, %rem3A_104, %ne3A_106 : vector<208x16xi32>
    %lt3A = arith.constant 0 : i32
    %lt3A_108 = vector.broadcast %lt3A : i32 to vector<208x16xi32>
    %lt3A_109 = arith.cmpi slt, %rem3A_104, %lt3A_108 : vector<208x16xi32>
    %lt3A_110 = arith.constant 0 : i32
    %lt3A_111 = arith.cmpi slt, %select_n3A_102, %lt3A_110 : i32
    %ne3A_112 = vector.broadcast %lt3A_111 : i1 to vector<208x16xi1>
    %ne3A_113 = vector.broadcast %ne3A_112 : vector<208x16xi1> to vector<208x16xi1>
    %ne3A_114 = arith.xori %lt3A_109, %ne3A_113 : vector<208x16xi1>
    %and3A_115 = arith.andi %ne3A_114, %ne3A_107 : vector<208x16xi1>
    %add3A_116 = vector.broadcast %select_n3A_102 : i32 to vector<208x16xi32>
    %add3A_117 = arith.addi %rem3A_104, %add3A_116 : vector<208x16xi32>
    %select_n3A_118 = arith.select %and3A_115, %add3A_117, %rem3A_104 : vector<208x16xi1>, vector<208x16xi32>
    %iota3A_119 = tpu.iota {dimensions = array<i32: 1>} : vector<208x16xi32>
    %eq3A_120 = arith.cmpi eq, %select_n3A_118, %iota3A_119 : vector<208x16xi32>
    %convert_element_type3A_121 = arith.extui %eq3A_120 : vector<208x16xi1> to vector<208x16xi32>
    %convert_element_type3A_122 = arith.sitofp %convert_element_type3A_121 : vector<208x16xi32> to vector<208x16xf32>
    %iota3A_123 = tpu.iota {dimensions = array<i32: 0>} : vector<416x16xi32>
    %jit3A_124 = arith.constant 16 : i32
    %eq3A_125 = arith.constant 0 : i32
    %eq3A_126 = arith.cmpi eq, %jit3A_124, %eq3A_125 : i32
    %jit3A_127 = arith.constant 1 : i32
    %select_n3A_128 = arith.select %eq3A_126, %jit3A_127, %jit3A_124 : i32
    %rem3A_129 = vector.broadcast %select_n3A_128 : i32 to vector<416x16xi32>
    %rem3A_130 = arith.remsi %iota3A_123, %rem3A_129 : vector<416x16xi32>
    %ne3A_131 = arith.constant 0 : i32
    %ne3A_132 = vector.broadcast %ne3A_131 : i32 to vector<416x16xi32>
    %ne3A_133 = arith.cmpi ne, %rem3A_130, %ne3A_132 : vector<416x16xi32>
    %lt3A_134 = arith.constant 0 : i32
    %lt3A_135 = vector.broadcast %lt3A_134 : i32 to vector<416x16xi32>
    %lt3A_136 = arith.cmpi slt, %rem3A_130, %lt3A_135 : vector<416x16xi32>
    %lt3A_137 = arith.constant 0 : i32
    %lt3A_138 = arith.cmpi slt, %select_n3A_128, %lt3A_137 : i32
    %ne3A_139 = vector.broadcast %lt3A_138 : i1 to vector<416x16xi1>
    %ne3A_140 = vector.broadcast %ne3A_139 : vector<416x16xi1> to vector<416x16xi1>
    %ne3A_141 = arith.xori %lt3A_136, %ne3A_140 : vector<416x16xi1>
    %and3A_142 = arith.andi %ne3A_141, %ne3A_133 : vector<416x16xi1>
    %add3A_143 = vector.broadcast %select_n3A_128 : i32 to vector<416x16xi32>
    %add3A_144 = arith.addi %rem3A_130, %add3A_143 : vector<416x16xi32>
    %select_n3A_145 = arith.select %and3A_142, %add3A_144, %rem3A_130 : vector<416x16xi1>, vector<416x16xi32>
    %iota3A_146 = tpu.iota {dimensions = array<i32: 1>} : vector<416x16xi32>
    %eq3A_147 = arith.cmpi eq, %select_n3A_145, %iota3A_146 : vector<416x16xi32>
    %convert_element_type3A_148 = arith.extui %eq3A_147 : vector<416x16xi1> to vector<416x16xi32>
    %convert_element_type3A_149 = arith.sitofp %convert_element_type3A_148 : vector<416x16xi32> to vector<416x16xf32>
    %dot_general3A_150 = arith.constant dense<0.000000e+00> : vector<1024x16xf32>
    %dot_general3A_151 = tpu.matmul %add3A_91, %convert_element_type3A_122, %dot_general3A_150 {dimension_numbers = #tpu.dot_dimension_numbers<[1], [0], [0], [1], [0, 0, 1, 1], [], []>, precision = #tpu.contract_precision<fp32>, transpose_lhs_hint = false} : vector<1024x208xf32>, vector<208x16xf32>, vector<1024x16xf32> -> vector<1024x16xf32>
    %dot_general3A_152 = arith.constant dense<0.000000e+00> : vector<1024x16xf32>
    %dot_general3A_153 = tpu.matmul %mul3A_96, %convert_element_type3A_149, %dot_general3A_152 {dimension_numbers = #tpu.dot_dimension_numbers<[1], [0], [0], [1], [0, 0, 1, 1], [], []>, precision = #tpu.contract_precision<fp32>, transpose_lhs_hint = false} : vector<1024x416xf32>, vector<416x16xf32>, vector<1024x16xf32> -> vector<1024x16xf32>
    %add3A_154 = arith.addf %dot_general3A_151, %dot_general3A_153 : vector<1024x16xf32>
    %mul3A_155 = arith.mulf %add3A_91, %add3A_91 : vector<1024x208xf32>
    %dot_general3A_156 = arith.constant dense<0.000000e+00> : vector<1024x16xf32>
    %dot_general3A_157 = tpu.matmul %mul3A_155, %convert_element_type3A_122, %dot_general3A_156 {dimension_numbers = #tpu.dot_dimension_numbers<[1], [0], [0], [1], [0, 0, 1, 1], [], []>, precision = #tpu.contract_precision<fp32>, transpose_lhs_hint = false} : vector<1024x208xf32>, vector<208x16xf32>, vector<1024x16xf32> -> vector<1024x16xf32>
    %mul3A_158 = arith.mulf %mul3A_96, %mul3A_96 : vector<1024x416xf32>
    %dot_general3A_159 = arith.constant dense<0.000000e+00> : vector<1024x16xf32>
    %dot_general3A_160 = tpu.matmul %mul3A_158, %convert_element_type3A_149, %dot_general3A_159 {dimension_numbers = #tpu.dot_dimension_numbers<[1], [0], [0], [1], [0, 0, 1, 1], [], []>, precision = #tpu.contract_precision<fp32>, transpose_lhs_hint = false} : vector<1024x416xf32>, vector<416x16xf32>, vector<1024x16xf32> -> vector<1024x16xf32>
    %add3A_161 = arith.addf %dot_general3A_157, %dot_general3A_160 : vector<1024x16xf32>
    %mul3A_162 = arith.mulf %add3A_154, %add3A_154 : vector<1024x16xf32>
    %sub3A_163 = arith.subf %mul3A_162, %add3A_161 : vector<1024x16xf32>
    %reduce_sum3A_164 = arith.constant dense<0.000000e+00> : vector<1024xf32>
    %reduce_sum3A_165 = vector.multi_reduction <add>, %sub3A_163, %reduce_sum3A_164 [1] : vector<1024x16xf32> to vector<1024xf32>
    %mul3A_166 = arith.constant 5.000000e-01 : f32
    %mul3A_167 = vector.broadcast %mul3A_166 : f32 to vector<1024xf32>
    %mul3A_168 = arith.mulf %mul3A_167, %reduce_sum3A_165 : vector<1024xf32>
    %add3A_169 = arith.addf %add3A, %mul3A_168 : vector<1024xf32>
    %swap3A = arith.constant 0 : index
    %swap3A_170 = vector.load %arg11[%swap3A] : memref<1024xf32, #tpu.memory_space<vmem>>, vector<1024xf32>
    tpu.vector_store %arg11[%swap3A], %add3A_169 {strides = array<i32>} : memref<1024xf32, #tpu.memory_space<vmem>>, vector<1024xf32>,
    %get3A_171 = arith.constant 0 : index
    %get3A_172 = arith.constant 0 : index
    %get3A_173 = vector.load %arg9[%get3A_171, %get3A_172] : memref<624x512xf32, #tpu.memory_space<vmem>>, vector<208x512xf32>
    %dot_general3A_174 = arith.constant dense<0.000000e+00> : vector<1024x512xf32>
    %dot_general3A_175 = tpu.matmul %add3A_91, %get3A_173, %dot_general3A_174 {dimension_numbers = #tpu.dot_dimension_numbers<[1], [0], [0], [1], [0, 0, 1, 1], [], []>, transpose_lhs_hint = false} : vector<1024x208xf32>, vector<208x512xf32>, vector<1024x512xf32> -> vector<1024x512xf32>
    %get3A_176 = arith.constant 208 : index
    %get3A_177 = arith.constant 0 : index
    %get3A_178 = vector.load %arg9[%get3A_176, %get3A_177] : memref<624x512xf32, #tpu.memory_space<vmem>>, vector<416x512xf32>
    %dot_general3A_179 = arith.constant dense<0.000000e+00> : vector<1024x512xf32>
    %dot_general3A_180 = tpu.matmul %mul3A_96, %get3A_178, %dot_general3A_179 {dimension_numbers = #tpu.dot_dimension_numbers<[1], [0], [0], [1], [0, 0, 1, 1], [], []>, transpose_lhs_hint = false} : vector<1024x416xf32>, vector<416x512xf32>, vector<1024x512xf32> -> vector<1024x512xf32>
    %add3A_181 = arith.addf %dot_general3A_175, %dot_general3A_180 : vector<1024x512xf32>
    %get3A_182 = arith.constant 0 : index
    %get3A_183 = vector.load %arg10[%get3A_182] : memref<512xf32, #tpu.memory_space<vmem>>, vector<512xf32>
    %broadcast_in_dim3A_184 = vector.shape_cast %get3A_183 : vector<512xf32> to vector<1x512xf32>
    %add3A_185 = vector.broadcast %broadcast_in_dim3A_184 : vector<1x512xf32> to vector<1024x512xf32>
    %add3A_186 = arith.addf %add3A_181, %add3A_185 : vector<1024x512xf32>
    %swap3A_187 = arith.constant 0 : index
    %swap3A_188 = arith.constant 0 : index
    %swap3A_189 = vector.load %arg12[%swap3A_187, %swap3A_188] : memref<1024x512xf32, #tpu.memory_space<vmem>>, vector<1024x512xf32>
    tpu.vector_store %arg12[%swap3A_187, %swap3A_188], %add3A_186 {strides = array<i32>} : memref<1024x512xf32, #tpu.memory_space<vmem>>, vector<1024x512xf32>,
    %eq3A_190 = arith.constant 0 : i32
    %eq3A_191 = arith.cmpi eq, %arg0, %eq3A_190 : i32
    %convert_element_type3A_192 = arith.extui %eq3A_191 : i1 to i32
    %cond3A = arith.constant 0 : i32
    %cond3A_193 = arith.cmpi ne, %convert_element_type3A_192, %cond3A : i32
    scf.if %cond3A_193 {
      %broadcast_in_dim3A_209 = arith.constant 0.000000e+00 : f32
      %broadcast_in_dim3A_210 = vector.broadcast %broadcast_in_dim3A_209 : f32 to vector<512xf32>
      %swap3A_211 = arith.constant 0 : index
      %swap3A_212 = vector.load %arg13[%swap3A_211] : memref<512xf32, #tpu.memory_space<vmem>>, vector<512xf32>
      tpu.vector_store %arg13[%swap3A_211], %broadcast_in_dim3A_210 {strides = array<i32>} : memref<512xf32, #tpu.memory_space<vmem>>, vector<512xf32>,
      %broadcast_in_dim3A_213 = arith.constant 0.000000e+00 : f32
      %broadcast_in_dim3A_214 = vector.broadcast %broadcast_in_dim3A_213 : f32 to vector<512xf32>
      %swap3A_215 = arith.constant 0 : index
      %swap3A_216 = vector.load %arg14[%swap3A_215] : memref<512xf32, #tpu.memory_space<vmem>>, vector<512xf32>
      tpu.vector_store %arg14[%swap3A_215], %broadcast_in_dim3A_214 {strides = array<i32>} : memref<512xf32, #tpu.memory_space<vmem>>, vector<512xf32>,
    } else {
    }
    %get3A_194 = arith.constant 0 : index
    %get3A_195 = vector.load %arg13[%get3A_194] : memref<512xf32, #tpu.memory_space<vmem>>, vector<512xf32>
    %reduce_sum3A_196 = arith.constant dense<0.000000e+00> : vector<512xf32>
    %reduce_sum3A_197 = vector.multi_reduction <add>, %add3A_186, %reduce_sum3A_196 [0] : vector<1024x512xf32> to vector<512xf32>
    %add3A_198 = arith.addf %get3A_195, %reduce_sum3A_197 : vector<512xf32>
    %swap3A_199 = arith.constant 0 : index
    %swap3A_200 = vector.load %arg13[%swap3A_199] : memref<512xf32, #tpu.memory_space<vmem>>, vector<512xf32>
    tpu.vector_store %arg13[%swap3A_199], %add3A_198 {strides = array<i32>} : memref<512xf32, #tpu.memory_space<vmem>>, vector<512xf32>,
    %get3A_201 = arith.constant 0 : index
    %get3A_202 = vector.load %arg14[%get3A_201] : memref<512xf32, #tpu.memory_space<vmem>>, vector<512xf32>
    %mul3A_203 = arith.mulf %add3A_186, %add3A_186 : vector<1024x512xf32>
    %reduce_sum3A_204 = arith.constant dense<0.000000e+00> : vector<512xf32>
    %reduce_sum3A_205 = vector.multi_reduction <add>, %mul3A_203, %reduce_sum3A_204 [0] : vector<1024x512xf32> to vector<512xf32>
    %add3A_206 = arith.addf %get3A_202, %reduce_sum3A_205 : vector<512xf32>
    %swap3A_207 = arith.constant 0 : index
    %swap3A_208 = vector.load %arg14[%swap3A_207] : memref<512xf32, #tpu.memory_space<vmem>>, vector<512xf32>
    tpu.vector_store %arg14[%swap3A_207], %add3A_206 {strides = array<i32>} : memref<512xf32, #tpu.memory_space<vmem>>, vector<512xf32>,
    return
  }
  func.func @transform_0(%arg0: i32) -> (i32, i32) {
    %c0_i32 = arith.constant 0 : i32
    %c0_i32_0 = arith.constant 0 : i32
    return %arg0, %c0_i32 : i32, i32
  }
  func.func @transform_1(%arg0: i32) -> (i32, i32) {
    %c0_i32 = arith.constant 0 : i32
    %c0_i32_0 = arith.constant 0 : i32
    return %arg0, %c0_i32 : i32, i32
  }
  func.func @transform_2(%arg0: i32) -> (i32, i32) {
    %c0_i32 = arith.constant 0 : i32
    %c0_i32_0 = arith.constant 0 : i32
    return %arg0, %c0_i32 : i32, i32
  }
  func.func @transform_3(%arg0: i32) -> (i32, i32) {
    %c0_i32 = arith.constant 0 : i32
    %c0_i32_0 = arith.constant 0 : i32
    return %arg0, %c0_i32 : i32, i32
  }
  func.func @transform_4(%arg0: i32) -> (i32, i32) {
    %c0_i32 = arith.constant 0 : i32
    %c0_i32_0 = arith.constant 0 : i32
    return %arg0, %c0_i32 : i32, i32
  }
  func.func @transform_5(%arg0: i32) -> (i32, i32) {
    %c0_i32 = arith.constant 0 : i32
    %c0_i32_0 = arith.constant 0 : i32
    return %arg0, %c0_i32 : i32, i32
  }
  func.func @transform_6(%arg0: i32) -> (i32, i32) {
    %c0_i32 = arith.constant 0 : i32
    %c0_i32_0 = arith.constant 0 : i32
    %c0_i32_1 = arith.constant 0 : i32
    return %c0_i32, %c0_i32_0 : i32, i32
  }
  func.func @transform_7(%arg0: i32) -> (i32, i32) {
    %c0_i32 = arith.constant 0 : i32
    %c0_i32_0 = arith.constant 0 : i32
    %c0_i32_1 = arith.constant 0 : i32
    return %c0_i32, %c0_i32_0 : i32, i32
  }
  func.func @transform_8(%arg0: i32) -> (i32, i32) {
    %c0_i32 = arith.constant 0 : i32
    %c0_i32_0 = arith.constant 0 : i32
    %c0_i32_1 = arith.constant 0 : i32
    return %c0_i32, %c0_i32_0 : i32, i32
  }
  func.func @transform_9(%arg0: i32) -> i32 {
    %c0_i32 = arith.constant 0 : i32
    %c0_i32_0 = arith.constant 0 : i32
    return %c0_i32 : i32
  }
  func.func @transform_10(%arg0: i32) -> i32 {
    %c0_i32 = arith.constant 0 : i32
    return %arg0 : i32
  }
  func.func @transform_11(%arg0: i32) -> (i32, i32) {
    %c0_i32 = arith.constant 0 : i32
    %c0_i32_0 = arith.constant 0 : i32
    return %arg0, %c0_i32 : i32, i32
  }
  func.func @transform_12(%arg0: i32) -> i32 {
    %c0_i32 = arith.constant 0 : i32
    %c0_i32_0 = arith.constant 0 : i32
    return %c0_i32 : i32
  }
  func.func @transform_13(%arg0: i32) -> i32 {
    %c0_i32 = arith.constant 0 : i32
    %c0_i32_0 = arith.constant 0 : i32
    return %c0_i32 : i32
  }
}

module attributes {stable_mosaic.version = 14 : i64} {
  func.func @_p2_body(%arg0: i32, %arg1: memref<1024x512xf32, #tpu.memory_space<vmem>>, %arg2: memref<512xf32, #tpu.memory_space<vmem>>, %arg3: memref<512xf32, #tpu.memory_space<vmem>>, %arg4: memref<512xf32, #tpu.memory_space<vmem>>, %arg5: memref<512x256xf32, #tpu.memory_space<vmem>>, %arg6: memref<1024x256xf32, #tpu.memory_space<vmem>>, %arg7: memref<256xf32, #tpu.memory_space<vmem>>, %arg8: memref<256xf32, #tpu.memory_space<vmem>>) attributes {dimension_semantics = [#tpu.dimension_semantics<arbitrary>], iteration_bounds = array<i64: 16>, scalar_prefetch = 0 : i64, scratch_operands = 0 : i64, tpu.core_type = #tpu.core_type<tc>, window_params = [{transform_indices = @transform_0, window_bounds = array<i64: 1024, 512>}, {pipeline_mode = #tpu.pipeline_mode<synchronous>, transform_indices = @transform_1, window_bounds = array<i64: 512>}, {pipeline_mode = #tpu.pipeline_mode<synchronous>, transform_indices = @transform_2, window_bounds = array<i64: 512>}, {pipeline_mode = #tpu.pipeline_mode<synchronous>, transform_indices = @transform_3, window_bounds = array<i64: 512>}, {pipeline_mode = #tpu.pipeline_mode<synchronous>, transform_indices = @transform_4, window_bounds = array<i64: 512, 256>}, {transform_indices = @transform_5, window_bounds = array<i64: 1024, 256>}, {pipeline_mode = #tpu.pipeline_mode<synchronous>, transform_indices = @transform_6, window_bounds = array<i64: 256>}, {pipeline_mode = #tpu.pipeline_mode<synchronous>, transform_indices = @transform_7, window_bounds = array<i64: 256>}]} {
    %get3A = arith.constant 0 : index
    %get3A_0 = vector.load %arg2[%get3A] : memref<512xf32, #tpu.memory_space<vmem>>, vector<512xf32>
    %mul3A = arith.constant 6.10351563E-5 : f32
    %mul3A_1 = vector.broadcast %mul3A : f32 to vector<512xf32>
    %mul3A_2 = arith.mulf %get3A_0, %mul3A_1 : vector<512xf32>
    %get3A_3 = arith.constant 0 : index
    %get3A_4 = vector.load %arg3[%get3A_3] : memref<512xf32, #tpu.memory_space<vmem>>, vector<512xf32>
    %mul3A_5 = arith.constant 6.10351563E-5 : f32
    %mul3A_6 = vector.broadcast %mul3A_5 : f32 to vector<512xf32>
    %mul3A_7 = arith.mulf %get3A_4, %mul3A_6 : vector<512xf32>
    %mul3A_8 = arith.mulf %mul3A_2, %mul3A_2 : vector<512xf32>
    %sub3A = arith.subf %mul3A_7, %mul3A_8 : vector<512xf32>
    %get3A_9 = arith.constant 0 : index
    %get3A_10 = vector.load %arg4[%get3A_9] : memref<512xf32, #tpu.memory_space<vmem>>, vector<512xf32>
    %add3A = arith.constant 9.99999974E-6 : f32
    %add3A_11 = vector.broadcast %add3A : f32 to vector<512xf32>
    %add3A_12 = arith.addf %sub3A, %add3A_11 : vector<512xf32>
    %rsqrt3A = math.rsqrt %add3A_12 : vector<512xf32>
    %mul3A_13 = arith.mulf %get3A_10, %rsqrt3A : vector<512xf32>
    %get3A_14 = arith.constant 0 : index
    %get3A_15 = arith.constant 0 : index
    %get3A_16 = vector.load %arg1[%get3A_14, %get3A_15] : memref<1024x512xf32, #tpu.memory_space<vmem>>, vector<1024x512xf32>
    %broadcast_in_dim3A = vector.shape_cast %mul3A_2 : vector<512xf32> to vector<1x512xf32>
    %sub3A_17 = vector.broadcast %broadcast_in_dim3A : vector<1x512xf32> to vector<1024x512xf32>
    %sub3A_18 = arith.subf %get3A_16, %sub3A_17 : vector<1024x512xf32>
    %broadcast_in_dim3A_19 = vector.shape_cast %mul3A_13 : vector<512xf32> to vector<1x512xf32>
    %mul3A_20 = vector.broadcast %broadcast_in_dim3A_19 : vector<1x512xf32> to vector<1024x512xf32>
    %mul3A_21 = arith.mulf %sub3A_18, %mul3A_20 : vector<1024x512xf32>
    %get3A_22 = arith.constant 0 : index
    %get3A_23 = arith.constant 0 : index
    %get3A_24 = vector.load %arg5[%get3A_22, %get3A_23] : memref<512x256xf32, #tpu.memory_space<vmem>>, vector<512x256xf32>
    %dot_general3A = arith.constant dense<0.000000e+00> : vector<1024x256xf32>
    %dot_general3A_25 = tpu.matmul %mul3A_21, %get3A_24, %dot_general3A {dimension_numbers = #tpu.dot_dimension_numbers<[1], [0], [0], [1], [0, 0, 1, 1], [], []>, transpose_lhs_hint = false} : vector<1024x512xf32>, vector<512x256xf32>, vector<1024x256xf32> -> vector<1024x256xf32>
    %swap3A = arith.constant 0 : index
    %swap3A_26 = arith.constant 0 : index
    %swap3A_27 = vector.load %arg6[%swap3A, %swap3A_26] : memref<1024x256xf32, #tpu.memory_space<vmem>>, vector<1024x256xf32>
    tpu.vector_store %arg6[%swap3A, %swap3A_26], %dot_general3A_25 {strides = array<i32>} : memref<1024x256xf32, #tpu.memory_space<vmem>>, vector<1024x256xf32>,
    %eq3A = arith.constant 0 : i32
    %eq3A_28 = arith.cmpi eq, %arg0, %eq3A : i32
    %convert_element_type3A = arith.extui %eq3A_28 : i1 to i32
    %cond3A = arith.constant 0 : i32
    %cond3A_29 = arith.cmpi ne, %convert_element_type3A, %cond3A : i32
    scf.if %cond3A_29 {
      %broadcast_in_dim3A_44 = arith.constant 0.000000e+00 : f32
      %broadcast_in_dim3A_45 = vector.broadcast %broadcast_in_dim3A_44 : f32 to vector<256xf32>
      %swap3A_46 = arith.constant 0 : index
      %swap3A_47 = vector.load %arg7[%swap3A_46] : memref<256xf32, #tpu.memory_space<vmem>>, vector<256xf32>
      tpu.vector_store %arg7[%swap3A_46], %broadcast_in_dim3A_45 {strides = array<i32>} : memref<256xf32, #tpu.memory_space<vmem>>, vector<256xf32>,
      %broadcast_in_dim3A_48 = arith.constant 0.000000e+00 : f32
      %broadcast_in_dim3A_49 = vector.broadcast %broadcast_in_dim3A_48 : f32 to vector<256xf32>
      %swap3A_50 = arith.constant 0 : index
      %swap3A_51 = vector.load %arg8[%swap3A_50] : memref<256xf32, #tpu.memory_space<vmem>>, vector<256xf32>
      tpu.vector_store %arg8[%swap3A_50], %broadcast_in_dim3A_49 {strides = array<i32>} : memref<256xf32, #tpu.memory_space<vmem>>, vector<256xf32>,
    } else {
    }
    %get3A_30 = arith.constant 0 : index
    %get3A_31 = vector.load %arg7[%get3A_30] : memref<256xf32, #tpu.memory_space<vmem>>, vector<256xf32>
    %reduce_sum3A = arith.constant dense<0.000000e+00> : vector<256xf32>
    %reduce_sum3A_32 = vector.multi_reduction <add>, %dot_general3A_25, %reduce_sum3A [0] : vector<1024x256xf32> to vector<256xf32>
    %add3A_33 = arith.addf %get3A_31, %reduce_sum3A_32 : vector<256xf32>
    %swap3A_34 = arith.constant 0 : index
    %swap3A_35 = vector.load %arg7[%swap3A_34] : memref<256xf32, #tpu.memory_space<vmem>>, vector<256xf32>
    tpu.vector_store %arg7[%swap3A_34], %add3A_33 {strides = array<i32>} : memref<256xf32, #tpu.memory_space<vmem>>, vector<256xf32>,
    %get3A_36 = arith.constant 0 : index
    %get3A_37 = vector.load %arg8[%get3A_36] : memref<256xf32, #tpu.memory_space<vmem>>, vector<256xf32>
    %mul3A_38 = arith.mulf %dot_general3A_25, %dot_general3A_25 : vector<1024x256xf32>
    %reduce_sum3A_39 = arith.constant dense<0.000000e+00> : vector<256xf32>
    %reduce_sum3A_40 = vector.multi_reduction <add>, %mul3A_38, %reduce_sum3A_39 [0] : vector<1024x256xf32> to vector<256xf32>
    %add3A_41 = arith.addf %get3A_37, %reduce_sum3A_40 : vector<256xf32>
    %swap3A_42 = arith.constant 0 : index
    %swap3A_43 = vector.load %arg8[%swap3A_42] : memref<256xf32, #tpu.memory_space<vmem>>, vector<256xf32>
    tpu.vector_store %arg8[%swap3A_42], %add3A_41 {strides = array<i32>} : memref<256xf32, #tpu.memory_space<vmem>>, vector<256xf32>,
    return
  }
  func.func @transform_0(%arg0: i32) -> (i32, i32) {
    %c0_i32 = arith.constant 0 : i32
    %c0_i32_0 = arith.constant 0 : i32
    return %arg0, %c0_i32 : i32, i32
  }
  func.func @transform_1(%arg0: i32) -> i32 {
    %c0_i32 = arith.constant 0 : i32
    %c0_i32_0 = arith.constant 0 : i32
    return %c0_i32 : i32
  }
  func.func @transform_2(%arg0: i32) -> i32 {
    %c0_i32 = arith.constant 0 : i32
    %c0_i32_0 = arith.constant 0 : i32
    return %c0_i32 : i32
  }
  func.func @transform_3(%arg0: i32) -> i32 {
    %c0_i32 = arith.constant 0 : i32
    %c0_i32_0 = arith.constant 0 : i32
    return %c0_i32 : i32
  }
  func.func @transform_4(%arg0: i32) -> (i32, i32) {
    %c0_i32 = arith.constant 0 : i32
    %c0_i32_0 = arith.constant 0 : i32
    %c0_i32_1 = arith.constant 0 : i32
    return %c0_i32, %c0_i32_0 : i32, i32
  }
  func.func @transform_5(%arg0: i32) -> (i32, i32) {
    %c0_i32 = arith.constant 0 : i32
    %c0_i32_0 = arith.constant 0 : i32
    return %arg0, %c0_i32 : i32, i32
  }
  func.func @transform_6(%arg0: i32) -> i32 {
    %c0_i32 = arith.constant 0 : i32
    %c0_i32_0 = arith.constant 0 : i32
    return %c0_i32 : i32
  }
  func.func @transform_7(%arg0: i32) -> i32 {
    %c0_i32 = arith.constant 0 : i32
    %c0_i32_0 = arith.constant 0 : i32
    return %c0_i32 : i32
  }
}

module attributes {stable_mosaic.version = 14 : i64} {
  func.func @_p3_body(%arg0: i32, %arg1: memref<1024x256xf32, #tpu.memory_space<vmem>>, %arg2: memref<256xf32, #tpu.memory_space<vmem>>, %arg3: memref<256xf32, #tpu.memory_space<vmem>>, %arg4: memref<256xf32, #tpu.memory_space<vmem>>, %arg5: memref<256xf32, #tpu.memory_space<vmem>>, %arg6: memref<1024xf32, #tpu.memory_space<vmem>>, %arg7: memref<1024xf32, #tpu.memory_space<vmem>>, %arg8: memref<1024xf32, #tpu.memory_space<vmem>>) attributes {dimension_semantics = [#tpu.dimension_semantics<arbitrary>], iteration_bounds = array<i64: 16>, scalar_prefetch = 0 : i64, scratch_operands = 0 : i64, tpu.core_type = #tpu.core_type<tc>, window_params = [{transform_indices = @transform_0, window_bounds = array<i64: 1024, 256>}, {pipeline_mode = #tpu.pipeline_mode<synchronous>, transform_indices = @transform_1, window_bounds = array<i64: 256>}, {pipeline_mode = #tpu.pipeline_mode<synchronous>, transform_indices = @transform_2, window_bounds = array<i64: 256>}, {pipeline_mode = #tpu.pipeline_mode<synchronous>, transform_indices = @transform_3, window_bounds = array<i64: 256>}, {pipeline_mode = #tpu.pipeline_mode<synchronous>, transform_indices = @transform_4, window_bounds = array<i64: 256>}, {transform_indices = @transform_5, window_bounds = array<i64: 1024>}, {transform_indices = @transform_6, window_bounds = array<i64: 1024>}, {transform_indices = @transform_7, window_bounds = array<i64: 1024>}]} {
    %get3A = arith.constant 0 : index
    %get3A_0 = vector.load %arg2[%get3A] : memref<256xf32, #tpu.memory_space<vmem>>, vector<256xf32>
    %mul3A = arith.constant 6.10351563E-5 : f32
    %mul3A_1 = vector.broadcast %mul3A : f32 to vector<256xf32>
    %mul3A_2 = arith.mulf %get3A_0, %mul3A_1 : vector<256xf32>
    %get3A_3 = arith.constant 0 : index
    %get3A_4 = vector.load %arg3[%get3A_3] : memref<256xf32, #tpu.memory_space<vmem>>, vector<256xf32>
    %mul3A_5 = arith.constant 6.10351563E-5 : f32
    %mul3A_6 = vector.broadcast %mul3A_5 : f32 to vector<256xf32>
    %mul3A_7 = arith.mulf %get3A_4, %mul3A_6 : vector<256xf32>
    %mul3A_8 = arith.mulf %mul3A_2, %mul3A_2 : vector<256xf32>
    %sub3A = arith.subf %mul3A_7, %mul3A_8 : vector<256xf32>
    %get3A_9 = arith.constant 0 : index
    %get3A_10 = vector.load %arg4[%get3A_9] : memref<256xf32, #tpu.memory_space<vmem>>, vector<256xf32>
    %add3A = arith.constant 9.99999974E-6 : f32
    %add3A_11 = vector.broadcast %add3A : f32 to vector<256xf32>
    %add3A_12 = arith.addf %sub3A, %add3A_11 : vector<256xf32>
    %rsqrt3A = math.rsqrt %add3A_12 : vector<256xf32>
    %mul3A_13 = arith.mulf %get3A_10, %rsqrt3A : vector<256xf32>
    %get3A_14 = arith.constant 0 : index
    %get3A_15 = vector.load %arg5[%get3A_14] : memref<256xf32, #tpu.memory_space<vmem>>, vector<256xf32>
    %reduce_sum3A = vector.shape_cast %get3A_15 : vector<256xf32> to vector<1x256xf32>
    %reduce_sum3A_16 = arith.constant dense<0.000000e+00> : vector<1xf32>
    %reduce_sum3A_17 = vector.multi_reduction <add>, %reduce_sum3A, %reduce_sum3A_16 [1] : vector<1x256xf32> to vector<1xf32>
    %reduce_sum3A_18 = vector.shape_cast %reduce_sum3A_17 : vector<1xf32> to vector<1x1xf32>
    %reduce_sum3A_19 = vector.extract %reduce_sum3A_18[0, 0] : f32 from vector<1x1xf32>
    %mul3A_20 = arith.mulf %mul3A_2, %mul3A_13 : vector<256xf32>
    %reduce_sum3A_21 = vector.shape_cast %mul3A_20 : vector<256xf32> to vector<1x256xf32>
    %reduce_sum3A_22 = arith.constant dense<0.000000e+00> : vector<1xf32>
    %reduce_sum3A_23 = vector.multi_reduction <add>, %reduce_sum3A_21, %reduce_sum3A_22 [1] : vector<1x256xf32> to vector<1xf32>
    %reduce_sum3A_24 = vector.shape_cast %reduce_sum3A_23 : vector<1xf32> to vector<1x1xf32>
    %reduce_sum3A_25 = vector.extract %reduce_sum3A_24[0, 0] : f32 from vector<1x1xf32>
    %sub3A_26 = arith.subf %reduce_sum3A_19, %reduce_sum3A_25 : f32
    %get3A_27 = arith.constant 0 : index
    %get3A_28 = arith.constant 0 : index
    %get3A_29 = vector.load %arg1[%get3A_27, %get3A_28] : memref<1024x256xf32, #tpu.memory_space<vmem>>, vector<1024x256xf32>
    %broadcast_in_dim3A = vector.shape_cast %mul3A_13 : vector<256xf32> to vector<1x256xf32>
    %mul3A_30 = vector.broadcast %broadcast_in_dim3A : vector<1x256xf32> to vector<1024x256xf32>
    %mul3A_31 = arith.mulf %get3A_29, %mul3A_30 : vector<1024x256xf32>
    %reduce_sum3A_32 = arith.constant dense<0.000000e+00> : vector<1024xf32>
    %reduce_sum3A_33 = vector.multi_reduction <add>, %mul3A_31, %reduce_sum3A_32 [1] : vector<1024x256xf32> to vector<1024xf32>
    %add3A_34 = vector.broadcast %sub3A_26 : f32 to vector<1024xf32>
    %add3A_35 = arith.addf %reduce_sum3A_33, %add3A_34 : vector<1024xf32>
    %get3A_36 = arith.constant 0 : index
    %get3A_37 = vector.load %arg6[%get3A_36] : memref<1024xf32, #tpu.memory_space<vmem>>, vector<1024xf32>
    %add3A_38 = arith.addf %get3A_37, %add3A_35 : vector<1024xf32>
    %get3A_39 = arith.constant 0 : index
    %get3A_40 = vector.load %arg7[%get3A_39] : memref<1024xf32, #tpu.memory_space<vmem>>, vector<1024xf32>
    %add3A_41 = arith.addf %add3A_38, %get3A_40 : vector<1024xf32>
    %swap3A = arith.constant 0 : index
    %swap3A_42 = vector.load %arg8[%swap3A] : memref<1024xf32, #tpu.memory_space<vmem>>, vector<1024xf32>
    tpu.vector_store %arg8[%swap3A], %add3A_41 {strides = array<i32>} : memref<1024xf32, #tpu.memory_space<vmem>>, vector<1024xf32>,
    return
  }
  func.func @transform_0(%arg0: i32) -> (i32, i32) {
    %c0_i32 = arith.constant 0 : i32
    %c0_i32_0 = arith.constant 0 : i32
    return %arg0, %c0_i32 : i32, i32
  }
  func.func @transform_1(%arg0: i32) -> i32 {
    %c0_i32 = arith.constant 0 : i32
    %c0_i32_0 = arith.constant 0 : i32
    return %c0_i32 : i32
  }
  func.func @transform_2(%arg0: i32) -> i32 {
    %c0_i32 = arith.constant 0 : i32
    %c0_i32_0 = arith.constant 0 : i32
    return %c0_i32 : i32
  }
  func.func @transform_3(%arg0: i32) -> i32 {
    %c0_i32 = arith.constant 0 : i32
    %c0_i32_0 = arith.constant 0 : i32
    return %c0_i32 : i32
  }
  func.func @transform_4(%arg0: i32) -> i32 {
    %c0_i32 = arith.constant 0 : i32
    %c0_i32_0 = arith.constant 0 : i32
    return %c0_i32 : i32
  }
  func.func @transform_5(%arg0: i32) -> i32 {
    %c0_i32 = arith.constant 0 : i32
    return %arg0 : i32
  }
  func.func @transform_6(%arg0: i32) -> i32 {
    %c0_i32 = arith.constant 0 : i32
    return %arg0 : i32
  }
  func.func @transform_7(%arg0: i32) -> i32 {
    %c0_i32 = arith.constant 0 : i32
    return %arg0 : i32
  }
}

</mosaic_0001>

<sc_bundles>
// kernel: kernel.11.cloned.1.call-start
scs
__scs_entry_jumppad:
0x0: {  	(pc) =	sbr.rel $0x88, $3  }
0x1: {  	(tag) =	ssettag $0x0;
	lr =	simm.s32 $0x1  }
0x2: {  	[smem:$0x3F92] =	sst lr;
	_ =	strace $0xD0000000  }
0x3: {  	_ = 	snop  }
0x4: {  	_ = 	snop  }
0x5: {  	_ = 	snop  }
0x6: {  	_ = 	snop  }
0x7: {  	_ = 	snop  }
__scs_overlays_trampoline_lowered:
0x8: {  	[smem:$0x3FA1] =	sst s0  }
0x9: {  	[smem:$0x3FA2] =	sst s1  }
0xa: {  	[smem:$0x3FA3] =	sst s2  }
0xb: {  	[smem:$0x3FA4] =	sst s3  }
0xc: {  	[smem:$0x3FA5] =	sst s4  }
0xd: {  	[smem:$0x3FA6] =	sst s5  }
0xe: {  	[smem:$0x3FA7] =	sst s6  }
0xf: {  	[smem:$0x3FA8] =	sst s7  }
0x10: {  	[smem:$0x3FA9] =	sst s8  }
0x11: {  	[smem:$0x3FAA] =	sst s9;
	s0 =	simm.s32 @!p0 $0x0  }
0x12: {  	s1 =	sld [smem:$0x3F90];
	s0 =	simm.s32 @p0 $0x1  }
0x13: {  	[smem:$0x3FAB] =	sst s0;
	s0 =	simm.s32 @!p1 $0x0  }
0x14: {  	s2 =	sld [smem:$0x3F8F];
	s0 =	simm.s32 @p1 $0x1  }
0x15: {  	[smem:$0x3FAC] =	sst s0;
	s0 =	simm.s32 @!p2 $0x0  }
0x16: {  	s3 =	sld [smem:$0x3FDB];
	s0 =	simm.s32 @p2 $0x1  }
0x17: {  	s4 =	simm.s32 $0x1BF5;
	[smem:$0x3FAE] =	sst s0  }
0x18: {  	s0 =	sld [smem:$0x3F91];
	_ =	swait.ge [sflag:s4], $0x0  }
0x19: {  	s7 =	sld [smem:$0x3F92]  }
0x1a: {  	s8 =	sadd.s32 $0xFFFFE003, lr  }
0x1b: {  	s9 =	sadd.s32 $0xFFFFFEF7, lr;
	s5 =	simm.s32 $0xFFFFFFFF;
	p2 =	slt.u32 s8, $0xFFFFF086  }
0x1c: {  	p1 =	slt.u32 s9, $0xF7A;
	s5 =	simm.s32 @!p2 $0x0  }
0x1d: {  	s5 =	simm.s32 @p1 $0x1;
	p0 =	seq.s32 s7, s2  }
0x1e: {  	s7 =	smul.u32 @!p0 $0xF7A, s2;
	p2 =	seq.s32 @!p0 s5, $0x0  }
0x1f: {  	s9 =	smul.u32 $0xF7A, s1;
	s8 =	simm.s32 @!p0 $0x1BF5;
	p2 =	por !p2, p0  }
0x20: {  	[sflag:s8] =	ssyncset.s32 @!p0 $0xFFFFF086;
	s6 =	sadd.s32 @!p0 s3, s7;
	s7 =	simm.s32 @!p0 $0x108  }
0x21: {  	s3 =	sadd.s32 s3, s9;
	s6 =	sadd.s32 @!p0 $0x88, s6;
	s7 =	simm.s32 @p2 $0x1082  }
0x22: {  	[simem:s7], [sflag:s8] =	dma.local @!p0 [hbm:s6], $0xF7A  }
0x23: {  	s9 =	sor.u32 $0xD0000000, s2;
	s6 =	simm.s32 $0x108;
	_ =	swait.ge @!p0 [sflag:s8], $0x0  }
0x24: {  	s3 =	sadd.s32 $0x88, s3;
	s6 =	simm.s32 @!p1 $0x1082;
	[sflag:s4] =	ssyncset.s32 $0xFFFFF086  }
0x25: {  	[simem:s6], [sflag:s4] =	dma.local [hbm:s3], $0xF7A  }
0x26: {  	[smem:$0x3F92] =	sst s1;
	(tag) =	ssettag s2;
	_ =	strace s9  }
0x27: {  	s1 =	sld [smem:$0x3FA2]  }
0x28: {  	s2 =	sld [smem:$0x3FA3]  }
0x29: {  	s4 =	sld [smem:$0x3FA5]  }
0x2a: {  	p0 =	seq.s32 s5, $0x0;
	s5 =	sld [smem:$0x3FA6]  }
0x2b: {  	s6 =	sld [smem:$0x3FA7]  }
0x2c: {  	s7 =	sld [smem:$0x3FA8]  }
0x2d: {  	s3 =	simm.s32 $0x108;
	s8 =	sld [smem:$0x3FA9]  }
0x2e: {  	s3 =	simm.s32 @!p0 $0x1082;
	s9 =	sld [smem:$0x3FAA]  }
0x2f: {  	lr =	sadd.s32 s0, s3;
	s0 =	sld [smem:$0x3FA1]  }
0x30: {  	s3 =	sld [smem:$0x3FA4]  }
0x31: {  	[smem:$0x3FAD] =	sst s10  }
0x32: {  	s10 =	sld [smem:$0x3FAB];
	_ =	sdelay $0x3  }
0x33: {  	p0 =	seq.s32 s10, $0x1;
	s10 =	sld [smem:$0x3FAD];
	_ =	sdelay $0x3  }
0x34: {  	[smem:$0x3FAD] =	sst s10  }
0x35: {  	s10 =	sld [smem:$0x3FAC];
	_ =	sdelay $0x3  }
0x36: {  	p1 =	seq.s32 s10, $0x1;
	s10 =	sld [smem:$0x3FAD];
	_ =	sdelay $0x3  }
0x37: {  	[smem:$0x3FAD] =	sst s10  }
0x38: {  	s10 =	sld [smem:$0x3FAE]  }
0x39: {  	_ = 	snop;
	(pc) =	sbr.ind lr, $3  }
0x3a: {  	_ = 	snop  }
0x3b: {  	_ = 	snop  }
0x3c: {  	p2 =	seq.s32 s10, $0x1;
	s10 =	sld [smem:$0x3FAD]  }
0x3d: {  	_ =	shalt  }
0x3e: {  	_ =	shalt  }
0x3f: {  	_ =	shalt  }
0x40: {  	_ =	shalt  }
0x41: {  	_ =	shalt  }
0x42: {  	_ =	shalt  }
0x43: {  	_ =	shalt  }
0x44: {  	_ =	shalt  }
0x45: {  	_ =	shalt  }
0x46: {  	_ =	shalt  }
0x47: {  	_ =	shalt  }
0x48: {  	_ =	shalt  }
0x49: {  	_ =	shalt  }
0x4a: {  	_ =	shalt  }
0x4b: {  	_ =	shalt  }
0x4c: {  	_ =	shalt  }
0x4d: {  	_ =	shalt  }
0x4e: {  	_ =	shalt  }
0x4f: {  	_ =	shalt  }
0x50: {  	_ =	shalt  }
0x51: {  	_ =	shalt  }
0x52: {  	_ =	shalt  }
0x53: {  	_ =	shalt  }
0x54: {  	_ =	shalt  }
0x55: {  	_ =	shalt  }
0x56: {  	_ =	shalt  }
0x57: {  	_ =	shalt  }
0x58: {  	_ =	shalt  }
0x59: {  	_ =	shalt  }
0x5a: {  	_ =	shalt  }
0x5b: {  	_ =	shalt  }
0x5c: {  	_ =	shalt  }
0x5d: {  	_ =	shalt  }
0x5e: {  	_ =	shalt  }
0x5f: {  	_ =	shalt  }
0x60: {  	_ =	shalt  }
0x61: {  	_ =	shalt  }
0x62: {  	_ =	shalt  }
0x63: {  	_ =	shalt  }
0x64: {  	_ =	shalt  }
0x65: {  	_ =	shalt  }
0x66: {  	_ =	shalt  }
0x67: {  	_ =	shalt  }
0x68: {  	_ =	shalt  }
0x69: {  	_ =	shalt  }
0x6a: {  	_ =	shalt  }
0x6b: {  	_ =	shalt  }
0x6c: {  	_ =	shalt  }
0x6d: {  	_ =	shalt  }
0x6e: {  	_ =	shalt  }
0x6f: {  	_ =	shalt  }
0x70: {  	_ =	shalt  }
0x71: {  	_ =	shalt  }
0x72: {  	_ =	shalt  }
0x73: {  	_ =	shalt  }
0x74: {  	_ =	shalt  }
0x75: {  	_ =	shalt  }
0x76: {  	_ =	shalt  }
0x77: {  	_ =	shalt  }
0x78: {  	_ =	shalt  }
0x79: {  	_ =	shalt  }
0x7a: {  	_ =	shalt  }
0x7b: {  	_ =	shalt  }
0x7c: {  	_ =	shalt  }
0x7d: {  	_ =	shalt  }
0x7e: {  	_ =	shalt  }
0x7f: {  	_ =	shalt  }
0x80: {  	_ =	shalt  }
0x81: {  	_ =	shalt  }
0x82: {  	_ =	shalt  }
0x83: {  	_ =	shalt  }
0x84: {  	_ =	shalt  }
0x85: {  	_ =	shalt  }
0x86: {  	_ =	shalt  }
0x87: {  	_ =	shalt  }
.Lfunc_end0:
.L_simem_size_0:
called_computation.1_lowered:
.L_overlay_start_0:
0x88: {  	s2 =	sld [smem:$0x3FD9]  }
0x89: {  	s3 =	sld [smem:$0x3FFE];
	_ =	sdelay $0x1  }
0x8a: {  	s1 =	srdreg.scid  }
0x8b: {  	s0 =	sand.u32 $0x1, s1  }
0x8c: {  	s17 =	sshll.u32 s0, $0xA;
	s2 =	sadd.s32 s3, s2  }
0x8d: {  	s2 =	sadd.s32 s2, s17  }
0x8e: {  	[smem:$0x3FB9] =	sst s2  }
0x8f: {  	_ = 	snop  }
0x90: {  	s2 =	sld [smem:$0x3FD0];
	(tm) =	ssettm $0x1  }
0x91: {  	s18 =	sld [smem:$0x3FFB];
	_ =	sdelay $0x3  }
0x92: {  	_ =	strace s18  }
0x93: {  	s3 =	sld [smem:$0x3FFC];
	_ =	sdelay $0x3  }
0x94: {  	_ =	strace s3  }
0x95: {  	s3 =	sld [smem:$0x3FFD];
	_ =	sdelay $0x3  }
0x96: {  	_ =	strace s3  }
0x97: {  	_ =	strace $0x8FFFFFFF  }
0x98: {  	s19 =	sld [smem:$0x3FDB];
	_ =	sdelay $0x1  }
0x99: {  	s4 =	simm.s32 $_scs_section_size  }
0x9a: {  	s5 =	simm.s32 $_size__tile_overlayer_lowered;
	s6 =	simm.s32 $_tile_overlayer_lowered  }
0x9b: {  	s22 =	simm.s32 $0x1BFF;
	s21 =	sshll.u32 s6, $0x1;
	s3 =	sadd.s32 s4, s19  }
0x9c: {  	s7 =	simm.s32 $0x0;
	s20 =	sshll.u32 s5, $0x1;
	s5 =	sadd.s32 s21, s3  }
0x9d: {  	[timem:s7], [sflag:s22] =	dma.local [hbm:s5], s20  }
0x9e: {  	_ =	swait.ge [sflag:s22], s20  }
0x9f: {  	s4 =	ssub.s32 $0x0, s20;
	[sflag:s22] =	ssyncset.done $0x0  }
0xa0: {  	[sflag:s22] =	ssyncadd.s32 s4;
	_ =	sdelay $0x1  }
0xa1: {  	s23 =	simm.s32 $0x1B8B  }
0xa2: {  	_ =	swait.ge [sflag:s23], $0x1  }
0xa3: {  	[sflag:s23] =	ssyncset.done $0x0  }
0xa4: {  	s25 =	simm.s32 $0x1B8E;
	s24 =	sld [smem:$0x3FFE];
	[sflag:s23] =	ssyncadd.s32 $0xFFFFFFFF  }
0xa5: {  	s26 =	simm.s32 $execute0_lowered;
	[smem:$0x3FD2] =	sst s25  }
0xa6: {  	s5 =	sshll.u32 s26, $0x1;
	_ =	strace $0x80000046;
	[dreg:$0x1] =	wrdreg $0xFFFFFFFF  }
0xa7: {  	s28 =	simm.s32 $_size_execute0_lowered;
	s3 =	sadd.s32 s3, s5;
	[dreg:$0x0] =	wrdreg $0x0  }
0xa8: {  	s5 =	sshll.u32 s28, $0x1;
	[dreg:$0x2] =	wrdreg s3  }
0xa9: {  	[dreg:$0x3] =	wrdreg s5  }
0xaa: {  	[dreg:$0x4] =	wrdreg $0xC0  }
0xab: {  	_ =	task [dreg:s7], $0x5FFFF  }
0xac: {  	[dreg:$0x1] =	wrdreg $0xFFFFFFFF  }
0xad: {  	[dreg:$0x0] =	wrdreg $0x60  }
0xae: {  	[dreg:$0x2] =	wrdreg s24  }
0xaf: {  	[dreg:$0x3] =	wrdreg s2  }
0xb0: {  	[dreg:$0x4] =	wrdreg $0xA  }
0xb1: {  	_ =	task.clear_ibuf [dreg:s7], $0x5FFFF;
	_ =	strace $0x90000046  }
0xb2: {  	s29 =	simm.s32 $0xA;
	_ =	strace $0x80000048  }
0xb3: {  	_ =	swait.ge [sflag:s29], $0x1  }
0xb4: {  	[sflag:s29] =	ssyncadd.s32 $0xFFFFFFFF  }
0xb5: {  	_ =	strace $0x90000048  }
0xb6: {  	_ =	sfence  }
0xb7: {  	s30 =	sld [smem:$0x0];
	_ =	sdelay $0x2  }
0xb8: {  	s31 =	sshll.u32 s1, $0xD;
	s1 =	sshrl.u32 s1, $0x2  }
0xb9: {  	s3 =	sand.u32 $0x4000, s31;
	s1 =	sadd.s32 s1, s30  }
0xba: {  	s0 =	sor.u32 s3, s0;
	s1 =	sshll.u32 s1, $0x11  }
0xbb: {  	s0 =	sor.u32 s1, s0  }
0xbc: {  	s0 =	sadd.s32 $0x8F2B, s0  }
0xbd: {  	[sflag:s0] =	ssyncadd.remote.s32 $0x1  }
0xbe: {  	_ =	sfence.sel $0xFFFF  }
0xbf: {  	[dreg:$0x0] =	wrdreg $0xFFFFFFFF;
	(pc) =	sbr.abs _section_cstart, $3  }
0xc0: {  	[dreg:$0x1] =	wrdreg $0xFFFFFFFF  }
0xc1: {  	_ =	task.clear_ibuf [dreg:s7], $0x2FFFF;
	_ =	strace $0x9FFFFFFF  }
0xc2: {  	(tm) =	ssettm $0x7FFFFFFF  }
0xc3: {  	_ =	shalt  }
tec
execute0_lowered:
.L_overlay_start_1:
0x0: {  	(tag) =	ssettag $0x1  }
0x1: {  	s0 =	rddreg [dreg:$0x0];
	s2 =	simm.s32 $0x0;
	s1 =	srdreg.scid  }
0x2: {  	s8 =	stileid.u32;
	s12 =	simm.s32 $0x2;
	s15 =	simm.s32 $0x80  }
0x3: {  	s16 =	simm.s32 $0x1180;
	s17 =	simm.s32 $0x5180;
	s18 =	simm.s32 $0x100  }
0x4: {  	s19 =	simm.s32 $0x9180;
	s20 =	simm.s32 $0x180;
	s21 =	simm.s32 $0xD180  }
0x5: {  	s22 =	simm.s32 $0x200;
	s23 =	simm.s32 $0x11180;
	s24 =	simm.s32 $0x280  }
0x6: {  	s25 =	simm.s32 $0x15180;
	s28 =	simm.s32 $0x300;
	s29 =	simm.s32 $0x19180  }
0x7: {  	s30 =	simm.s32 $0x1;
	s31 =	simm.s32 $0x1B180;
	[smem:$0x7FF] =	sst s2  }
0x8: {  	s4 =	sadd.s32 $0x27C9800, s0;
	s1 =	sand.u32 $0x1, s1;
	s5 =	sadd.s32 $0x10400, s0  }
0x9: {  	s6 =	sadd.s32 $0x3400, s0;
	s8 =	sshll.u32 s8, $0x1;
	s3 =	ssub.s32 $0x2, s1  }
0xa: {  	s9 =	sadd.s32 $0x3200, s0;
	_ =	strace $0x80000047;
	s7 =	sshrl.u32 s3, $0x1  }
0xb: {  	[dreg:$0x3] =	wrdreg s9;
	s1 =	sor.u32 s1, s8;
	s3 =	ssub.s32 s3, s7  }
0xc: {  	v0 =	vlaneseq.u32;
	s8 =	sadd.s32 $0x1D400, s0;
	s9 =	smul.u32 $0x3400, s1;
	s26 =	smax.u32 s3, $0x1  }
0xd: {  	v0 =	vmul.u32 $0x80, v0;
	s1 =	simm.s32 $0x0;
	[dreg:$0x4] =	wrdreg s26;
	s26 =	simm.s32 $0x40  }
.LBB2_1:
0xe: {  	[dreg:$0x5] =	wrdreg s1  }
0xf: {  	s0 =	rddreg [dreg:$0x1];
	s11 =	simm.s32 $0xA80  }
0x10: {  	[tilespmem:s11], [sflag:$0x2] =	stream.linear.gather [hbm4b:s0+s2], $0x380, $0x38;
	[tilespmem:$0x1F180] =	vst v63  }
0x11: {  	_ =	swait.ge [sflag:s12], $0x380  }
0x12: {  	[sflag:s12] =	ssyncset.done $0x0  }
0x13: {  	s14 =	simm.s32 $0xE00;
	s13 =	rddreg [dreg:$0x3];
	[sflag:s12] =	ssyncadd.s32 $0xFFFFFC80  }
0x14: {  	[tilespmem:s14], [sflag:$0x2] =	stream.linear.gather [hbm4b:s13+s2], $0x380, $0x38;
	[tilespmem:$0x1F180] =	vst v63  }
0x15: {  	_ =	swait.ge [sflag:s12], $0x380  }
0x16: {  	[sflag:s12] =	ssyncset.done $0x0  }
0x17: {  	s3 =	simm.s32 $0x0;
	[sflag:s12] =	ssyncadd.s32 $0xFFFFFC80  }
.LBB2_2:
0x18: {  	s0 =	smul.u32 $0x340, s3;
	_ =	sdelay $0x1  }
0x19: {  	s1 =	sadd.s32 s9, s0  }
0x1a: {  	s0 =	sshrl.u32 s1, $0x3  }
0x1b: {  	s7 =	sadd.s32 s5, s0  }
0x1c: {  	[tilespmem:s2], [sflag:$0x2] =	stream.linear.gather [hbm4b:s7+s2], $0x340, $0x38;
	[tilespmem:$0x1F180] =	vst v63  }
0x1d: {  	_ =	swait.ge [sflag:s12], $0x340  }
0x1e: {  	[sflag:s12] =	ssyncset.done $0x0  }
0x1f: {  	s11 =	simm.s32 $0x700;
	s0 =	sadd.s32 s6, s0;
	[sflag:s12] =	ssyncadd.s32 $0xFFFFFCC0  }
0x20: {  	[tilespmem:s11], [sflag:$0x2] =	stream.linear.gather [hbm4b:s0+s2], $0x340, $0x38;
	[tilespmem:$0x1F180] =	vst v63  }
0x21: {  	_ =	swait.ge [sflag:s12], $0x340  }
0x22: {  	[sflag:s12] =	ssyncset.done $0x0  }
0x23: {  	s13 =	simm.s32 $0x20;
	[sflag:s12] =	ssyncadd.s32 $0xFFFFFCC0  }
0x24: {  	s14 =	simm.s32 $0x720;
	v1 =	vld [tilespmem:s13+$0x10]  }
0x25: {  	v2 =	vld [tilespmem:s14+$0x10]  }
0x26: {  	v3 =	vld [tilespmem:s13+$0xFFFFFFF0]  }
0x27: {  	v4 =	vld [tilespmem:s14+$0xFFFFFFF0]  }
0x28: {  	v6 =	vld [tilespmem:s13+$0x0]  }
0x29: {  	v7 =	vld [tilespmem:s14+$0x0];
	_ =	sdelay $0x1  }
0x2a: {  	v5 =	vld [tilespmem:s14+$0xFFFFFFE0]  }
0x2b: {  	s7 =	simm.s32 $0x60;
	v1 =	vadd.s32 v1, v2;
	v2 =	vld [tilespmem:s13+$0xFFFFFFE0]  }
0x2c: {  	s11 =	simm.s32 $0x760;
	v9 =	vld [tilespmem:s7+$0x10];
	v3 =	vadd.s32 v3, v4;
	v8 =	vshrl.u32 v1, $0x3  }
0x2d: {  	v6 =	vadd.s32 v6, v7;
	v4 =	vshrl.u32 v3, $0x3;
	[tilespmem:s13+$0x10] =	vst v8;
	v8 =	vld [tilespmem:s11+$0x10]  }
0x2e: {  	v10 =	vand.u32 $0x7, v3;
	v3 =	vld [tilespmem:s7+$0xFFFFFFF0];
	v7 =	vshrl.u32 v6, $0x3;
	[tilespmem:s13+$0xFFFFFFF0] =	vst v4  }
0x2f: {  	s10 =	simm.s32 $0x3A0;
	v1 =	vand.u32 $0x7, v1;
	v4 =	vld [tilespmem:s11+$0xFFFFFFF0];
	[tilespmem:s13+$0x0] =	vst v7  }
0x30: {  	v7 =	vld [tilespmem:s7+$0xFFFFFFE0];
	[tilespmem:s10+$0x10] =	vst v1;
	v5 =	vadd.s32 v2, v5  }
0x31: {  	[tilespmem:s10+$0xFFFFFFF0] =	vst v10;
	v2 =	vld [tilespmem:s7+$0x0];
	v10 =	vshrl.u32 v5, $0x3  }
0x32: {  	v11 =	vand.u32 $0x7, v5;
	v5 =	vld [tilespmem:s11+$0x0];
	v8 =	vadd.s32 v9, v8;
	[tilespmem:s13+$0xFFFFFFE0] =	vst v10  }
0x33: {  	s0 =	simm.s32 $0x4;
	s14 =	simm.s32 $0xA0;
	v6 =	vand.u32 $0x7, v6;
	v1 =	vld [tilespmem:s11+$0xFFFFFFE0];
	s13 =	simm.s32 $0x3A0;
	v9 =	vshrl.u32 v8, $0x3;
	[tilespmem:s10+$0xFFFFFFE0] =	vst v11  }
.LBB2_3:
0x34: {  	v10 =	vld [tilespmem:s14+$0x10];
	[tilespmem:s7+$0x10] =	vst v9;
	v8 =	vand.u32 $0x7, v8;
	s11 =	sadd.s32 $0x40, s11;
	s10 =	sadd.s32 $0x40, s10  }
0x35: {  	s0 =	sadd.s32 $0x4, s0;
	v9 =	vld [tilespmem:s11+$0x10];
	v3 =	vadd.s32 v3, v4;
	[tilespmem:s10+$0x10] =	vst v8  }
0x36: {  	p0 =	slt.u32 s0, $0x30;
	v11 =	vld [tilespmem:s11+$0xFFFFFFE0];
	v4 =	vshrl.u32 v3, $0x3;
	v8 =	vand.u32 $0x7, v3;
	[tilespmem:s13+$0x0] =	vst v6;
	s13 =	smov.u32 s10  }
.Ltmp0:
0x37: {  	v3 =	vld [tilespmem:s14+$0xFFFFFFF0];
	[tilespmem:s7+$0xFFFFFFF0] =	vst v4;
	v2 =	vadd.s32 v2, v5;
	(pc) =	sbr.rel @p0 .LBB2_3-.Ltmp0, $4  }
0x38: {  	v4 =	vld [tilespmem:s11+$0xFFFFFFF0];
	v1 =	vadd.s32 v7, v1;
	[tilespmem:s10+$0xFFFFFFF0] =	vst v8;
	v5 =	vshrl.u32 v2, $0x3;
	v6 =	vand.u32 $0x7, v2  }
0x39: {  	v2 =	vld [tilespmem:s14+$0x0];
	v7 =	vshrl.u32 v1, $0x3;
	v12 =	vand.u32 $0x7, v1;
	[tilespmem:s7+$0x0] =	vst v5  }
0x3a: {  	v5 =	vld [tilespmem:s11+$0x0];
	v8 =	vadd.s32 v10, v9;
	[tilespmem:s7+$0xFFFFFFE0] =	vst v7;
	s7 =	smov.u32 s14  }
0x3b: {  	s14 =	sadd.s32 $0x40, s14;
	v7 =	vld [tilespmem:s7+$0xFFFFFFE0];
	v9 =	vshrl.u32 v8, $0x3;
	[tilespmem:s10+$0xFFFFFFE0] =	vst v12;
	v1 =	vmov v11  }
0x3c: {  	[tilespmem:s7+$0x10] =	vst v9  }
0x3d: {  	v8 =	vand.u32 $0x7, v8;
	s0 =	sadd.s32 $0x40, s10;
	[tilespmem:s13+$0x0] =	vst v6;
	v3 =	vadd.s32 v3, v4  }
0x3e: {  	[tilespmem:s0+$0x10] =	vst v8;
	v4 =	vshrl.u32 v3, $0x3  }
0x3f: {  	v3 =	vand.u32 $0x7, v3;
	[tilespmem:s7+$0xFFFFFFF0] =	vst v4;
	v2 =	vadd.s32 v2, v5  }
0x40: {  	v1 =	vadd.s32 v7, v1;
	[tilespmem:s0+$0xFFFFFFF0] =	vst v3;
	v3 =	vshrl.u32 v2, $0x3  }
0x41: {  	v4 =	vshrl.u32 v1, $0x3;
	[tilespmem:s7+$0x0] =	vst v3  }
0x42: {  	v2 =	vand.u32 $0x7, v2;
	[tilespmem:s7+$0xFFFFFFE0] =	vst v4  }
0x43: {  	v1 =	vand.u32 $0x7, v1;
	[tilespmem:s0+$0x0] =	vst v2  }
0x44: {  	[tilespmem:s0+$0xFFFFFFE0] =	vst v1;
	s0 =	simm.s32 $0x0  }
0x45: {  	[tilespmem:s16], [sflag:$0x1] =	stream.indirect.gather [hbm4b:s4+s15], $0x80, s0, s15, $0xb8;
	[tilespmem:$0x1F180] =	vst v63  }
0x46: {  	_ = 	snop  }
0x47: {  	[tilespmem:s17], [sflag:$0x1] =	stream.indirect.gather [hbm4b:s4+s15], $0x80, s15, s15, $0xb8;
	[tilespmem:$0x1F180] =	vst v63  }
0x48: {  	_ = 	snop  }
0x49: {  	[tilespmem:s19], [sflag:$0x1] =	stream.indirect.gather [hbm4b:s4+s15], $0x80, s18, s15, $0xb8;
	[tilespmem:$0x1F180] =	vst v63  }
0x4a: {  	_ = 	snop  }
0x4b: {  	[tilespmem:s21], [sflag:$0x1] =	stream.indirect.gather [hbm4b:s4+s15], $0x80, s20, s15, $0xb8;
	[tilespmem:$0x1F180] =	vst v63  }
0x4c: {  	_ = 	snop  }
0x4d: {  	[tilespmem:s23], [sflag:$0x1] =	stream.indirect.gather [hbm4b:s4+s15], $0x80, s22, s15, $0xb8;
	[tilespmem:$0x1F180] =	vst v63  }
0x4e: {  	_ = 	snop  }
0x4f: {  	[tilespmem:s25], [sflag:$0x1] =	stream.indirect.gather [hbm4b:s4+s15], $0x80, s24, s15, $0xb8;
	[tilespmem:$0x1F180] =	vst v63  }
0x50: {  	_ = 	snop  }
0x51: {  	[tilespmem:s29], [sflag:$0x1] =	stream.indirect.gather [hbm4b:s4+s26], $0x80, s28, s26, $0xb8;
	[tilespmem:$0x1F180] =	vst v63  }
0x52: {  	_ =	swait.ge [sflag:s30], $0x4000  }
0x53: {  	[sflag:s30] =	ssyncset.done $0x0  }
0x54: {  	[sflag:s30] =	ssyncadd.s32 $0xFFFFC000  }
0x55: {  	_ =	swait.ge [sflag:s30], $0x4000  }
0x56: {  	[sflag:s30] =	ssyncset.done $0x0  }
0x57: {  	[sflag:s30] =	ssyncadd.s32 $0xFFFFC000  }
0x58: {  	_ =	swait.ge [sflag:s30], $0x4000  }
0x59: {  	[sflag:s30] =	ssyncset.done $0x0  }
0x5a: {  	[sflag:s30] =	ssyncadd.s32 $0xFFFFC000  }
0x5b: {  	_ =	swait.ge [sflag:s30], $0x4000  }
0x5c: {  	[sflag:s30] =	ssyncset.done $0x0  }
0x5d: {  	[sflag:s30] =	ssyncadd.s32 $0xFFFFC000  }
0x5e: {  	_ =	swait.ge [sflag:s30], $0x4000  }
0x5f: {  	[sflag:s30] =	ssyncset.done $0x0  }
0x60: {  	[sflag:s30] =	ssyncadd.s32 $0xFFFFC000  }
0x61: {  	_ =	swait.ge [sflag:s30], $0x4000  }
0x62: {  	[sflag:s30] =	ssyncset.done $0x0  }
0x63: {  	[sflag:s30] =	ssyncadd.s32 $0xFFFFC000  }
0x64: {  	_ =	swait.ge [sflag:s30], $0x2000  }
0x65: {  	[sflag:s30] =	ssyncset.done $0x0  }
0x66: {  	s13 =	simm.s32 $0x380;
	[sflag:s30] =	ssyncadd.s32 $0xFFFFE000  }
0x67: {  	s14 =	simm.s32 $0xA80;
	v1 =	vld [tilespmem:s13+$0x0]  }
0x68: {  	s11 =	simm.s32 $0xE00;
	v2 =	vld [tilespmem:s14+$0x0]  }
0x69: {  	v3 =	vld [tilespmem:s11+$0x0];
	_ =	sdelay $0x1  }
0x6a: {  	v4 =	vmov s0  }
0x6b: {  	v4 =	vshll.u32 v4, $0x7  }
0x6c: {  	v4 =	vor.u32 v0, v4  }
0x6d: {  	v1 =	vshll.u32 v1, $0x4;
	v6 =	vshll.u32 v2, $0x9;
	v7 =	vshll.u32 v3, $0x3  }
0x6e: {  	v9 =	vadd.s32 $0x5, v3;
	v10 =	vand.u32 $0x7F, v3;
	v2 =	vshll.u32 v2, $0x7  }
0x6f: {  	v11 =	vadd.s32 $0x1, v3;
	v13 =	vadd.s32 $0x4, v3;
	v24 =	vadd.s32 $0xC, v3  }
0x70: {  	v5 =	vand.u32 $0xFFFFFF80, v1;
	v1 =	vand.u32 $0x70, v1;
	v8 =	vand.u32 $0xFFFFF000, v6  }
0x71: {  	v6 =	vand.u32 $0xFFFFFC00, v7;
	v7 =	vadd.s32 $0x2, v3;
	v12 =	vshll.u32 v11, $0x3  }
0x72: {  	v14 =	vshll.u32 v13, $0x3;
	v16 =	vshll.u32 v9, $0x3;
	v13 =	vand.u32 $0x7F, v13  }
0x73: {  	v9 =	vand.u32 $0x7F, v9;
	v6 =	vadd.s32 v8, v6;
	v4 =	vadd.s32 v4, v5  }
0x74: {  	v5 =	vshll.u32 v7, $0x3;
	v6 =	vor.u32 v10, v6;
	v10 =	vor.u32 v1, v4  }
0x75: {  	v1 =	vand.u32 $0xFFFFFC00, v12;
	v4 =	vand.u32 $0xFFFFFC00, v5;
	v5 =	vand.u32 $0x7F, v11  }
0x76: {  	v11 =	vadd.s32 $0x3, v3;
	v1 =	vadd.s32 v8, v1;
	v4 =	vadd.s32 v8, v4  }
0x77: {  	v15 =	vor.u32 $0x1, v10;
	v12 =	vor.u32 $0xF, v10;
	v23 =	vor.u32 $0x3, v10  }
0x78: {  	v27 =	vor.u32 $0x4, v10;
	v1 =	vor.u32 v5, v1;
	v5 =	vshll.u32 v11, $0x3  }
0x79: {  	v33 =	vor.u32 $0x5, v10;
	v34 =	vor.u32 $0x7, v10;
	v5 =	vand.u32 $0xFFFFFC00, v5  }
0x7a: {  	v58 =	vor.u32 $0xA, v10;
	v11 =	vand.u32 $0x7F, v11;
	v5 =	vadd.s32 v8, v5  }
0x7b: {  	v5 =	vor.u32 v11, v5;
	v11 =	vand.u32 $0xFFFFFC00, v14;
	v14 =	vand.u32 $0xFFFFFC00, v16  }
0x7c: {  	v16 =	vadd.s32 $0x6, v3;
	v11 =	vadd.s32 v8, v11;
	v14 =	vadd.s32 v8, v14  }
0x7d: {  	v17 =	vshll.u32 v16, $0x3;
	v16 =	vand.u32 $0x7F, v16;
	v18 =	vor.u32 v13, v11  }
0x7e: {  	v11 =	vand.u32 $0xFFFFFC00, v17;
	v13 =	vadd.s32 $0x7, v3;
	v9 =	vor.u32 v9, v14  }
0x7f: {  	v17 =	vor.u32 $0x2, v10;
	v11 =	vadd.s32 v8, v11;
	v14 =	vshll.u32 v13, $0x3  }
0x80: {  	v16 =	vor.u32 v16, v11;
	v11 =	vand.u32 $0xFFFFFC00, v14;
	v14 =	vadd.s32 $0x8, v3  }
0x81: {  	s13 =	simm.s32 $0x390;
	v13 =	vand.u32 $0x7F, v13;
	v11 =	vadd.s32 v8, v11;
	v19 =	vshll.u32 v14, $0x3  }
0x82: {  	v29 =	vld [tilespmem:s13+$0x0];
	v13 =	vor.u32 v13, v11;
	v11 =	vand.u32 $0x380, v2;
	v2 =	vand.u32 $0xFFFFFC00, v19  }
0x83: {  	v14 =	vand.u32 $0x7F, v14;
	v19 =	vadd.s32 $0x9, v3;
	v2 =	vadd.s32 v8, v2  }
0x84: {  	v20 =	vor.u32 v11, v6;
	v1 =	vor.u32 v11, v1;
	v6 =	vand.u32 $0x7F, v7  }
0x85: {  	s14 =	simm.s32 $0xA90;
	v21 =	vor.u32 v11, v5;
	v7 =	vor.u32 v11, v9;
	v5 =	vor.u32 v11, v16  }
0x86: {  	v31 =	vld [tilespmem:s14+$0x0];
	v9 =	vadd.s32 $0xA, v3;
	v16 =	vadd.s32 $0xB, v3;
	v32 =	vor.u32 v11, v18  }
0x87: {  	v18 =	vshll.u32 v29, $0x4;
	v29 =	vor.u32 $0x6, v10;
	v2 =	vor.u32 v14, v2  }
0x88: {  	v14 =	vshll.u32 v19, $0x3;
	v19 =	vand.u32 $0x7F, v19;
	v4 =	vor.u32 v6, v4  }
0x89: {  	v6 =	vor.u32 v11, v13;
	v13 =	vshll.u32 v9, $0x3;
	v22 =	vshll.u32 v16, $0x3  }
0x8a: {  	v9 =	vand.u32 $0x7F, v9;
	v35 =	vand.u32 $0xFFFFFF80, v18;
	v13 =	vand.u32 $0xFFFFFC00, v13  }
0x8b: {  	v36 =	vand.u32 $0x70, v18;
	v18 =	vshll.u32 v31, $0x9;
	v25 =	vadd.s32 v8, v13  }
0x8c: {  	v22 =	vand.u32 $0xFFFFFC00, v22;
	v13 =	vor.u32 v11, v2;
	v2 =	vor.u32 v9, v25  }
0x8d: {  	v9 =	vand.u32 $0xFFFFFC00, v14;
	v14 =	vand.u32 $0x7F, v16;
	v16 =	vadd.s32 v8, v22  }
0x8e: {  	v31 =	vshll.u32 v31, $0x7;
	v22 =	vld.idx.msk [tilespmem:v10+s16+$0x0], $0xffff;
	v26 =	vor.u32 v14, v16;
	v14 =	vshll.u32 v24, $0x3  }
0x8f: {  	v4 =	vor.u32 v11, v4;
	v16 =	vadd.s32 $0xD, v3;
	v14 =	vand.u32 $0xFFFFFC00, v14  }
0x90: {  	v9 =	vadd.s32 v8, v9;
	v24 =	vand.u32 $0x7F, v24;
	v14 =	vadd.s32 v8, v14  }
0x91: {  	v25 =	vshll.u32 v16, $0x3;
	v24 =	vor.u32 v24, v14;
	v14 =	vadd.s32 $0xE, v3  }
0x92: {  	s7 =	simm.s32 $0xE10;
	v16 =	vand.u32 $0x7F, v16;
	v25 =	vand.u32 $0xFFFFFC00, v25;
	v28 =	vshll.u32 v14, $0x3  }
0x93: {  	v19 =	vor.u32 v19, v9;
	v25 =	vadd.s32 v8, v25;
	[tilespmem:v20+s31+$0x0] =	vst.idx.msk $0xffff, v22;
	v9 =	vand.u32 $0xFFFFFC00, v28;
	v28 =	vld [tilespmem:s7+$0x0]  }
0x94: {  	s10 =	simm.s32 $0x10;
	v30 =	vor.u32 v16, v25;
	v22 =	vadd.s32 $0xF, v3;
	v16 =	vor.u32 $0x9, v10;
	v3 =	vld.idx.msk [tilespmem:v15+s16+$0x0], $0xffff  }
0x95: {  	v14 =	vand.u32 $0x7F, v14;
	v25 =	vshll.u32 v22, $0x3;
	v15 =	vmov s10  }
0x96: {  	v22 =	vand.u32 $0x7F, v22;
	v20 =	vadd.s32 v8, v9;
	v25 =	vand.u32 $0xFFFFFC00, v25  }
0x97: {  	v9 =	vor.u32 $0x8, v10;
	v15 =	vshll.u32 v15, $0x7;
	v8 =	vadd.s32 v8, v25  }
0x98: {  	v15 =	vor.u32 v0, v15;
	v14 =	vor.u32 v14, v20;
	v8 =	vor.u32 v22, v8  }
0x99: {  	v22 =	vor.u32 $0xC, v10;
	v8 =	vor.u32 v11, v8;
	v37 =	vshll.u32 v28, $0x3;
	[tilespmem:v1+s31+$0x0] =	vst.idx.msk $0xffff, v3  }
0x9a: {  	v38 =	vadd.s32 $0x5, v28;
	v1 =	vand.u32 $0xFFFFF000, v18;
	v47 =	vadd.s32 $0x2, v28;
	v17 =	vld.idx.msk [tilespmem:v17+s16+$0x0], $0xffff  }
0x9b: {  	v18 =	vand.u32 $0x7F, v28;
	v40 =	vadd.s32 $0x1, v28;
	v3 =	vand.u32 $0xFFFFFC00, v37  }
0x9c: {  	v50 =	vadd.s32 $0x8, v28;
	v56 =	vadd.s32 $0xB, v28;
	v3 =	vadd.s32 v1, v3  }
0x9d: {  	v39 =	vor.u32 v18, v3;
	v3 =	vadd.s32 v15, v35;
	v15 =	vshll.u32 v40, $0x3  }
0x9e: {  	v44 =	vadd.s32 $0xC, v28;
	v41 =	vshll.u32 v47, $0x3;
	v15 =	vand.u32 $0xFFFFFC00, v15  }
0x9f: {  	v53 =	vand.u32 $0x7F, v40;
	v18 =	vor.u32 v11, v19;
	v15 =	vadd.s32 v1, v15;
	[tilespmem:v4+s31+$0x0] =	vst.idx.msk $0xffff, v17  }
0xa0: {  	v19 =	vand.u32 $0xFFFFFC00, v41;
	v35 =	vor.u32 v53, v15;
	v4 =	vadd.s32 $0x3, v28;
	v15 =	vld.idx.msk [tilespmem:v23+s16+$0x0], $0xffff  }
0xa1: {  	v54 =	vadd.s32 v1, v19;
	v19 =	vand.u32 $0x7F, v4;
	v4 =	vshll.u32 v4, $0x3  }
0xa2: {  	v60 =	vadd.s32 $0xD, v28;
	v23 =	vadd.s32 $0x4, v28;
	v4 =	vand.u32 $0xFFFFFC00, v4  }
0xa3: {  	v42 =	vshll.u32 v38, $0x3;
	v48 =	vshll.u32 v23, $0x3;
	v4 =	vadd.s32 v1, v4  }
0xa4: {  	v57 =	vshll.u32 v56, $0x3;
	v43 =	vor.u32 v19, v4;
	v4 =	vand.u32 $0xFFFFFC00, v48  }
0xa5: {  	v3 =	vor.u32 v36, v3;
	v23 =	vand.u32 $0x7F, v23;
	v4 =	vadd.s32 v1, v4;
	[tilespmem:v21+s31+$0x0] =	vst.idx.msk $0xffff, v15  }
0xa6: {  	v41 =	vor.u32 $0xB, v10;
	v55 =	vor.u32 $0x1, v3;
	v49 =	vor.u32 v23, v4;
	v23 =	vld.idx.msk [tilespmem:v27+s16+$0x0], $0xffff  }
0xa7: {  	v62 =	vor.u32 $0x4, v3;
	v25 =	vor.u32 $0x6, v3;
	v19 =	vand.u32 $0xFFFFFC00, v42  }
0xa8: {  	v19 =	vadd.s32 v1, v19;
	v4 =	vand.u32 $0x7F, v38;
	v21 =	vadd.s32 $0x6, v28  }
0xa9: {  	v15 =	vor.u32 v11, v26;
	v27 =	vor.u32 v4, v19;
	v4 =	vshll.u32 v21, $0x3  }
0xaa: {  	v26 =	vadd.s32 $0x7, v28;
	v19 =	vor.u32 v11, v24;
	v4 =	vand.u32 $0xFFFFFC00, v4  }
0xab: {  	v21 =	vand.u32 $0x7F, v21;
	v24 =	vshll.u32 v26, $0x3;
	v4 =	vadd.s32 v1, v4;
	[tilespmem:v32+s31+$0x0] =	vst.idx.msk $0xffff, v23  }
0xac: {  	v17 =	vor.u32 v11, v2;
	v21 =	vor.u32 v21, v4;
	v4 =	vand.u32 $0xFFFFFC00, v24;
	v32 =	vld.idx.msk [tilespmem:v33+s16+$0x0], $0xffff  }
0xad: {  	v2 =	vor.u32 $0xF, v3;
	v26 =	vand.u32 $0x7F, v26;
	v4 =	vadd.s32 v1, v4  }
0xae: {  	v53 =	vor.u32 $0x3, v3;
	v26 =	vor.u32 v26, v4;
	v4 =	vand.u32 $0x380, v31  }
0xaf: {  	v46 =	vld.idx.msk [tilespmem:v3+s16+$0x0], $0xffff;
	v38 =	vand.u32 $0x7F, v50;
	v24 =	vor.u32 v11, v30;
	v51 =	vor.u32 v4, v39  }
0xb0: {  	v30 =	vor.u32 $0x2, v3;
	v23 =	vshll.u32 v50, $0x3;
	v31 =	vadd.s32 $0x9, v28  }
0xb1: {  	v50 =	vor.u32 $0x5, v3;
	v23 =	vand.u32 $0xFFFFFC00, v23;
	v35 =	vor.u32 v4, v35;
	[tilespmem:v7+s31+$0x0] =	vst.idx.msk $0xffff, v32  }
0xb2: {  	v52 =	vshll.u32 v31, $0x3;
	v37 =	vor.u32 v4, v43;
	v23 =	vadd.s32 v1, v23;
	v29 =	vld.idx.msk [tilespmem:v29+s16+$0x0], $0xffff  }
0xb3: {  	v38 =	vor.u32 v38, v23;
	v23 =	vand.u32 $0x7F, v47;
	v7 =	vadd.s32 $0xA, v28  }
0xb4: {  	v36 =	vor.u32 v23, v54;
	v23 =	vor.u32 v4, v27;
	[tilespmem:v51+s31+$0x0] =	vst.idx.msk $0xffff, v46;
	v27 =	vshll.u32 v7, $0x3  }
0xb5: {  	v31 =	vand.u32 $0x7F, v31;
	v21 =	vor.u32 v4, v21;
	v54 =	vld.idx.msk [tilespmem:v55+s16+$0x0], $0xffff;
	v27 =	vand.u32 $0xFFFFFC00, v27  }
0xb6: {  	v7 =	vand.u32 $0x7F, v7;
	v45 =	vadd.s32 v1, v27;
	v27 =	vor.u32 v4, v38  }
0xb7: {  	v38 =	vor.u32 v7, v45;
	v7 =	vand.u32 $0xFFFFFC00, v52;
	[tilespmem:v5+s31+$0x0] =	vst.idx.msk $0xffff, v29;
	v5 =	vshll.u32 v44, $0x3  }
0xb8: {  	v36 =	vor.u32 v4, v36;
	v61 =	vadd.s32 v1, v7;
	v34 =	vld.idx.msk [tilespmem:v34+s16+$0x0], $0xffff;
	v5 =	vand.u32 $0xFFFFFC00, v5  }
0xb9: {  	s11 =	simm.s32 $0x3A0;
	v7 =	vshll.u32 v60, $0x3;
	v44 =	vand.u32 $0x7F, v44;
	v5 =	vadd.s32 v1, v5  }
0xba: {  	v48 =	vld [tilespmem:s11+$0x0];
	v63 =	vor.u32 v31, v61;
	[tilespmem:v35+s31+$0x0] =	vst.idx.msk $0xffff, v54;
	v44 =	vor.u32 v44, v5;
	v5 =	vand.u32 $0xFFFFFC00, v7  }
0xbb: {  	v31 =	vand.u32 $0x7F, v60;
	v20 =	vld.idx.msk [tilespmem:v30+s16+$0x0], $0xffff;
	v7 =	vadd.s32 $0xE, v28;
	v5 =	vadd.s32 v1, v5  }
0xbc: {  	s11 =	simm.s32 $0xE20;
	v26 =	vor.u32 v4, v26;
	v39 =	vor.u32 v31, v5;
	v31 =	vshll.u32 v7, $0x3  }
0xbd: {  	v43 =	vand.u32 $0xFFFFFC00, v57;
	v40 =	vor.u32 v4, v49;
	[tilespmem:v6+s31+$0x0] =	vst.idx.msk $0xffff, v34;
	v6 =	vand.u32 $0xFFFFFC00, v31;
	v31 =	vld [tilespmem:s11+$0x0]  }
0xbe: {  	v59 =	vadd.s32 v1, v43;
	v47 =	vor.u32 $0xD, v10;
	v32 =	vand.u32 $0x7F, v56;
	v55 =	vld.idx.msk [tilespmem:v9+s16+$0x0], $0xffff  }
0xbf: {  	s13 =	simm.s32 $0xAA0;
	v29 =	vor.u32 v32, v59;
	v32 =	vor.u32 v11, v14;
	v11 =	vshll.u32 v48, $0x4  }
0xc0: {  	s14 =	simm.s32 $0x20;
	v49 =	vld [tilespmem:s13+$0x0];
	v35 =	vor.u32 $0x7, v3;
	v30 =	vor.u32 $0x9, v3;
	v14 =	vand.u32 $0x70, v11;
	[tilespmem:v36+s31+$0x0] =	vst.idx.msk $0xffff, v20  }
0xc1: {  	v5 =	vadd.s32 $0xF, v28;
	v34 =	vor.u32 $0xE, v10;
	v10 =	vmov s14;
	v36 =	vld.idx.msk [tilespmem:v53+s16+$0x0], $0xffff  }
0xc2: {  	v28 =	vor.u32 $0x8, v3;
	v9 =	vadd.s32 v1, v6;
	v10 =	vshll.u32 v10, $0x7  }
0xc3: {  	v6 =	vshll.u32 v5, $0x3;
	v10 =	vor.u32 v0, v10;
	v56 =	vadd.s32 $0x5, v31;
	[tilespmem:v13+s31+$0x0] =	vst.idx.msk $0xffff, v55  }
0xc4: {  	v20 =	vadd.s32 $0x2, v31;
	v57 =	vand.u32 $0x7F, v31;
	v51 =	vadd.s32 $0x1, v31;
	v46 =	vld.idx.msk [tilespmem:v16+s16+$0x0], $0xffff  }
0xc5: {  	v59 =	vadd.s32 $0x3, v31;
	v61 =	vadd.s32 $0x4, v31;
	v13 =	vand.u32 $0xFFFFFF80, v11  }
0xc6: {  	v11 =	vshll.u32 v49, $0x9;
	v49 =	vshll.u32 v49, $0x7;
	v52 =	vshll.u32 v20, $0x3;
	[tilespmem:v37+s31+$0x0] =	vst.idx.msk $0xffff, v36  }
0xc7: {  	v53 =	vshll.u32 v51, $0x3;
	v55 =	vadd.s32 $0x7, v31;
	v16 =	vshll.u32 v31, $0x3;
	v43 =	vld.idx.msk [tilespmem:v62+s16+$0x0], $0xffff  }
0xc8: {  	v11 =	vand.u32 $0xFFFFF000, v11;
	v10 =	vadd.s32 v10, v13;
	v62 =	vshll.u32 v61, $0x3  }
0xc9: {  	v16 =	vand.u32 $0xFFFFFC00, v16;
	v13 =	vor.u32 v14, v10;
	v10 =	vand.u32 $0xFFFFFC00, v53;
	[tilespmem:v18+s31+$0x0] =	vst.idx.msk $0xffff, v46  }
0xca: {  	v14 =	vand.u32 $0xFFFFFC00, v52;
	v53 =	vadd.s32 $0x6, v31;
	v16 =	vadd.s32 v11, v16;
	v18 =	vld.idx.msk [tilespmem:v58+s16+$0x0], $0xffff  }
0xcb: {  	v10 =	vadd.s32 v11, v10;
	v36 =	vadd.s32 v11, v14;
	v37 =	vor.u32 $0x1, v13  }
0xcc: {  	v14 =	vshll.u32 v59, $0x3;
	v48 =	vor.u32 $0x2, v13;
	v42 =	vor.u32 v57, v16;
	[tilespmem:v40+s31+$0x0] =	vst.idx.msk $0xffff, v43  }
0xcd: {  	v16 =	vor.u32 v4, v63;
	v60 =	vand.u32 $0xFFFFFC00, v14;
	v14 =	vor.u32 v4, v38;
	v40 =	vld.idx.msk [tilespmem:v50+s16+$0x0], $0xffff  }
0xce: {  	v63 =	vshll.u32 v56, $0x3;
	v38 =	vand.u32 $0x7F, v61;
	v58 =	vand.u32 $0x7F, v51  }
0xcf: {  	v45 =	vadd.s32 v11, v60;
	v33 =	vor.u32 v58, v10;
	v10 =	vand.u32 $0x7F, v59;
	[tilespmem:v17+s31+$0x0] =	vst.idx.msk $0xffff, v18  }
0xd0: {  	v57 =	vadd.s32 $0x8, v31;
	v59 =	vadd.s32 $0x9, v31;
	v45 =	vor.u32 v10, v45;
	v41 =	vld.idx.msk [tilespmem:v41+s16+$0x0], $0xffff  }
0xd1: {  	v10 =	vor.u32 $0xF, v13;
	v61 =	vshll.u32 v59, $0x3;
	v17 =	vand.u32 $0xFFFFFC00, v62  }
0xd2: {  	v18 =	vand.u32 $0xFFFFFC00, v63;
	[tilespmem:v23+s31+$0x0] =	vst.idx.msk $0xffff, v40;
	v23 =	vshll.u32 v57, $0x3;
	v63 =	vand.u32 $0x7F, v59  }
0xd3: {  	v59 =	vadd.s32 $0xD, v31;
	v17 =	vadd.s32 v11, v17;
	v18 =	vadd.s32 v11, v18  }
0xd4: {  	v40 =	vld.idx.msk [tilespmem:v25+s16+$0x0], $0xffff;
	v23 =	vand.u32 $0xFFFFFC00, v23;
	v25 =	vand.u32 $0x7F, v57;
	v57 =	vand.u32 $0xFFFFFC00, v61  }
0xd5: {  	v61 =	vshll.u32 v59, $0x3;
	v43 =	vor.u32 v38, v17;
	v17 =	vand.u32 $0x7F, v56;
	[tilespmem:v15+s31+$0x0] =	vst.idx.msk $0xffff, v41  }
0xd6: {  	v38 =	vand.u32 $0x7F, v53;
	v56 =	vshll.u32 v55, $0x3;
	v23 =	vadd.s32 v11, v23;
	v41 =	vld.idx.msk [tilespmem:v22+s16+$0x0], $0xffff  }
0xd7: {  	v54 =	vor.u32 v17, v18;
	v17 =	vshll.u32 v53, $0x3;
	v18 =	vor.u32 v4, v29  }
0xd8: {  	v62 =	vld.idx.msk [tilespmem:v13+s16+$0x0], $0xffff;
	v60 =	vor.u32 v25, v23;
	v29 =	vand.u32 $0xFFFFFC00, v17;
	v15 =	vand.u32 $0xFFFFFC00, v56  }
0xd9: {  	v17 =	vor.u32 v4, v44;
	[tilespmem:v21+s31+$0x0] =	vst.idx.msk $0xffff, v40;
	v22 =	vand.u32 $0x7F, v55;
	v44 =	vadd.s32 v11, v15  }
0xda: {  	v29 =	vadd.s32 v11, v29;
	v52 =	vld.idx.msk [tilespmem:v35+s16+$0x0], $0xffff;
	v58 =	vor.u32 v22, v44;
	v22 =	vand.u32 $0x380, v49  }
0xdb: {  	v53 =	vadd.s32 $0xB, v31;
	v29 =	vor.u32 v38, v29;
	v42 =	vor.u32 v22, v42;
	[tilespmem:v19+s31+$0x0] =	vst.idx.msk $0xffff, v41  }
0xdc: {  	v21 =	vadd.s32 $0xA, v31;
	v40 =	vor.u32 $0x4, v13;
	v15 =	vor.u32 v4, v39;
	v51 =	vld.idx.msk [tilespmem:v47+s16+$0x0], $0xffff  }
0xdd: {  	v35 =	vor.u32 $0x3, v13;
	v55 =	vadd.s32 $0xC, v31;
	v56 =	vand.u32 $0x7F, v21  }
0xde: {  	v39 =	vadd.s32 $0xE, v31;
	v38 =	vor.u32 v22, v33;
	v25 =	vor.u32 v22, v45  }
0xdf: {  	v23 =	vor.u32 v22, v54;
	v54 =	vshll.u32 v53, $0x3;
	v19 =	vand.u32 $0x7F, v20;
	[tilespmem:v26+s31+$0x0] =	vst.idx.msk $0xffff, v52  }
0xe0: {  	v20 =	vor.u32 v22, v29;
	v29 =	vshll.u32 v21, $0x3;
	v21 =	vor.u32 v22, v60;
	[tilespmem:v42+s31+$0x0] =	vst.idx.msk $0xffff, v62  }
0xe1: {  	v45 =	vand.u32 $0xFFFFFC00, v54;
	v26 =	vshll.u32 v55, $0x3;
	v41 =	vor.u32 v22, v43;
	v37 =	vld.idx.msk [tilespmem:v37+s16+$0x0], $0xffff;
	[tilespmem:v24+s31+$0x0] =	vst.idx.msk $0xffff, v51  }
0xe2: {  	v19 =	vor.u32 v19, v36;
	v29 =	vand.u32 $0xFFFFFC00, v29;
	v26 =	vand.u32 $0xFFFFFC00, v26;
	v34 =	vld.idx.msk [tilespmem:v34+s16+$0x0], $0xffff  }
0xe3: {  	v60 =	vld.idx.msk [tilespmem:v28+s16+$0x0], $0xffff;
	v28 =	vand.u32 $0x7F, v55;
	v36 =	vor.u32 v22, v19;
	v19 =	vor.u32 v22, v58  }
0xe4: {  	v29 =	vadd.s32 v11, v29;
	v58 =	vadd.s32 v11, v45;
	v26 =	vadd.s32 v11, v26  }
0xe5: {  	v42 =	vadd.s32 v11, v57;
	v28 =	vor.u32 v28, v26;
	v26 =	vand.u32 $0xFFFFFC00, v61  }
0xe6: {  	v62 =	vand.u32 $0x7F, v59;
	v29 =	vor.u32 v56, v29;
	v26 =	vadd.s32 v11, v26;
	[tilespmem:v38+s31+$0x0] =	vst.idx.msk $0xffff, v37  }
0xe7: {  	v33 =	vor.u32 $0xA, v3;
	v26 =	vor.u32 v62, v26;
	v24 =	vand.u32 $0x7F, v53;
	v44 =	vld.idx.msk [tilespmem:v48+s16+$0x0], $0xffff;
	[tilespmem:v32+s31+$0x0] =	vst.idx.msk $0xffff, v34  }
0xe8: {  	v24 =	vor.u32 v24, v58;
	v38 =	vor.u32 v63, v42;
	v63 =	vshll.u32 v39, $0x3;
	v32 =	vld.idx.msk [tilespmem:v12+s16+$0x0], $0xffff  }
0xe9: {  	[tilespmem:v27+s31+$0x0] =	vst.idx.msk $0xffff, v60;
	v37 =	vor.u32 $0xB, v3;
	v34 =	vadd.s32 $0xF, v31;
	v12 =	vand.u32 $0xFFFFFC00, v63  }
0xea: {  	s7 =	simm.s32 $0x3B0;
	s10 =	simm.s32 $0xAB0;
	s13 =	simm.s32 $0x30;
	v43 =	vld.idx.msk [tilespmem:v30+s16+$0x0], $0xffff;
	v31 =	vor.u32 $0xD, v3;
	v27 =	vshll.u32 v34, $0x3;
	v42 =	vadd.s32 v11, v12  }
.LBB2_5:
0xeb: {  	v45 =	vld [tilespmem:s7+$0x0];
	p0 =	sne.s32 s13, $0x330;
	v30 =	vor.u32 $0x8, v13;
	v12 =	vand.u32 $0x7F, v5;
	v46 =	vand.u32 $0xFFFFFC00, v6;
	v5 =	vmovc v34;
	v6 =	vmovc v27;
	s0 =	smov.u32 s13;
	s13 =	sadd.s32 $0x10, s13  }
0xec: {  	s11 =	sadd.s32 $0x10, s11;
	v49 =	vand.u32 $0x7F, v7;
	v47 =	vld [tilespmem:s10+$0x0];
	[tilespmem:v36+s31+$0x0] =	vst.idx.msk $0xffff, v44;
	v36 =	vor.u32 $0x5, v13;
	v44 =	vadd.s32 v1, v46;
	v1 =	vmovc v11  }
0xed: {  	v34 =	vor.u32 $0xE, v3;
	v11 =	vor.u32 v49, v9;
	v27 =	vld [tilespmem:s11+$0x0];
	v48 =	vor.u32 v12, v44;
	[tilespmem:v8+s31+$0x0] =	vst.idx.msk $0xffff, v32  }
0xee: {  	v7 =	vmovc v39;
	v46 =	vor.u32 $0xC, v3;
	v3 =	vmovc v13;
	v12 =	vor.u32 $0x9, v13;
	v32 =	vor.u32 v4, v11;
	v44 =	vld.idx.msk [tilespmem:v35+s16+$0x0], $0xffff  }
0xef: {  	v9 =	vmovc v42;
	v11 =	vmov s0;
	v35 =	vor.u32 $0x7, v3;
	v8 =	vor.u32 v4, v48;
	v4 =	vmovc v22  }
0xf0: {  	v11 =	vshll.u32 v11, $0x7;
	v22 =	vor.u32 $0x6, v3;
	v13 =	vshll.u32 v45, $0x4;
	[tilespmem:v16+s31+$0x0] =	vst.idx.msk $0xffff, v43  }
0xf1: {  	v16 =	vand.u32 $0xFFFFFF80, v13;
	v13 =	vand.u32 $0x70, v13;
	v39 =	vshll.u32 v47, $0x9;
	v33 =	vld.idx.msk [tilespmem:v33+s16+$0x0], $0xffff  }
0xf2: {  	v42 =	vor.u32 v0, v11;
	v43 =	vshll.u32 v27, $0x3;
	v45 =	vadd.s32 $0x5, v27  }
0xf3: {  	v11 =	vand.u32 $0xFFFFF000, v39;
	v39 =	vand.u32 $0xFFFFFC00, v43;
	v43 =	vadd.s32 $0x2, v27  }
0xf4: {  	v47 =	vshll.u32 v47, $0x7;
	v48 =	vand.u32 $0x7F, v27;
	v39 =	vadd.s32 v11, v39;
	[tilespmem:v25+s31+$0x0] =	vst.idx.msk $0xffff, v44  }
0xf5: {  	v44 =	vshll.u32 v43, $0x3;
	v25 =	vor.u32 v48, v39;
	v39 =	vadd.s32 $0x1, v27;
	v40 =	vld.idx.msk [tilespmem:v40+s16+$0x0], $0xffff  }
0xf6: {  	v42 =	vadd.s32 v42, v16;
	v16 =	vor.u32 v4, v38;
	v48 =	vshll.u32 v39, $0x3  }
0xf7: {  	v13 =	vor.u32 v13, v42;
	v42 =	vand.u32 $0xFFFFFC00, v44;
	v38 =	vand.u32 $0xFFFFFC00, v48;
	[tilespmem:v14+s31+$0x0] =	vst.idx.msk $0xffff, v33  }
0xf8: {  	v14 =	vand.u32 $0x7F, v39;
	v33 =	vadd.s32 v11, v38;
	v38 =	vadd.s32 v11, v42;
	v39 =	vld.idx.msk [tilespmem:v37+s16+$0x0], $0xffff  }
0xf9: {  	v42 =	vor.u32 $0x1, v13;
	v33 =	vor.u32 v14, v33;
	v14 =	vadd.s32 $0x3, v27  }
0xfa: {  	v44 =	vand.u32 $0x7F, v14;
	v37 =	vshll.u32 v14, $0x3;
	v14 =	vor.u32 v4, v29  }
0xfb: {  	v48 =	vadd.s32 $0x4, v27;
	v29 =	vand.u32 $0xFFFFFC00, v37;
	v37 =	vor.u32 $0xF, v13;
	[tilespmem:v41+s31+$0x0] =	vst.idx.msk $0xffff, v40  }
0xfc: {  	v40 =	vshll.u32 v48, $0x3;
	v41 =	vshll.u32 v45, $0x3;
	v29 =	vadd.s32 v11, v29;
	v36 =	vld.idx.msk [tilespmem:v36+s16+$0x0], $0xffff  }
0xfd: {  	v40 =	vand.u32 $0xFFFFFC00, v40;
	v41 =	vand.u32 $0xFFFFFC00, v41;
	v29 =	vor.u32 v44, v29  }
0xfe: {  	v44 =	vand.u32 $0x7F, v48;
	v40 =	vadd.s32 v11, v40;
	v41 =	vadd.s32 v11, v41;
	[tilespmem:v18+s31+$0x0] =	vst.idx.msk $0xffff, v39  }
0xff: {  	v48 =	vor.u32 v44, v40;
	v18 =	vand.u32 $0x7F, v45;
	v39 =	vadd.s32 $0x6, v27;
	v40 =	vld.idx.msk [tilespmem:v46+s16+$0x0], $0xffff  }
0x100: {  	v41 =	vor.u32 v18, v41;
	v44 =	vshll.u32 v39, $0x3;
	v18 =	vor.u32 v4, v24  }
0x101: {  	v28 =	vor.u32 v4, v28;
	v24 =	vand.u32 $0xFFFFFC00, v44;
	v44 =	vadd.s32 $0x7, v27  }
0x102: {  	v39 =	vand.u32 $0x7F, v39;
	v24 =	vadd.s32 v11, v24;
	v45 =	vshll.u32 v44, $0x3;
	[tilespmem:v23+s31+$0x0] =	vst.idx.msk $0xffff, v36  }
0x103: {  	v24 =	vor.u32 v39, v24;
	v23 =	vand.u32 $0xFFFFFC00, v45;
	v36 =	vadd.s32 $0x8, v27;
	v39 =	vld.idx.msk [tilespmem:v22+s16+$0x0], $0xffff  }
0x104: {  	v26 =	vor.u32 v4, v26;
	v22 =	vand.u32 $0x7F, v44;
	v23 =	vadd.s32 v11, v23  }
0x105: {  	v45 =	vor.u32 $0x2, v13;
	v46 =	vor.u32 v22, v23;
	v23 =	vshll.u32 v36, $0x3;
	v44 =	vld.idx.msk [tilespmem:v13+s16+$0x0], $0xffff;
	[tilespmem:v17+s31+$0x0] =	vst.idx.msk $0xffff, v40  }
0x106: {  	v22 =	vand.u32 $0x380, v47;
	v23 =	vand.u32 $0xFFFFFC00, v23;
	v40 =	vadd.s32 $0x9, v27;
	v17 =	vmovc v28;
	v31 =	vld.idx.msk [tilespmem:v31+s16+$0x0], $0xffff  }
0x107: {  	v28 =	vor.u32 v22, v25;
	v25 =	vand.u32 $0x7F, v36;
	v23 =	vadd.s32 v11, v23  }
0x108: {  	v47 =	vor.u32 v22, v33;
	v49 =	vshll.u32 v40, $0x3;
	v33 =	vor.u32 v25, v23  }
0x109: {  	v23 =	vand.u32 $0x7F, v43;
	v25 =	vor.u32 v22, v29;
	v43 =	vand.u32 $0x7F, v40;
	[tilespmem:v20+s31+$0x0] =	vst.idx.msk $0xffff, v39  }
0x10a: {  	v29 =	vor.u32 v23, v38;
	v23 =	vor.u32 v22, v41;
	v20 =	vor.u32 v22, v24;
	v24 =	vld.idx.msk [tilespmem:v35+s16+$0x0], $0xffff  }
0x10b: {  	v38 =	vor.u32 v22, v46;
	v36 =	vor.u32 v22, v29;
	v29 =	vadd.s32 $0xA, v27  }
0x10c: {  	v39 =	vadd.s32 $0xB, v27;
	v35 =	vor.u32 $0x3, v13;
	[tilespmem:v28+s31+$0x0] =	vst.idx.msk $0xffff, v44;
	v28 =	vshll.u32 v29, $0x3  }
0x10d: {  	v41 =	vshll.u32 v39, $0x3;
	v40 =	vld.idx.msk [tilespmem:v42+s16+$0x0], $0xffff;
	v28 =	vand.u32 $0xFFFFFC00, v28;
	v42 =	vadd.s32 $0xC, v27;
	[tilespmem:v15+s31+$0x0] =	vst.idx.msk $0xffff, v31;
	v15 =	vmovc v26  }
0x10e: {  	v26 =	vand.u32 $0x7F, v29;
	v31 =	vand.u32 $0xFFFFFC00, v41;
	v28 =	vadd.s32 v11, v28;
	v34 =	vld.idx.msk [tilespmem:v34+s16+$0x0], $0xffff  }
0x10f: {  	v46 =	vor.u32 v22, v33;
	v33 =	vor.u32 $0xA, v3;
	v29 =	vor.u32 v26, v28  }
0x110: {  	v31 =	vadd.s32 v11, v31;
	v26 =	vand.u32 $0xFFFFFC00, v49;
	v28 =	vand.u32 $0x7F, v39;
	[tilespmem:v19+s31+$0x0] =	vst.idx.msk $0xffff, v24;
	v19 =	vmovc v38  }
0x111: {  	v24 =	vor.u32 v28, v31;
	v28 =	vshll.u32 v42, $0x3;
	v31 =	vadd.s32 $0xD, v27;
	v30 =	vld.idx.msk [tilespmem:v30+s16+$0x0], $0xffff  }
0x112: {  	v26 =	vadd.s32 v11, v26;
	v28 =	vand.u32 $0xFFFFFC00, v28;
	v38 =	vshll.u32 v31, $0x3  }
0x113: {  	v39 =	vand.u32 $0x7F, v42;
	v28 =	vadd.s32 v11, v28;
	[tilespmem:v47+s31+$0x0] =	vst.idx.msk $0xffff, v40;
	v40 =	vor.u32 $0x4, v13  }
.Ltmp1:
0x114: {  	v41 =	vand.u32 $0xFFFFFC00, v38;
	v28 =	vor.u32 v39, v28;
	v39 =	vadd.s32 $0xE, v27;
	v44 =	vld.idx.msk [tilespmem:v45+s16+$0x0], $0xffff;
	[tilespmem:v32+s31+$0x0] =	vst.idx.msk $0xffff, v34;
	(pc) =	sbr.rel @p0 .LBB2_5-.Ltmp1, $4  }
0x115: {  	v38 =	vor.u32 v43, v26;
	v26 =	vand.u32 $0x7F, v31;
	v31 =	vadd.s32 v11, v41;
	v32 =	vld.idx.msk [tilespmem:v2+s16+$0x0], $0xffff;
	v2 =	vmovc v10  }
0x116: {  	v26 =	vor.u32 v26, v31;
	v31 =	vshll.u32 v39, $0x3;
	v34 =	vadd.s32 $0xF, v27;
	v10 =	vmovc v37  }
0x117: {  	v41 =	vor.u32 v22, v48;
	v27 =	vand.u32 $0xFFFFFC00, v31;
	v37 =	vor.u32 $0xB, v3;
	[tilespmem:v21+s31+$0x0] =	vst.idx.msk $0xffff, v30;
	v21 =	vmovc v46  }
0x118: {  	s7 =	sadd.s32 $0x10, s7;
	s10 =	sadd.s32 $0x10, s10;
	v31 =	vor.u32 $0xD, v3;
	v42 =	vadd.s32 v11, v27;
	v27 =	vshll.u32 v34, $0x3;
	v43 =	vld.idx.msk [tilespmem:v12+s16+$0x0], $0xffff  }
0x119: {  	_ =	sdelay $0x3  }
0x11a: {  	[tilespmem:v36+s31+$0x0] =	vst.idx.msk $0xffff, v44  }
0x11b: {  	v12 =	vld.idx.msk [tilespmem:v35+s16+$0x0], $0xffff;
	_ =	sdelay $0x4  }
0x11c: {  	[tilespmem:v25+s31+$0x0] =	vst.idx.msk $0xffff, v12  }
0x11d: {  	v12 =	vld.idx.msk [tilespmem:v40+s16+$0x0], $0xffff  }
0x11e: {  	v40 =	vor.u32 $0x5, v13;
	_ =	sdelay $0x3  }
0x11f: {  	[tilespmem:v41+s31+$0x0] =	vst.idx.msk $0xffff, v12  }
0x120: {  	v12 =	vld.idx.msk [tilespmem:v40+s16+$0x0], $0xffff  }
0x121: {  	v44 =	vor.u32 $0x6, v13;
	_ =	sdelay $0x3  }
0x122: {  	[tilespmem:v23+s31+$0x0] =	vst.idx.msk $0xffff, v12  }
0x123: {  	v12 =	vld.idx.msk [tilespmem:v44+s16+$0x0], $0xffff  }
0x124: {  	v45 =	vor.u32 $0x7, v13;
	_ =	sdelay $0x3  }
0x125: {  	[tilespmem:v20+s31+$0x0] =	vst.idx.msk $0xffff, v12  }
0x126: {  	v12 =	vld.idx.msk [tilespmem:v45+s16+$0x0], $0xffff  }
0x127: {  	v46 =	vor.u32 $0x8, v13;
	_ =	sdelay $0x3  }
0x128: {  	[tilespmem:v19+s31+$0x0] =	vst.idx.msk $0xffff, v12  }
0x129: {  	v12 =	vld.idx.msk [tilespmem:v46+s16+$0x0], $0xffff  }
0x12a: {  	v47 =	vor.u32 $0x9, v13;
	_ =	sdelay $0x3  }
0x12b: {  	[tilespmem:v21+s31+$0x0] =	vst.idx.msk $0xffff, v12  }
0x12c: {  	v48 =	vor.u32 v22, v38;
	v19 =	vld.idx.msk [tilespmem:v47+s16+$0x0], $0xffff  }
0x12d: {  	v49 =	vor.u32 $0xA, v13;
	_ =	sdelay $0x2  }
0x12e: {  	[tilespmem:v16+s31+$0x0] =	vst.idx.msk $0xffff, v43  }
0x12f: {  	v16 =	vld.idx.msk [tilespmem:v33+s16+$0x0], $0xffff;
	[tilespmem:v48+s31+$0x0] =	vst.idx.msk $0xffff, v19  }
0x130: {  	v50 =	vor.u32 v22, v29;
	v19 =	vld.idx.msk [tilespmem:v49+s16+$0x0], $0xffff  }
0x131: {  	v51 =	vor.u32 $0xB, v13;
	_ =	sdelay $0x2  }
0x132: {  	[tilespmem:v14+s31+$0x0] =	vst.idx.msk $0xffff, v16  }
0x133: {  	v14 =	vld.idx.msk [tilespmem:v37+s16+$0x0], $0xffff;
	[tilespmem:v50+s31+$0x0] =	vst.idx.msk $0xffff, v19  }
0x134: {  	v52 =	vor.u32 $0xC, v3;
	v53 =	vor.u32 v22, v24;
	v19 =	vld.idx.msk [tilespmem:v51+s16+$0x0], $0xffff  }
0x135: {  	v54 =	vor.u32 $0xC, v13;
	_ =	sdelay $0x2  }
0x136: {  	[tilespmem:v18+s31+$0x0] =	vst.idx.msk $0xffff, v14  }
0x137: {  	v12 =	vld.idx.msk [tilespmem:v52+s16+$0x0], $0xffff;
	[tilespmem:v53+s31+$0x0] =	vst.idx.msk $0xffff, v19  }
0x138: {  	v55 =	vor.u32 v22, v28;
	v16 =	vld.idx.msk [tilespmem:v54+s16+$0x0], $0xffff  }
0x139: {  	v56 =	vor.u32 $0xD, v13;
	_ =	sdelay $0x2  }
0x13a: {  	[tilespmem:v17+s31+$0x0] =	vst.idx.msk $0xffff, v12  }
0x13b: {  	v12 =	vld.idx.msk [tilespmem:v31+s16+$0x0], $0xffff;
	[tilespmem:v55+s31+$0x0] =	vst.idx.msk $0xffff, v16  }
0x13c: {  	v3 =	vor.u32 $0xE, v3;
	v57 =	vor.u32 v22, v26;
	v16 =	vld.idx.msk [tilespmem:v56+s16+$0x0], $0xffff  }
0x13d: {  	v58 =	vor.u32 $0xE, v13;
	_ =	sdelay $0x1  }
0x13e: {  	v7 =	vand.u32 $0x7F, v7  }
0x13f: {  	v59 =	vand.u32 $0x7F, v39;
	v7 =	vor.u32 v7, v9;
	[tilespmem:v15+s31+$0x0] =	vst.idx.msk $0xffff, v12  }
0x140: {  	v9 =	vor.u32 v59, v42;
	v7 =	vor.u32 v4, v7;
	v3 =	vld.idx.msk [tilespmem:v3+s16+$0x0], $0xffff;
	[tilespmem:v57+s31+$0x0] =	vst.idx.msk $0xffff, v16  }
0x141: {  	v9 =	vor.u32 v22, v9;
	v60 =	vld.idx.msk [tilespmem:v58+s16+$0x0], $0xffff;
	_ =	sdelay $0x1  }
0x142: {  	v6 =	vand.u32 $0xFFFFFC00, v6  }
0x143: {  	v5 =	vand.u32 $0x7F, v5;
	v61 =	vand.u32 $0xFFFFFC00, v27;
	v1 =	vadd.s32 v1, v6  }
0x144: {  	v62 =	vadd.s32 v11, v61;
	v1 =	vor.u32 v5, v1;
	[tilespmem:v7+s31+$0x0] =	vst.idx.msk $0xffff, v3;
	v3 =	vand.u32 $0x7F, v34  }
0x145: {  	v1 =	vor.u32 v4, v1;
	v2 =	vld.idx.msk [tilespmem:v2+s16+$0x0], $0xffff;
	v3 =	vor.u32 v3, v62;
	[tilespmem:v9+s31+$0x0] =	vst.idx.msk $0xffff, v60  }
0x146: {  	v3 =	vor.u32 v22, v3;
	v63 =	vld.idx.msk [tilespmem:v10+s16+$0x0], $0xffff  }
0x147: {  	s0 =	smulhi.u32 $0x4EC4EC4F, s1;
	_ =	sdelay $0x1  }
0x148: {  	s3 =	sadd.s32 $0x1, s3;
	[tilespmem:v8+s31+$0x0] =	vst.idx.msk $0xffff, v32;
	s0 =	sshll.u32 s0, $0x3  }
0x149: {  	p0 =	sne.s32 s3, $0x10;
	s0 =	sand.u32 $0xFFFFE00, s0;
	[tilespmem:v1+s31+$0x0] =	vst.idx.msk $0xffff, v2  }
.Ltmp2:
0x14a: {  	s0 =	sadd.s32 s8, s0;
	[tilespmem:v3+s31+$0x0] =	vst.idx.msk $0xffff, v63;
	(pc) =	sbr.rel @p0 .LBB2_2-.Ltmp2, $4  }
0x14b: {  	[hbm4b:s0+s2] =	stream.linear.scatter [tilespmem:s31], [sflag:$0x2], $0x4000, $0x38;
	[tilespmem:$0x1F180] =	vst v63  }
0x14c: {  	_ =	swait.ge [sflag:s12], $0x4000  }
0x14d: {  	[sflag:s12] =	ssyncset.done $0x0  }
0x14e: {  	[sflag:s12] =	ssyncadd.s32 $0xFFFFC000  }
0x14f: {  	s1 =	rddreg [dreg:$0x5]  }
0x150: {  	s0 =	rddreg [dreg:$0x4];
	s1 =	sadd.s32 $0x1, s1  }
0x151: {  	p0 =	sne.s32 s1, s0  }
.Ltmp3:
0x152: {  	_ = 	snop;
	(pc) =	sbr.rel @p0 .LBB2_1-.Ltmp3, $1  }
0x153: {  	_ =	sdelay $0x3  }
0x154: {  	_ =	sfence.sel $0x180000  }
0x155: {  	[bflag:$0x0] =	sbarrier.arrive $0xFFFF  }
0x156: {  	_ =	strace $0x90000047  }
0x157: {  	s0 =	stileid.u32;
	[bflag:$0x2] =	sbarrier.arrive $0xFFFF  }
0x158: {  	p0 =	sne.s32 s0, $0x0;
	s0 =	rddreg [dreg:$0x2]  }
0x159: {  	s0 =	sadd.s32 @!p0 $0x100000, s0  }
0x15a: {  	[sflag:s0] =	ssyncadd.tile.s32 @!p0 $0x1;
	_ =	shalt  }
.Lfunc_end2:
_tile_overlayer_lowered:
.L_overlay_start_2:
0x15b: {  	(tag) =	ssettag $0x2  }
0x15c: {  	s0 =	rddreg [dreg:$0x0];
	s2 =	stileid.u32  }
0x15d: {  	s1 =	rddreg [dreg:$0x1];
	p0 =	sne.s32 s2, $0x0  }
0x15e: {  	s3 =	rddreg [dreg:$0x2];
	[bflag:$0x3] =	sbarrier.arrive $0xFFFF;
	s2 =	simm.s32 @!p0 $0x1C02  }
0x15f: {  	[timem:s3], [sflag:s2] =	dma.local @!p0 [hbm:s0], s1  }
0x160: {  	s0 =	simm.s32 @!p0 $0x2  }
0x161: {  	_ =	swait.ge @!p0 [sflag:s0], s1  }
0x162: {  	s1 =	ssub.s32 @!p0 $0x0, s1;
	[sflag:s0] =	ssyncset.done @!p0 $0x0  }
0x163: {  	[sflag:s0] =	ssyncadd.s32 @!p0 s1  }
0x164: {  	[bflag:$0x3] =	sbarrier.arrive $0xFFFF  }
0x165: {  	_ =	shalt  }

// kernel: kernel.8.cloned.1.call-start
scs
__scs_entry_jumppad:
0x0: {  	(pc) =	sbr.rel $0x88, $3  }
0x1: {  	(tag) =	ssettag $0x0;
	lr =	simm.s32 $0x1  }
0x2: {  	[smem:$0x3F92] =	sst lr;
	_ =	strace $0xD0000000  }
0x3: {  	_ = 	snop  }
0x4: {  	_ = 	snop  }
0x5: {  	_ = 	snop  }
0x6: {  	_ = 	snop  }
0x7: {  	_ = 	snop  }
__scs_overlays_trampoline_lowered:
0x8: {  	[smem:$0x3FA1] =	sst s0  }
0x9: {  	[smem:$0x3FA2] =	sst s1  }
0xa: {  	[smem:$0x3FA3] =	sst s2  }
0xb: {  	[smem:$0x3FA4] =	sst s3  }
0xc: {  	[smem:$0x3FA5] =	sst s4  }
0xd: {  	[smem:$0x3FA6] =	sst s5  }
0xe: {  	[smem:$0x3FA7] =	sst s6  }
0xf: {  	[smem:$0x3FA8] =	sst s7  }
0x10: {  	[smem:$0x3FA9] =	sst s8  }
0x11: {  	[smem:$0x3FAA] =	sst s9;
	s0 =	simm.s32 @!p0 $0x0  }
0x12: {  	s1 =	sld [smem:$0x3F90];
	s0 =	simm.s32 @p0 $0x1  }
0x13: {  	[smem:$0x3FAB] =	sst s0;
	s0 =	simm.s32 @!p1 $0x0  }
0x14: {  	s2 =	sld [smem:$0x3F8F];
	s0 =	simm.s32 @p1 $0x1  }
0x15: {  	[smem:$0x3FAC] =	sst s0;
	s0 =	simm.s32 @!p2 $0x0  }
0x16: {  	s3 =	sld [smem:$0x3FDB];
	s0 =	simm.s32 @p2 $0x1  }
0x17: {  	s4 =	simm.s32 $0x1BF5;
	[smem:$0x3FAE] =	sst s0  }
0x18: {  	s0 =	sld [smem:$0x3F91];
	_ =	swait.ge [sflag:s4], $0x0  }
0x19: {  	s7 =	sld [smem:$0x3F92]  }
0x1a: {  	s8 =	sadd.s32 $0xFFFFE003, lr  }
0x1b: {  	s9 =	sadd.s32 $0xFFFFFEF7, lr;
	s5 =	simm.s32 $0xFFFFFFFF;
	p2 =	slt.u32 s8, $0xFFFFF086  }
0x1c: {  	p1 =	slt.u32 s9, $0xF7A;
	s5 =	simm.s32 @!p2 $0x0  }
0x1d: {  	s5 =	simm.s32 @p1 $0x1;
	p0 =	seq.s32 s7, s2  }
0x1e: {  	s7 =	smul.u32 @!p0 $0xF7A, s2;
	p2 =	seq.s32 @!p0 s5, $0x0  }
0x1f: {  	s9 =	smul.u32 $0xF7A, s1;
	s8 =	simm.s32 @!p0 $0x1BF5;
	p2 =	por !p2, p0  }
0x20: {  	[sflag:s8] =	ssyncset.s32 @!p0 $0xFFFFF086;
	s6 =	sadd.s32 @!p0 s3, s7;
	s7 =	simm.s32 @!p0 $0x108  }
0x21: {  	s3 =	sadd.s32 s3, s9;
	s6 =	sadd.s32 @!p0 $0x88, s6;
	s7 =	simm.s32 @p2 $0x1082  }
0x22: {  	[simem:s7], [sflag:s8] =	dma.local @!p0 [hbm:s6], $0xF7A  }
0x23: {  	s9 =	sor.u32 $0xD0000000, s2;
	s6 =	simm.s32 $0x108;
	_ =	swait.ge @!p0 [sflag:s8], $0x0  }
0x24: {  	s3 =	sadd.s32 $0x88, s3;
	s6 =	simm.s32 @!p1 $0x1082;
	[sflag:s4] =	ssyncset.s32 $0xFFFFF086  }
0x25: {  	[simem:s6], [sflag:s4] =	dma.local [hbm:s3], $0xF7A  }
0x26: {  	[smem:$0x3F92] =	sst s1;
	(tag) =	ssettag s2;
	_ =	strace s9  }
0x27: {  	s1 =	sld [smem:$0x3FA2]  }
0x28: {  	s2 =	sld [smem:$0x3FA3]  }
0x29: {  	s4 =	sld [smem:$0x3FA5]  }
0x2a: {  	p0 =	seq.s32 s5, $0x0;
	s5 =	sld [smem:$0x3FA6]  }
0x2b: {  	s6 =	sld [smem:$0x3FA7]  }
0x2c: {  	s7 =	sld [smem:$0x3FA8]  }
0x2d: {  	s3 =	simm.s32 $0x108;
	s8 =	sld [smem:$0x3FA9]  }
0x2e: {  	s3 =	simm.s32 @!p0 $0x1082;
	s9 =	sld [smem:$0x3FAA]  }
0x2f: {  	lr =	sadd.s32 s0, s3;
	s0 =	sld [smem:$0x3FA1]  }
0x30: {  	s3 =	sld [smem:$0x3FA4]  }
0x31: {  	[smem:$0x3FAD] =	sst s10  }
0x32: {  	s10 =	sld [smem:$0x3FAB];
	_ =	sdelay $0x3  }
0x33: {  	p0 =	seq.s32 s10, $0x1;
	s10 =	sld [smem:$0x3FAD];
	_ =	sdelay $0x3  }
0x34: {  	[smem:$0x3FAD] =	sst s10  }
0x35: {  	s10 =	sld [smem:$0x3FAC];
	_ =	sdelay $0x3  }
0x36: {  	p1 =	seq.s32 s10, $0x1;
	s10 =	sld [smem:$0x3FAD];
	_ =	sdelay $0x3  }
0x37: {  	[smem:$0x3FAD] =	sst s10  }
0x38: {  	s10 =	sld [smem:$0x3FAE]  }
0x39: {  	_ = 	snop;
	(pc) =	sbr.ind lr, $3  }
0x3a: {  	_ = 	snop  }
0x3b: {  	_ = 	snop  }
0x3c: {  	p2 =	seq.s32 s10, $0x1;
	s10 =	sld [smem:$0x3FAD]  }
0x3d: {  	_ =	shalt  }
0x3e: {  	_ =	shalt  }
0x3f: {  	_ =	shalt  }
0x40: {  	_ =	shalt  }
0x41: {  	_ =	shalt  }
0x42: {  	_ =	shalt  }
0x43: {  	_ =	shalt  }
0x44: {  	_ =	shalt  }
0x45: {  	_ =	shalt  }
0x46: {  	_ =	shalt  }
0x47: {  	_ =	shalt  }
0x48: {  	_ =	shalt  }
0x49: {  	_ =	shalt  }
0x4a: {  	_ =	shalt  }
0x4b: {  	_ =	shalt  }
0x4c: {  	_ =	shalt  }
0x4d: {  	_ =	shalt  }
0x4e: {  	_ =	shalt  }
0x4f: {  	_ =	shalt  }
0x50: {  	_ =	shalt  }
0x51: {  	_ =	shalt  }
0x52: {  	_ =	shalt  }
0x53: {  	_ =	shalt  }
0x54: {  	_ =	shalt  }
0x55: {  	_ =	shalt  }
0x56: {  	_ =	shalt  }
0x57: {  	_ =	shalt  }
0x58: {  	_ =	shalt  }
0x59: {  	_ =	shalt  }
0x5a: {  	_ =	shalt  }
0x5b: {  	_ =	shalt  }
0x5c: {  	_ =	shalt  }
0x5d: {  	_ =	shalt  }
0x5e: {  	_ =	shalt  }
0x5f: {  	_ =	shalt  }
0x60: {  	_ =	shalt  }
0x61: {  	_ =	shalt  }
0x62: {  	_ =	shalt  }
0x63: {  	_ =	shalt  }
0x64: {  	_ =	shalt  }
0x65: {  	_ =	shalt  }
0x66: {  	_ =	shalt  }
0x67: {  	_ =	shalt  }
0x68: {  	_ =	shalt  }
0x69: {  	_ =	shalt  }
0x6a: {  	_ =	shalt  }
0x6b: {  	_ =	shalt  }
0x6c: {  	_ =	shalt  }
0x6d: {  	_ =	shalt  }
0x6e: {  	_ =	shalt  }
0x6f: {  	_ =	shalt  }
0x70: {  	_ =	shalt  }
0x71: {  	_ =	shalt  }
0x72: {  	_ =	shalt  }
0x73: {  	_ =	shalt  }
0x74: {  	_ =	shalt  }
0x75: {  	_ =	shalt  }
0x76: {  	_ =	shalt  }
0x77: {  	_ =	shalt  }
0x78: {  	_ =	shalt  }
0x79: {  	_ =	shalt  }
0x7a: {  	_ =	shalt  }
0x7b: {  	_ =	shalt  }
0x7c: {  	_ =	shalt  }
0x7d: {  	_ =	shalt  }
0x7e: {  	_ =	shalt  }
0x7f: {  	_ =	shalt  }
0x80: {  	_ =	shalt  }
0x81: {  	_ =	shalt  }
0x82: {  	_ =	shalt  }
0x83: {  	_ =	shalt  }
0x84: {  	_ =	shalt  }
0x85: {  	_ =	shalt  }
0x86: {  	_ =	shalt  }
0x87: {  	_ =	shalt  }
.Lfunc_end0:
.L_simem_size_0:
called_computation_lowered:
.L_overlay_start_0:
0x88: {  	s2 =	sld [smem:$0x3FD9]  }
0x89: {  	s3 =	sld [smem:$0x3FFE];
	_ =	sdelay $0x1  }
0x8a: {  	s1 =	srdreg.scid  }
0x8b: {  	s0 =	sand.u32 $0x1, s1  }
0x8c: {  	s17 =	sshll.u32 s0, $0xA;
	s2 =	sadd.s32 s3, s2  }
0x8d: {  	s2 =	sadd.s32 s2, s17  }
0x8e: {  	[smem:$0x3FB9] =	sst s2  }
0x8f: {  	_ = 	snop  }
0x90: {  	s18 =	sld [smem:$0x3FD0];
	(tm) =	ssettm $0x1  }
0x91: {  	s19 =	sld [smem:$0x3FFB];
	_ =	sdelay $0x3  }
0x92: {  	_ =	strace s19  }
0x93: {  	s2 =	sld [smem:$0x3FFC];
	_ =	sdelay $0x3  }
0x94: {  	_ =	strace s2  }
0x95: {  	s2 =	sld [smem:$0x3FFD];
	_ =	sdelay $0x3  }
0x96: {  	_ =	strace s2  }
0x97: {  	_ =	strace $0x8FFFFFFF  }
0x98: {  	s20 =	sld [smem:$0x3FDB];
	_ =	sdelay $0x1  }
0x99: {  	s4 =	simm.s32 $_scs_section_size  }
0x9a: {  	s5 =	simm.s32 $_size__tile_overlayer_lowered;
	s6 =	simm.s32 $_tile_overlayer_lowered  }
0x9b: {  	s7 =	simm.s32 $0x1BFF;
	s21 =	sshll.u32 s6, $0x1;
	s4 =	sadd.s32 s4, s20  }
0x9c: {  	s22 =	simm.s32 $0x0;
	s5 =	sshll.u32 s5, $0x1;
	s6 =	sadd.s32 s21, s4  }
0x9d: {  	[timem:s22], [sflag:s7] =	dma.local [hbm:s6], s5  }
0x9e: {  	_ =	swait.ge [sflag:s7], s5  }
0x9f: {  	s5 =	ssub.s32 $0x0, s5;
	[sflag:s7] =	ssyncset.done $0x0  }
0xa0: {  	[sflag:s7] =	ssyncadd.s32 s5;
	_ =	sdelay $0x1  }
0xa1: {  	s23 =	simm.s32 $0x1B8B  }
0xa2: {  	_ =	swait.ge [sflag:s23], $0x1  }
0xa3: {  	[sflag:s23] =	ssyncset.done $0x0  }
0xa4: {  	[sflag:s23] =	ssyncadd.s32 $0xFFFFFFFF  }
0xa5: {  	s5 =	sld [smem:$0x0]  }
0xa6: {  	s6 =	sand.u32 $0xFFFFFFFE, s1  }
0xa7: {  	p0 =	sne.s32 s1, s6  }
0xa8: {  	s6 =	sshll.u32 @p0 s6, $0xE  }
0xa9: {  	s6 =	sadd.s32 @p0 $0x11B8D, s6;
	s7 =	sshll.u32 @p0 s5, $0x11  }
0xaa: {  	s6 =	sor.u32 @p0 s7, s6  }
0xab: {  	[sflag:s6] =	ssyncadd.remote.s32 @p0 $0x1;
	_ =	sdelay $0x1  }
0xac: {  	s6 =	simm.s32 @p0 $0x1B8D  }
0xad: {  	_ =	swait.eq @p0 [sflag:s6], $0x1  }
0xae: {  	[sflag:s6] =	ssyncadd.s32 @p0 $0xFFFFFFFF  }
0xaf: {  	s7 =	sshll.u32 @!p0 s1, $0xE  }
0xb0: {  	s7 =	sor.u32 @!p0 $0x4000, s7;
	s6 =	simm.s32 @!p0 $0x1B8D  }
0xb1: {  	s5 =	sshll.u32 @!p0 s5, $0x11;
	s7 =	sadd.s32 @!p0 $0x11B8D, s7;
	_ =	swait.eq @!p0 [sflag:s6], $0x1  }
0xb2: {  	s5 =	sor.u32 @!p0 s5, s7;
	[sflag:s6] =	ssyncadd.s32 @!p0 $0xFFFFFFFF  }
0xb3: {  	s25 =	simm.s32 $0x1B8E;
	s24 =	sld [smem:$0x3FFE];
	[sflag:s5] =	ssyncadd.remote.s32 @!p0 $0x1  }
0xb4: {  	s26 =	simm.s32 $execute0_lowered;
	[smem:$0x3FD2] =	sst s25  }
0xb5: {  	s6 =	sshll.u32 s26, $0x1;
	_ =	strace $0x80000049;
	[dreg:$0x1] =	wrdreg $0xFFFFFFFF  }
0xb6: {  	s28 =	simm.s32 $_size_execute0_lowered;
	s4 =	sadd.s32 s4, s6;
	[dreg:$0x0] =	wrdreg $0x0  }
0xb7: {  	s6 =	sshll.u32 s28, $0x1;
	[dreg:$0x2] =	wrdreg s4  }
0xb8: {  	[dreg:$0x3] =	wrdreg s6  }
0xb9: {  	[dreg:$0x4] =	wrdreg $0xC0  }
0xba: {  	_ =	task [dreg:s22], $0x5FFFF  }
0xbb: {  	[dreg:$0x1] =	wrdreg $0xFFFFFFFF  }
0xbc: {  	[dreg:$0x0] =	wrdreg $0x60  }
0xbd: {  	[dreg:$0x2] =	wrdreg s24  }
0xbe: {  	[dreg:$0x3] =	wrdreg s18  }
0xbf: {  	[dreg:$0x4] =	wrdreg $0x9  }
0xc0: {  	_ =	task.clear_ibuf [dreg:s22], $0x5FFFF;
	_ =	strace $0x90000049  }
0xc1: {  	s29 =	simm.s32 $0x9;
	_ =	strace $0x8000004B  }
0xc2: {  	_ =	swait.ge [sflag:s29], $0x1  }
0xc3: {  	[sflag:s29] =	ssyncadd.s32 $0xFFFFFFFF  }
0xc4: {  	_ =	strace $0x9000004B  }
0xc5: {  	_ =	sfence  }
0xc6: {  	s30 =	sld [smem:$0x0];
	_ =	sdelay $0x2  }
0xc7: {  	s31 =	sshll.u32 s1, $0xD;
	s1 =	sshrl.u32 s1, $0x2  }
0xc8: {  	s4 =	sand.u32 $0x4000, s31;
	s1 =	sadd.s32 s1, s30  }
0xc9: {  	s0 =	sor.u32 s4, s0;
	s1 =	sshll.u32 s1, $0x11  }
0xca: {  	s0 =	sor.u32 s1, s0  }
0xcb: {  	s0 =	sadd.s32 $0x8F2B, s0  }
0xcc: {  	[sflag:s0] =	ssyncadd.remote.s32 $0x1  }
0xcd: {  	_ =	sfence.sel $0xFFFF  }
0xce: {  	[dreg:$0x0] =	wrdreg $0xFFFFFFFF;
	(pc) =	sbr.abs _section_cstart, $3  }
0xcf: {  	[dreg:$0x1] =	wrdreg $0xFFFFFFFF  }
0xd0: {  	_ =	task.clear_ibuf [dreg:s22], $0x2FFFF;
	_ =	strace $0x9FFFFFFF  }
0xd1: {  	(tm) =	ssettm $0x7FFFFFFF  }
tec
execute0_lowered:
.L_overlay_start_1:
0x0: {  	(tag) =	ssettag $0x1  }
0x1: {  	s0 =	rddreg [dreg:$0x0];
	s2 =	simm.s32 $0x0;
	s1 =	srdreg.scid  }
0x2: {  	s8 =	stileid.u32;
	s12 =	simm.s32 $0x2;
	s15 =	simm.s32 $0x80  }
0x3: {  	s16 =	simm.s32 $0x1180;
	s17 =	simm.s32 $0x5180;
	s18 =	simm.s32 $0x100  }
0x4: {  	s19 =	simm.s32 $0x9180;
	s20 =	simm.s32 $0x180;
	s21 =	simm.s32 $0xD180  }
0x5: {  	s22 =	simm.s32 $0x200;
	s23 =	simm.s32 $0x11180;
	s24 =	simm.s32 $0x280  }
0x6: {  	s25 =	simm.s32 $0x15180;
	s28 =	simm.s32 $0x300;
	s29 =	simm.s32 $0x19180  }
0x7: {  	s30 =	simm.s32 $0x1;
	s31 =	simm.s32 $0x1B180;
	[smem:$0x7FF] =	sst s2  }
0x8: {  	s4 =	sadd.s32 $0x11D400, s0;
	s1 =	sand.u32 $0x1, s1;
	s5 =	sadd.s32 $0x10400, s0  }
0x9: {  	s6 =	sadd.s32 $0x3400, s0;
	s8 =	sshll.u32 s8, $0x1;
	s3 =	ssub.s32 $0x2, s1  }
0xa: {  	s9 =	sadd.s32 $0x3200, s0;
	_ =	strace $0x8000004A;
	s7 =	sshrl.u32 s3, $0x1  }
0xb: {  	[dreg:$0x3] =	wrdreg s9;
	s1 =	sor.u32 s1, s8;
	s3 =	ssub.s32 s3, s7  }
0xc: {  	v0 =	vlaneseq.u32;
	s8 =	sadd.s32 $0x612E00, s0;
	s9 =	smul.u32 $0x3400, s1;
	s26 =	smax.u32 s3, $0x1  }
0xd: {  	v0 =	vmul.u32 $0x80, v0;
	s1 =	simm.s32 $0x0;
	[dreg:$0x4] =	wrdreg s26;
	s26 =	simm.s32 $0x40  }
.LBB2_1:
0xe: {  	[dreg:$0x5] =	wrdreg s1  }
0xf: {  	s0 =	rddreg [dreg:$0x1];
	s11 =	simm.s32 $0xA80  }
0x10: {  	[tilespmem:s11], [sflag:$0x2] =	stream.linear.gather [hbm4b:s0+s2], $0x380, $0x38;
	[tilespmem:$0x1F180] =	vst v63  }
0x11: {  	_ =	swait.ge [sflag:s12], $0x380  }
0x12: {  	[sflag:s12] =	ssyncset.done $0x0  }
0x13: {  	s14 =	simm.s32 $0xE00;
	s13 =	rddreg [dreg:$0x3];
	[sflag:s12] =	ssyncadd.s32 $0xFFFFFC80  }
0x14: {  	[tilespmem:s14], [sflag:$0x2] =	stream.linear.gather [hbm4b:s13+s2], $0x380, $0x38;
	[tilespmem:$0x1F180] =	vst v63  }
0x15: {  	_ =	swait.ge [sflag:s12], $0x380  }
0x16: {  	[sflag:s12] =	ssyncset.done $0x0  }
0x17: {  	s3 =	simm.s32 $0x0;
	[sflag:s12] =	ssyncadd.s32 $0xFFFFFC80  }
.LBB2_2:
0x18: {  	s0 =	smul.u32 $0x340, s3;
	_ =	sdelay $0x1  }
0x19: {  	s1 =	sadd.s32 s9, s0  }
0x1a: {  	s0 =	sshrl.u32 s1, $0x3  }
0x1b: {  	s7 =	sadd.s32 s5, s0  }
0x1c: {  	[tilespmem:s2], [sflag:$0x2] =	stream.linear.gather [hbm4b:s7+s2], $0x340, $0x38;
	[tilespmem:$0x1F180] =	vst v63  }
0x1d: {  	_ =	swait.ge [sflag:s12], $0x340  }
0x1e: {  	[sflag:s12] =	ssyncset.done $0x0  }
0x1f: {  	s11 =	simm.s32 $0x700;
	s0 =	sadd.s32 s6, s0;
	[sflag:s12] =	ssyncadd.s32 $0xFFFFFCC0  }
0x20: {  	[tilespmem:s11], [sflag:$0x2] =	stream.linear.gather [hbm4b:s0+s2], $0x340, $0x38;
	[tilespmem:$0x1F180] =	vst v63  }
0x21: {  	_ =	swait.ge [sflag:s12], $0x340  }
0x22: {  	[sflag:s12] =	ssyncset.done $0x0  }
0x23: {  	s13 =	simm.s32 $0x20;
	[sflag:s12] =	ssyncadd.s32 $0xFFFFFCC0  }
0x24: {  	s14 =	simm.s32 $0x720;
	v1 =	vld [tilespmem:s13+$0x10]  }
0x25: {  	v2 =	vld [tilespmem:s14+$0x10]  }
0x26: {  	v3 =	vld [tilespmem:s13+$0xFFFFFFF0]  }
0x27: {  	v4 =	vld [tilespmem:s14+$0xFFFFFFF0]  }
0x28: {  	v6 =	vld [tilespmem:s13+$0x0]  }
0x29: {  	v7 =	vld [tilespmem:s14+$0x0];
	_ =	sdelay $0x1  }
0x2a: {  	v5 =	vld [tilespmem:s14+$0xFFFFFFE0]  }
0x2b: {  	s7 =	simm.s32 $0x60;
	v1 =	vadd.s32 v1, v2;
	v2 =	vld [tilespmem:s13+$0xFFFFFFE0]  }
0x2c: {  	s11 =	simm.s32 $0x760;
	v9 =	vld [tilespmem:s7+$0x10];
	v3 =	vadd.s32 v3, v4;
	v8 =	vshrl.u32 v1, $0x3  }
0x2d: {  	v6 =	vadd.s32 v6, v7;
	v4 =	vshrl.u32 v3, $0x3;
	[tilespmem:s13+$0x10] =	vst v8;
	v8 =	vld [tilespmem:s11+$0x10]  }
0x2e: {  	v10 =	vand.u32 $0x7, v3;
	v3 =	vld [tilespmem:s7+$0xFFFFFFF0];
	v7 =	vshrl.u32 v6, $0x3;
	[tilespmem:s13+$0xFFFFFFF0] =	vst v4  }
0x2f: {  	s10 =	simm.s32 $0x3A0;
	v1 =	vand.u32 $0x7, v1;
	v4 =	vld [tilespmem:s11+$0xFFFFFFF0];
	[tilespmem:s13+$0x0] =	vst v7  }
0x30: {  	v7 =	vld [tilespmem:s7+$0xFFFFFFE0];
	[tilespmem:s10+$0x10] =	vst v1;
	v5 =	vadd.s32 v2, v5  }
0x31: {  	[tilespmem:s10+$0xFFFFFFF0] =	vst v10;
	v2 =	vld [tilespmem:s7+$0x0];
	v10 =	vshrl.u32 v5, $0x3  }
0x32: {  	v11 =	vand.u32 $0x7, v5;
	v5 =	vld [tilespmem:s11+$0x0];
	v8 =	vadd.s32 v9, v8;
	[tilespmem:s13+$0xFFFFFFE0] =	vst v10  }
0x33: {  	s0 =	simm.s32 $0x4;
	s14 =	simm.s32 $0xA0;
	v6 =	vand.u32 $0x7, v6;
	v1 =	vld [tilespmem:s11+$0xFFFFFFE0];
	s13 =	simm.s32 $0x3A0;
	v9 =	vshrl.u32 v8, $0x3;
	[tilespmem:s10+$0xFFFFFFE0] =	vst v11  }
.LBB2_3:
0x34: {  	v10 =	vld [tilespmem:s14+$0x10];
	[tilespmem:s7+$0x10] =	vst v9;
	v8 =	vand.u32 $0x7, v8;
	s11 =	sadd.s32 $0x40, s11;
	s10 =	sadd.s32 $0x40, s10  }
0x35: {  	s0 =	sadd.s32 $0x4, s0;
	v9 =	vld [tilespmem:s11+$0x10];
	v3 =	vadd.s32 v3, v4;
	[tilespmem:s10+$0x10] =	vst v8  }
0x36: {  	p0 =	slt.u32 s0, $0x30;
	v11 =	vld [tilespmem:s11+$0xFFFFFFE0];
	v4 =	vshrl.u32 v3, $0x3;
	v8 =	vand.u32 $0x7, v3;
	[tilespmem:s13+$0x0] =	vst v6;
	s13 =	smov.u32 s10  }
.Ltmp0:
0x37: {  	v3 =	vld [tilespmem:s14+$0xFFFFFFF0];
	[tilespmem:s7+$0xFFFFFFF0] =	vst v4;
	v2 =	vadd.s32 v2, v5;
	(pc) =	sbr.rel @p0 .LBB2_3-.Ltmp0, $4  }
0x38: {  	v4 =	vld [tilespmem:s11+$0xFFFFFFF0];
	v1 =	vadd.s32 v7, v1;
	[tilespmem:s10+$0xFFFFFFF0] =	vst v8;
	v5 =	vshrl.u32 v2, $0x3;
	v6 =	vand.u32 $0x7, v2  }
0x39: {  	v2 =	vld [tilespmem:s14+$0x0];
	v7 =	vshrl.u32 v1, $0x3;
	v12 =	vand.u32 $0x7, v1;
	[tilespmem:s7+$0x0] =	vst v5  }
0x3a: {  	v5 =	vld [tilespmem:s11+$0x0];
	v8 =	vadd.s32 v10, v9;
	[tilespmem:s7+$0xFFFFFFE0] =	vst v7;
	s7 =	smov.u32 s14  }
0x3b: {  	s14 =	sadd.s32 $0x40, s14;
	v7 =	vld [tilespmem:s7+$0xFFFFFFE0];
	v9 =	vshrl.u32 v8, $0x3;
	[tilespmem:s10+$0xFFFFFFE0] =	vst v12;
	v1 =	vmov v11  }
0x3c: {  	[tilespmem:s7+$0x10] =	vst v9  }
0x3d: {  	v8 =	vand.u32 $0x7, v8;
	s0 =	sadd.s32 $0x40, s10;
	[tilespmem:s13+$0x0] =	vst v6;
	v3 =	vadd.s32 v3, v4  }
0x3e: {  	[tilespmem:s0+$0x10] =	vst v8;
	v4 =	vshrl.u32 v3, $0x3  }
0x3f: {  	v3 =	vand.u32 $0x7, v3;
	[tilespmem:s7+$0xFFFFFFF0] =	vst v4;
	v2 =	vadd.s32 v2, v5  }
0x40: {  	v1 =	vadd.s32 v7, v1;
	[tilespmem:s0+$0xFFFFFFF0] =	vst v3;
	v3 =	vshrl.u32 v2, $0x3  }
0x41: {  	v4 =	vshrl.u32 v1, $0x3;
	[tilespmem:s7+$0x0] =	vst v3  }
0x42: {  	v2 =	vand.u32 $0x7, v2;
	[tilespmem:s7+$0xFFFFFFE0] =	vst v4  }
0x43: {  	v1 =	vand.u32 $0x7, v1;
	[tilespmem:s0+$0x0] =	vst v2  }
0x44: {  	[tilespmem:s0+$0xFFFFFFE0] =	vst v1;
	s0 =	simm.s32 $0x0  }
0x45: {  	[tilespmem:s16], [sflag:$0x1] =	stream.indirect.gather [hbm4b:s4+s15], $0x80, s0, s15, $0xb8;
	[tilespmem:$0x1F180] =	vst v63  }
0x46: {  	_ = 	snop  }
0x47: {  	[tilespmem:s17], [sflag:$0x1] =	stream.indirect.gather [hbm4b:s4+s15], $0x80, s15, s15, $0xb8;
	[tilespmem:$0x1F180] =	vst v63  }
0x48: {  	_ = 	snop  }
0x49: {  	[tilespmem:s19], [sflag:$0x1] =	stream.indirect.gather [hbm4b:s4+s15], $0x80, s18, s15, $0xb8;
	[tilespmem:$0x1F180] =	vst v63  }
0x4a: {  	_ = 	snop  }
0x4b: {  	[tilespmem:s21], [sflag:$0x1] =	stream.indirect.gather [hbm4b:s4+s15], $0x80, s20, s15, $0xb8;
	[tilespmem:$0x1F180] =	vst v63  }
0x4c: {  	_ = 	snop  }
0x4d: {  	[tilespmem:s23], [sflag:$0x1] =	stream.indirect.gather [hbm4b:s4+s15], $0x80, s22, s15, $0xb8;
	[tilespmem:$0x1F180] =	vst v63  }
0x4e: {  	_ = 	snop  }
0x4f: {  	[tilespmem:s25], [sflag:$0x1] =	stream.indirect.gather [hbm4b:s4+s15], $0x80, s24, s15, $0xb8;
	[tilespmem:$0x1F180] =	vst v63  }
0x50: {  	_ = 	snop  }
0x51: {  	[tilespmem:s29], [sflag:$0x1] =	stream.indirect.gather [hbm4b:s4+s26], $0x80, s28, s26, $0xb8;
	[tilespmem:$0x1F180] =	vst v63  }
0x52: {  	_ =	swait.ge [sflag:s30], $0x4000  }
0x53: {  	[sflag:s30] =	ssyncset.done $0x0  }
0x54: {  	[sflag:s30] =	ssyncadd.s32 $0xFFFFC000  }
0x55: {  	_ =	swait.ge [sflag:s30], $0x4000  }
0x56: {  	[sflag:s30] =	ssyncset.done $0x0  }
0x57: {  	[sflag:s30] =	ssyncadd.s32 $0xFFFFC000  }
0x58: {  	_ =	swait.ge [sflag:s30], $0x4000  }
0x59: {  	[sflag:s30] =	ssyncset.done $0x0  }
0x5a: {  	[sflag:s30] =	ssyncadd.s32 $0xFFFFC000  }
0x5b: {  	_ =	swait.ge [sflag:s30], $0x4000  }
0x5c: {  	[sflag:s30] =	ssyncset.done $0x0  }
0x5d: {  	[sflag:s30] =	ssyncadd.s32 $0xFFFFC000  }
0x5e: {  	_ =	swait.ge [sflag:s30], $0x4000  }
0x5f: {  	[sflag:s30] =	ssyncset.done $0x0  }
0x60: {  	[sflag:s30] =	ssyncadd.s32 $0xFFFFC000  }
0x61: {  	_ =	swait.ge [sflag:s30], $0x4000  }
0x62: {  	[sflag:s30] =	ssyncset.done $0x0  }
0x63: {  	[sflag:s30] =	ssyncadd.s32 $0xFFFFC000  }
0x64: {  	_ =	swait.ge [sflag:s30], $0x2000  }
0x65: {  	[sflag:s30] =	ssyncset.done $0x0  }
0x66: {  	s13 =	simm.s32 $0x380;
	[sflag:s30] =	ssyncadd.s32 $0xFFFFE000  }
0x67: {  	s14 =	simm.s32 $0xA80;
	v1 =	vld [tilespmem:s13+$0x0]  }
0x68: {  	s11 =	simm.s32 $0xE00;
	v2 =	vld [tilespmem:s14+$0x0]  }
0x69: {  	v3 =	vld [tilespmem:s11+$0x0];
	_ =	sdelay $0x1  }
0x6a: {  	v4 =	vmov s0  }
0x6b: {  	v4 =	vshll.u32 v4, $0x7  }
0x6c: {  	v4 =	vor.u32 v0, v4  }
0x6d: {  	v1 =	vshll.u32 v1, $0x4;
	v6 =	vshll.u32 v2, $0x9;
	v7 =	vshll.u32 v3, $0x3  }
0x6e: {  	v9 =	vadd.s32 $0x5, v3;
	v10 =	vand.u32 $0x7F, v3;
	v2 =	vshll.u32 v2, $0x7  }
0x6f: {  	v11 =	vadd.s32 $0x1, v3;
	v13 =	vadd.s32 $0x4, v3;
	v24 =	vadd.s32 $0xC, v3  }
0x70: {  	v5 =	vand.u32 $0xFFFFFF80, v1;
	v1 =	vand.u32 $0x70, v1;
	v8 =	vand.u32 $0xFFFFF000, v6  }
0x71: {  	v6 =	vand.u32 $0xFFFFFC00, v7;
	v7 =	vadd.s32 $0x2, v3;
	v12 =	vshll.u32 v11, $0x3  }
0x72: {  	v14 =	vshll.u32 v13, $0x3;
	v16 =	vshll.u32 v9, $0x3;
	v13 =	vand.u32 $0x7F, v13  }
0x73: {  	v9 =	vand.u32 $0x7F, v9;
	v6 =	vadd.s32 v8, v6;
	v4 =	vadd.s32 v4, v5  }
0x74: {  	v5 =	vshll.u32 v7, $0x3;
	v6 =	vor.u32 v10, v6;
	v10 =	vor.u32 v1, v4  }
0x75: {  	v1 =	vand.u32 $0xFFFFFC00, v12;
	v4 =	vand.u32 $0xFFFFFC00, v5;
	v5 =	vand.u32 $0x7F, v11  }
0x76: {  	v11 =	vadd.s32 $0x3, v3;
	v1 =	vadd.s32 v8, v1;
	v4 =	vadd.s32 v8, v4  }
0x77: {  	v15 =	vor.u32 $0x1, v10;
	v12 =	vor.u32 $0xF, v10;
	v23 =	vor.u32 $0x3, v10  }
0x78: {  	v27 =	vor.u32 $0x4, v10;
	v1 =	vor.u32 v5, v1;
	v5 =	vshll.u32 v11, $0x3  }
0x79: {  	v33 =	vor.u32 $0x5, v10;
	v34 =	vor.u32 $0x7, v10;
	v5 =	vand.u32 $0xFFFFFC00, v5  }
0x7a: {  	v58 =	vor.u32 $0xA, v10;
	v11 =	vand.u32 $0x7F, v11;
	v5 =	vadd.s32 v8, v5  }
0x7b: {  	v5 =	vor.u32 v11, v5;
	v11 =	vand.u32 $0xFFFFFC00, v14;
	v14 =	vand.u32 $0xFFFFFC00, v16  }
0x7c: {  	v16 =	vadd.s32 $0x6, v3;
	v11 =	vadd.s32 v8, v11;
	v14 =	vadd.s32 v8, v14  }
0x7d: {  	v17 =	vshll.u32 v16, $0x3;
	v16 =	vand.u32 $0x7F, v16;
	v18 =	vor.u32 v13, v11  }
0x7e: {  	v11 =	vand.u32 $0xFFFFFC00, v17;
	v13 =	vadd.s32 $0x7, v3;
	v9 =	vor.u32 v9, v14  }
0x7f: {  	v17 =	vor.u32 $0x2, v10;
	v11 =	vadd.s32 v8, v11;
	v14 =	vshll.u32 v13, $0x3  }
0x80: {  	v16 =	vor.u32 v16, v11;
	v11 =	vand.u32 $0xFFFFFC00, v14;
	v14 =	vadd.s32 $0x8, v3  }
0x81: {  	s13 =	simm.s32 $0x390;
	v13 =	vand.u32 $0x7F, v13;
	v11 =	vadd.s32 v8, v11;
	v19 =	vshll.u32 v14, $0x3  }
0x82: {  	v29 =	vld [tilespmem:s13+$0x0];
	v13 =	vor.u32 v13, v11;
	v11 =	vand.u32 $0x380, v2;
	v2 =	vand.u32 $0xFFFFFC00, v19  }
0x83: {  	v14 =	vand.u32 $0x7F, v14;
	v19 =	vadd.s32 $0x9, v3;
	v2 =	vadd.s32 v8, v2  }
0x84: {  	v20 =	vor.u32 v11, v6;
	v1 =	vor.u32 v11, v1;
	v6 =	vand.u32 $0x7F, v7  }
0x85: {  	s14 =	simm.s32 $0xA90;
	v21 =	vor.u32 v11, v5;
	v7 =	vor.u32 v11, v9;
	v5 =	vor.u32 v11, v16  }
0x86: {  	v31 =	vld [tilespmem:s14+$0x0];
	v9 =	vadd.s32 $0xA, v3;
	v16 =	vadd.s32 $0xB, v3;
	v32 =	vor.u32 v11, v18  }
0x87: {  	v18 =	vshll.u32 v29, $0x4;
	v29 =	vor.u32 $0x6, v10;
	v2 =	vor.u32 v14, v2  }
0x88: {  	v14 =	vshll.u32 v19, $0x3;
	v19 =	vand.u32 $0x7F, v19;
	v4 =	vor.u32 v6, v4  }
0x89: {  	v6 =	vor.u32 v11, v13;
	v13 =	vshll.u32 v9, $0x3;
	v22 =	vshll.u32 v16, $0x3  }
0x8a: {  	v9 =	vand.u32 $0x7F, v9;
	v35 =	vand.u32 $0xFFFFFF80, v18;
	v13 =	vand.u32 $0xFFFFFC00, v13  }
0x8b: {  	v36 =	vand.u32 $0x70, v18;
	v18 =	vshll.u32 v31, $0x9;
	v25 =	vadd.s32 v8, v13  }
0x8c: {  	v22 =	vand.u32 $0xFFFFFC00, v22;
	v13 =	vor.u32 v11, v2;
	v2 =	vor.u32 v9, v25  }
0x8d: {  	v9 =	vand.u32 $0xFFFFFC00, v14;
	v14 =	vand.u32 $0x7F, v16;
	v16 =	vadd.s32 v8, v22  }
0x8e: {  	v31 =	vshll.u32 v31, $0x7;
	v22 =	vld.idx.msk [tilespmem:v10+s16+$0x0], $0xffff;
	v26 =	vor.u32 v14, v16;
	v14 =	vshll.u32 v24, $0x3  }
0x8f: {  	v4 =	vor.u32 v11, v4;
	v16 =	vadd.s32 $0xD, v3;
	v14 =	vand.u32 $0xFFFFFC00, v14  }
0x90: {  	v9 =	vadd.s32 v8, v9;
	v24 =	vand.u32 $0x7F, v24;
	v14 =	vadd.s32 v8, v14  }
0x91: {  	v25 =	vshll.u32 v16, $0x3;
	v24 =	vor.u32 v24, v14;
	v14 =	vadd.s32 $0xE, v3  }
0x92: {  	s7 =	simm.s32 $0xE10;
	v16 =	vand.u32 $0x7F, v16;
	v25 =	vand.u32 $0xFFFFFC00, v25;
	v28 =	vshll.u32 v14, $0x3  }
0x93: {  	v19 =	vor.u32 v19, v9;
	v25 =	vadd.s32 v8, v25;
	[tilespmem:v20+s31+$0x0] =	vst.idx.msk $0xffff, v22;
	v9 =	vand.u32 $0xFFFFFC00, v28;
	v28 =	vld [tilespmem:s7+$0x0]  }
0x94: {  	s10 =	simm.s32 $0x10;
	v30 =	vor.u32 v16, v25;
	v22 =	vadd.s32 $0xF, v3;
	v16 =	vor.u32 $0x9, v10;
	v3 =	vld.idx.msk [tilespmem:v15+s16+$0x0], $0xffff  }
0x95: {  	v14 =	vand.u32 $0x7F, v14;
	v25 =	vshll.u32 v22, $0x3;
	v15 =	vmov s10  }
0x96: {  	v22 =	vand.u32 $0x7F, v22;
	v20 =	vadd.s32 v8, v9;
	v25 =	vand.u32 $0xFFFFFC00, v25  }
0x97: {  	v9 =	vor.u32 $0x8, v10;
	v15 =	vshll.u32 v15, $0x7;
	v8 =	vadd.s32 v8, v25  }
0x98: {  	v15 =	vor.u32 v0, v15;
	v14 =	vor.u32 v14, v20;
	v8 =	vor.u32 v22, v8  }
0x99: {  	v22 =	vor.u32 $0xC, v10;
	v8 =	vor.u32 v11, v8;
	v37 =	vshll.u32 v28, $0x3;
	[tilespmem:v1+s31+$0x0] =	vst.idx.msk $0xffff, v3  }
0x9a: {  	v38 =	vadd.s32 $0x5, v28;
	v1 =	vand.u32 $0xFFFFF000, v18;
	v47 =	vadd.s32 $0x2, v28;
	v17 =	vld.idx.msk [tilespmem:v17+s16+$0x0], $0xffff  }
0x9b: {  	v18 =	vand.u32 $0x7F, v28;
	v40 =	vadd.s32 $0x1, v28;
	v3 =	vand.u32 $0xFFFFFC00, v37  }
0x9c: {  	v50 =	vadd.s32 $0x8, v28;
	v56 =	vadd.s32 $0xB, v28;
	v3 =	vadd.s32 v1, v3  }
0x9d: {  	v39 =	vor.u32 v18, v3;
	v3 =	vadd.s32 v15, v35;
	v15 =	vshll.u32 v40, $0x3  }
0x9e: {  	v44 =	vadd.s32 $0xC, v28;
	v41 =	vshll.u32 v47, $0x3;
	v15 =	vand.u32 $0xFFFFFC00, v15  }
0x9f: {  	v53 =	vand.u32 $0x7F, v40;
	v18 =	vor.u32 v11, v19;
	v15 =	vadd.s32 v1, v15;
	[tilespmem:v4+s31+$0x0] =	vst.idx.msk $0xffff, v17  }
0xa0: {  	v19 =	vand.u32 $0xFFFFFC00, v41;
	v35 =	vor.u32 v53, v15;
	v4 =	vadd.s32 $0x3, v28;
	v15 =	vld.idx.msk [tilespmem:v23+s16+$0x0], $0xffff  }
0xa1: {  	v54 =	vadd.s32 v1, v19;
	v19 =	vand.u32 $0x7F, v4;
	v4 =	vshll.u32 v4, $0x3  }
0xa2: {  	v60 =	vadd.s32 $0xD, v28;
	v23 =	vadd.s32 $0x4, v28;
	v4 =	vand.u32 $0xFFFFFC00, v4  }
0xa3: {  	v42 =	vshll.u32 v38, $0x3;
	v48 =	vshll.u32 v23, $0x3;
	v4 =	vadd.s32 v1, v4  }
0xa4: {  	v57 =	vshll.u32 v56, $0x3;
	v43 =	vor.u32 v19, v4;
	v4 =	vand.u32 $0xFFFFFC00, v48  }
0xa5: {  	v3 =	vor.u32 v36, v3;
	v23 =	vand.u32 $0x7F, v23;
	v4 =	vadd.s32 v1, v4;
	[tilespmem:v21+s31+$0x0] =	vst.idx.msk $0xffff, v15  }
0xa6: {  	v41 =	vor.u32 $0xB, v10;
	v55 =	vor.u32 $0x1, v3;
	v49 =	vor.u32 v23, v4;
	v23 =	vld.idx.msk [tilespmem:v27+s16+$0x0], $0xffff  }
0xa7: {  	v62 =	vor.u32 $0x4, v3;
	v25 =	vor.u32 $0x6, v3;
	v19 =	vand.u32 $0xFFFFFC00, v42  }
0xa8: {  	v19 =	vadd.s32 v1, v19;
	v4 =	vand.u32 $0x7F, v38;
	v21 =	vadd.s32 $0x6, v28  }
0xa9: {  	v15 =	vor.u32 v11, v26;
	v27 =	vor.u32 v4, v19;
	v4 =	vshll.u32 v21, $0x3  }
0xaa: {  	v26 =	vadd.s32 $0x7, v28;
	v19 =	vor.u32 v11, v24;
	v4 =	vand.u32 $0xFFFFFC00, v4  }
0xab: {  	v21 =	vand.u32 $0x7F, v21;
	v24 =	vshll.u32 v26, $0x3;
	v4 =	vadd.s32 v1, v4;
	[tilespmem:v32+s31+$0x0] =	vst.idx.msk $0xffff, v23  }
0xac: {  	v17 =	vor.u32 v11, v2;
	v21 =	vor.u32 v21, v4;
	v4 =	vand.u32 $0xFFFFFC00, v24;
	v32 =	vld.idx.msk [tilespmem:v33+s16+$0x0], $0xffff  }
0xad: {  	v2 =	vor.u32 $0xF, v3;
	v26 =	vand.u32 $0x7F, v26;
	v4 =	vadd.s32 v1, v4  }
0xae: {  	v53 =	vor.u32 $0x3, v3;
	v26 =	vor.u32 v26, v4;
	v4 =	vand.u32 $0x380, v31  }
0xaf: {  	v46 =	vld.idx.msk [tilespmem:v3+s16+$0x0], $0xffff;
	v38 =	vand.u32 $0x7F, v50;
	v24 =	vor.u32 v11, v30;
	v51 =	vor.u32 v4, v39  }
0xb0: {  	v30 =	vor.u32 $0x2, v3;
	v23 =	vshll.u32 v50, $0x3;
	v31 =	vadd.s32 $0x9, v28  }
0xb1: {  	v50 =	vor.u32 $0x5, v3;
	v23 =	vand.u32 $0xFFFFFC00, v23;
	v35 =	vor.u32 v4, v35;
	[tilespmem:v7+s31+$0x0] =	vst.idx.msk $0xffff, v32  }
0xb2: {  	v52 =	vshll.u32 v31, $0x3;
	v37 =	vor.u32 v4, v43;
	v23 =	vadd.s32 v1, v23;
	v29 =	vld.idx.msk [tilespmem:v29+s16+$0x0], $0xffff  }
0xb3: {  	v38 =	vor.u32 v38, v23;
	v23 =	vand.u32 $0x7F, v47;
	v7 =	vadd.s32 $0xA, v28  }
0xb4: {  	v36 =	vor.u32 v23, v54;
	v23 =	vor.u32 v4, v27;
	[tilespmem:v51+s31+$0x0] =	vst.idx.msk $0xffff, v46;
	v27 =	vshll.u32 v7, $0x3  }
0xb5: {  	v31 =	vand.u32 $0x7F, v31;
	v21 =	vor.u32 v4, v21;
	v54 =	vld.idx.msk [tilespmem:v55+s16+$0x0], $0xffff;
	v27 =	vand.u32 $0xFFFFFC00, v27  }
0xb6: {  	v7 =	vand.u32 $0x7F, v7;
	v45 =	vadd.s32 v1, v27;
	v27 =	vor.u32 v4, v38  }
0xb7: {  	v38 =	vor.u32 v7, v45;
	v7 =	vand.u32 $0xFFFFFC00, v52;
	[tilespmem:v5+s31+$0x0] =	vst.idx.msk $0xffff, v29;
	v5 =	vshll.u32 v44, $0x3  }
0xb8: {  	v36 =	vor.u32 v4, v36;
	v61 =	vadd.s32 v1, v7;
	v34 =	vld.idx.msk [tilespmem:v34+s16+$0x0], $0xffff;
	v5 =	vand.u32 $0xFFFFFC00, v5  }
0xb9: {  	s11 =	simm.s32 $0x3A0;
	v7 =	vshll.u32 v60, $0x3;
	v44 =	vand.u32 $0x7F, v44;
	v5 =	vadd.s32 v1, v5  }
0xba: {  	v48 =	vld [tilespmem:s11+$0x0];
	v63 =	vor.u32 v31, v61;
	[tilespmem:v35+s31+$0x0] =	vst.idx.msk $0xffff, v54;
	v44 =	vor.u32 v44, v5;
	v5 =	vand.u32 $0xFFFFFC00, v7  }
0xbb: {  	v31 =	vand.u32 $0x7F, v60;
	v20 =	vld.idx.msk [tilespmem:v30+s16+$0x0], $0xffff;
	v7 =	vadd.s32 $0xE, v28;
	v5 =	vadd.s32 v1, v5  }
0xbc: {  	s11 =	simm.s32 $0xE20;
	v26 =	vor.u32 v4, v26;
	v39 =	vor.u32 v31, v5;
	v31 =	vshll.u32 v7, $0x3  }
0xbd: {  	v43 =	vand.u32 $0xFFFFFC00, v57;
	v40 =	vor.u32 v4, v49;
	[tilespmem:v6+s31+$0x0] =	vst.idx.msk $0xffff, v34;
	v6 =	vand.u32 $0xFFFFFC00, v31;
	v31 =	vld [tilespmem:s11+$0x0]  }
0xbe: {  	v59 =	vadd.s32 v1, v43;
	v47 =	vor.u32 $0xD, v10;
	v32 =	vand.u32 $0x7F, v56;
	v55 =	vld.idx.msk [tilespmem:v9+s16+$0x0], $0xffff  }
0xbf: {  	s13 =	simm.s32 $0xAA0;
	v29 =	vor.u32 v32, v59;
	v32 =	vor.u32 v11, v14;
	v11 =	vshll.u32 v48, $0x4  }
0xc0: {  	s14 =	simm.s32 $0x20;
	v49 =	vld [tilespmem:s13+$0x0];
	v35 =	vor.u32 $0x7, v3;
	v30 =	vor.u32 $0x9, v3;
	v14 =	vand.u32 $0x70, v11;
	[tilespmem:v36+s31+$0x0] =	vst.idx.msk $0xffff, v20  }
0xc1: {  	v5 =	vadd.s32 $0xF, v28;
	v34 =	vor.u32 $0xE, v10;
	v10 =	vmov s14;
	v36 =	vld.idx.msk [tilespmem:v53+s16+$0x0], $0xffff  }
0xc2: {  	v28 =	vor.u32 $0x8, v3;
	v9 =	vadd.s32 v1, v6;
	v10 =	vshll.u32 v10, $0x7  }
0xc3: {  	v6 =	vshll.u32 v5, $0x3;
	v10 =	vor.u32 v0, v10;
	v56 =	vadd.s32 $0x5, v31;
	[tilespmem:v13+s31+$0x0] =	vst.idx.msk $0xffff, v55  }
0xc4: {  	v20 =	vadd.s32 $0x2, v31;
	v57 =	vand.u32 $0x7F, v31;
	v51 =	vadd.s32 $0x1, v31;
	v46 =	vld.idx.msk [tilespmem:v16+s16+$0x0], $0xffff  }
0xc5: {  	v59 =	vadd.s32 $0x3, v31;
	v61 =	vadd.s32 $0x4, v31;
	v13 =	vand.u32 $0xFFFFFF80, v11  }
0xc6: {  	v11 =	vshll.u32 v49, $0x9;
	v49 =	vshll.u32 v49, $0x7;
	v52 =	vshll.u32 v20, $0x3;
	[tilespmem:v37+s31+$0x0] =	vst.idx.msk $0xffff, v36  }
0xc7: {  	v53 =	vshll.u32 v51, $0x3;
	v55 =	vadd.s32 $0x7, v31;
	v16 =	vshll.u32 v31, $0x3;
	v43 =	vld.idx.msk [tilespmem:v62+s16+$0x0], $0xffff  }
0xc8: {  	v11 =	vand.u32 $0xFFFFF000, v11;
	v10 =	vadd.s32 v10, v13;
	v62 =	vshll.u32 v61, $0x3  }
0xc9: {  	v16 =	vand.u32 $0xFFFFFC00, v16;
	v13 =	vor.u32 v14, v10;
	v10 =	vand.u32 $0xFFFFFC00, v53;
	[tilespmem:v18+s31+$0x0] =	vst.idx.msk $0xffff, v46  }
0xca: {  	v14 =	vand.u32 $0xFFFFFC00, v52;
	v53 =	vadd.s32 $0x6, v31;
	v16 =	vadd.s32 v11, v16;
	v18 =	vld.idx.msk [tilespmem:v58+s16+$0x0], $0xffff  }
0xcb: {  	v10 =	vadd.s32 v11, v10;
	v36 =	vadd.s32 v11, v14;
	v37 =	vor.u32 $0x1, v13  }
0xcc: {  	v14 =	vshll.u32 v59, $0x3;
	v48 =	vor.u32 $0x2, v13;
	v42 =	vor.u32 v57, v16;
	[tilespmem:v40+s31+$0x0] =	vst.idx.msk $0xffff, v43  }
0xcd: {  	v16 =	vor.u32 v4, v63;
	v60 =	vand.u32 $0xFFFFFC00, v14;
	v14 =	vor.u32 v4, v38;
	v40 =	vld.idx.msk [tilespmem:v50+s16+$0x0], $0xffff  }
0xce: {  	v63 =	vshll.u32 v56, $0x3;
	v38 =	vand.u32 $0x7F, v61;
	v58 =	vand.u32 $0x7F, v51  }
0xcf: {  	v45 =	vadd.s32 v11, v60;
	v33 =	vor.u32 v58, v10;
	v10 =	vand.u32 $0x7F, v59;
	[tilespmem:v17+s31+$0x0] =	vst.idx.msk $0xffff, v18  }
0xd0: {  	v57 =	vadd.s32 $0x8, v31;
	v59 =	vadd.s32 $0x9, v31;
	v45 =	vor.u32 v10, v45;
	v41 =	vld.idx.msk [tilespmem:v41+s16+$0x0], $0xffff  }
0xd1: {  	v10 =	vor.u32 $0xF, v13;
	v61 =	vshll.u32 v59, $0x3;
	v17 =	vand.u32 $0xFFFFFC00, v62  }
0xd2: {  	v18 =	vand.u32 $0xFFFFFC00, v63;
	[tilespmem:v23+s31+$0x0] =	vst.idx.msk $0xffff, v40;
	v23 =	vshll.u32 v57, $0x3;
	v63 =	vand.u32 $0x7F, v59  }
0xd3: {  	v59 =	vadd.s32 $0xD, v31;
	v17 =	vadd.s32 v11, v17;
	v18 =	vadd.s32 v11, v18  }
0xd4: {  	v40 =	vld.idx.msk [tilespmem:v25+s16+$0x0], $0xffff;
	v23 =	vand.u32 $0xFFFFFC00, v23;
	v25 =	vand.u32 $0x7F, v57;
	v57 =	vand.u32 $0xFFFFFC00, v61  }
0xd5: {  	v61 =	vshll.u32 v59, $0x3;
	v43 =	vor.u32 v38, v17;
	v17 =	vand.u32 $0x7F, v56;
	[tilespmem:v15+s31+$0x0] =	vst.idx.msk $0xffff, v41  }
0xd6: {  	v38 =	vand.u32 $0x7F, v53;
	v56 =	vshll.u32 v55, $0x3;
	v23 =	vadd.s32 v11, v23;
	v41 =	vld.idx.msk [tilespmem:v22+s16+$0x0], $0xffff  }
0xd7: {  	v54 =	vor.u32 v17, v18;
	v17 =	vshll.u32 v53, $0x3;
	v18 =	vor.u32 v4, v29  }
0xd8: {  	v62 =	vld.idx.msk [tilespmem:v13+s16+$0x0], $0xffff;
	v60 =	vor.u32 v25, v23;
	v29 =	vand.u32 $0xFFFFFC00, v17;
	v15 =	vand.u32 $0xFFFFFC00, v56  }
0xd9: {  	v17 =	vor.u32 v4, v44;
	[tilespmem:v21+s31+$0x0] =	vst.idx.msk $0xffff, v40;
	v22 =	vand.u32 $0x7F, v55;
	v44 =	vadd.s32 v11, v15  }
0xda: {  	v29 =	vadd.s32 v11, v29;
	v52 =	vld.idx.msk [tilespmem:v35+s16+$0x0], $0xffff;
	v58 =	vor.u32 v22, v44;
	v22 =	vand.u32 $0x380, v49  }
0xdb: {  	v53 =	vadd.s32 $0xB, v31;
	v29 =	vor.u32 v38, v29;
	v42 =	vor.u32 v22, v42;
	[tilespmem:v19+s31+$0x0] =	vst.idx.msk $0xffff, v41  }
0xdc: {  	v21 =	vadd.s32 $0xA, v31;
	v40 =	vor.u32 $0x4, v13;
	v15 =	vor.u32 v4, v39;
	v51 =	vld.idx.msk [tilespmem:v47+s16+$0x0], $0xffff  }
0xdd: {  	v35 =	vor.u32 $0x3, v13;
	v55 =	vadd.s32 $0xC, v31;
	v56 =	vand.u32 $0x7F, v21  }
0xde: {  	v39 =	vadd.s32 $0xE, v31;
	v38 =	vor.u32 v22, v33;
	v25 =	vor.u32 v22, v45  }
0xdf: {  	v23 =	vor.u32 v22, v54;
	v54 =	vshll.u32 v53, $0x3;
	v19 =	vand.u32 $0x7F, v20;
	[tilespmem:v26+s31+$0x0] =	vst.idx.msk $0xffff, v52  }
0xe0: {  	v20 =	vor.u32 v22, v29;
	v29 =	vshll.u32 v21, $0x3;
	v21 =	vor.u32 v22, v60;
	[tilespmem:v42+s31+$0x0] =	vst.idx.msk $0xffff, v62  }
0xe1: {  	v45 =	vand.u32 $0xFFFFFC00, v54;
	v26 =	vshll.u32 v55, $0x3;
	v41 =	vor.u32 v22, v43;
	v37 =	vld.idx.msk [tilespmem:v37+s16+$0x0], $0xffff;
	[tilespmem:v24+s31+$0x0] =	vst.idx.msk $0xffff, v51  }
0xe2: {  	v19 =	vor.u32 v19, v36;
	v29 =	vand.u32 $0xFFFFFC00, v29;
	v26 =	vand.u32 $0xFFFFFC00, v26;
	v34 =	vld.idx.msk [tilespmem:v34+s16+$0x0], $0xffff  }
0xe3: {  	v60 =	vld.idx.msk [tilespmem:v28+s16+$0x0], $0xffff;
	v28 =	vand.u32 $0x7F, v55;
	v36 =	vor.u32 v22, v19;
	v19 =	vor.u32 v22, v58  }
0xe4: {  	v29 =	vadd.s32 v11, v29;
	v58 =	vadd.s32 v11, v45;
	v26 =	vadd.s32 v11, v26  }
0xe5: {  	v42 =	vadd.s32 v11, v57;
	v28 =	vor.u32 v28, v26;
	v26 =	vand.u32 $0xFFFFFC00, v61  }
0xe6: {  	v62 =	vand.u32 $0x7F, v59;
	v29 =	vor.u32 v56, v29;
	v26 =	vadd.s32 v11, v26;
	[tilespmem:v38+s31+$0x0] =	vst.idx.msk $0xffff, v37  }
0xe7: {  	v33 =	vor.u32 $0xA, v3;
	v26 =	vor.u32 v62, v26;
	v24 =	vand.u32 $0x7F, v53;
	v44 =	vld.idx.msk [tilespmem:v48+s16+$0x0], $0xffff;
	[tilespmem:v32+s31+$0x0] =	vst.idx.msk $0xffff, v34  }
0xe8: {  	v24 =	vor.u32 v24, v58;
	v38 =	vor.u32 v63, v42;
	v63 =	vshll.u32 v39, $0x3;
	v32 =	vld.idx.msk [tilespmem:v12+s16+$0x0], $0xffff  }
0xe9: {  	[tilespmem:v27+s31+$0x0] =	vst.idx.msk $0xffff, v60;
	v37 =	vor.u32 $0xB, v3;
	v34 =	vadd.s32 $0xF, v31;
	v12 =	vand.u32 $0xFFFFFC00, v63  }
0xea: {  	s7 =	simm.s32 $0x3B0;
	s10 =	simm.s32 $0xAB0;
	s13 =	simm.s32 $0x30;
	v43 =	vld.idx.msk [tilespmem:v30+s16+$0x0], $0xffff;
	v31 =	vor.u32 $0xD, v3;
	v27 =	vshll.u32 v34, $0x3;
	v42 =	vadd.s32 v11, v12  }
.LBB2_5:
0xeb: {  	v45 =	vld [tilespmem:s7+$0x0];
	p0 =	sne.s32 s13, $0x330;
	v30 =	vor.u32 $0x8, v13;
	v12 =	vand.u32 $0x7F, v5;
	v46 =	vand.u32 $0xFFFFFC00, v6;
	v5 =	vmovc v34;
	v6 =	vmovc v27;
	s0 =	smov.u32 s13;
	s13 =	sadd.s32 $0x10, s13  }
0xec: {  	s11 =	sadd.s32 $0x10, s11;
	v49 =	vand.u32 $0x7F, v7;
	v47 =	vld [tilespmem:s10+$0x0];
	[tilespmem:v36+s31+$0x0] =	vst.idx.msk $0xffff, v44;
	v36 =	vor.u32 $0x5, v13;
	v44 =	vadd.s32 v1, v46;
	v1 =	vmovc v11  }
0xed: {  	v34 =	vor.u32 $0xE, v3;
	v11 =	vor.u32 v49, v9;
	v27 =	vld [tilespmem:s11+$0x0];
	v48 =	vor.u32 v12, v44;
	[tilespmem:v8+s31+$0x0] =	vst.idx.msk $0xffff, v32  }
0xee: {  	v7 =	vmovc v39;
	v46 =	vor.u32 $0xC, v3;
	v3 =	vmovc v13;
	v12 =	vor.u32 $0x9, v13;
	v32 =	vor.u32 v4, v11;
	v44 =	vld.idx.msk [tilespmem:v35+s16+$0x0], $0xffff  }
0xef: {  	v9 =	vmovc v42;
	v11 =	vmov s0;
	v35 =	vor.u32 $0x7, v3;
	v8 =	vor.u32 v4, v48;
	v4 =	vmovc v22  }
0xf0: {  	v11 =	vshll.u32 v11, $0x7;
	v22 =	vor.u32 $0x6, v3;
	v13 =	vshll.u32 v45, $0x4;
	[tilespmem:v16+s31+$0x0] =	vst.idx.msk $0xffff, v43  }
0xf1: {  	v16 =	vand.u32 $0xFFFFFF80, v13;
	v13 =	vand.u32 $0x70, v13;
	v39 =	vshll.u32 v47, $0x9;
	v33 =	vld.idx.msk [tilespmem:v33+s16+$0x0], $0xffff  }
0xf2: {  	v42 =	vor.u32 v0, v11;
	v43 =	vshll.u32 v27, $0x3;
	v45 =	vadd.s32 $0x5, v27  }
0xf3: {  	v11 =	vand.u32 $0xFFFFF000, v39;
	v39 =	vand.u32 $0xFFFFFC00, v43;
	v43 =	vadd.s32 $0x2, v27  }
0xf4: {  	v47 =	vshll.u32 v47, $0x7;
	v48 =	vand.u32 $0x7F, v27;
	v39 =	vadd.s32 v11, v39;
	[tilespmem:v25+s31+$0x0] =	vst.idx.msk $0xffff, v44  }
0xf5: {  	v44 =	vshll.u32 v43, $0x3;
	v25 =	vor.u32 v48, v39;
	v39 =	vadd.s32 $0x1, v27;
	v40 =	vld.idx.msk [tilespmem:v40+s16+$0x0], $0xffff  }
0xf6: {  	v42 =	vadd.s32 v42, v16;
	v16 =	vor.u32 v4, v38;
	v48 =	vshll.u32 v39, $0x3  }
0xf7: {  	v13 =	vor.u32 v13, v42;
	v42 =	vand.u32 $0xFFFFFC00, v44;
	v38 =	vand.u32 $0xFFFFFC00, v48;
	[tilespmem:v14+s31+$0x0] =	vst.idx.msk $0xffff, v33  }
0xf8: {  	v14 =	vand.u32 $0x7F, v39;
	v33 =	vadd.s32 v11, v38;
	v38 =	vadd.s32 v11, v42;
	v39 =	vld.idx.msk [tilespmem:v37+s16+$0x0], $0xffff  }
0xf9: {  	v42 =	vor.u32 $0x1, v13;
	v33 =	vor.u32 v14, v33;
	v14 =	vadd.s32 $0x3, v27  }
0xfa: {  	v44 =	vand.u32 $0x7F, v14;
	v37 =	vshll.u32 v14, $0x3;
	v14 =	vor.u32 v4, v29  }
0xfb: {  	v48 =	vadd.s32 $0x4, v27;
	v29 =	vand.u32 $0xFFFFFC00, v37;
	v37 =	vor.u32 $0xF, v13;
	[tilespmem:v41+s31+$0x0] =	vst.idx.msk $0xffff, v40  }
0xfc: {  	v40 =	vshll.u32 v48, $0x3;
	v41 =	vshll.u32 v45, $0x3;
	v29 =	vadd.s32 v11, v29;
	v36 =	vld.idx.msk [tilespmem:v36+s16+$0x0], $0xffff  }
0xfd: {  	v40 =	vand.u32 $0xFFFFFC00, v40;
	v41 =	vand.u32 $0xFFFFFC00, v41;
	v29 =	vor.u32 v44, v29  }
0xfe: {  	v44 =	vand.u32 $0x7F, v48;
	v40 =	vadd.s32 v11, v40;
	v41 =	vadd.s32 v11, v41;
	[tilespmem:v18+s31+$0x0] =	vst.idx.msk $0xffff, v39  }
0xff: {  	v48 =	vor.u32 v44, v40;
	v18 =	vand.u32 $0x7F, v45;
	v39 =	vadd.s32 $0x6, v27;
	v40 =	vld.idx.msk [tilespmem:v46+s16+$0x0], $0xffff  }
0x100: {  	v41 =	vor.u32 v18, v41;
	v44 =	vshll.u32 v39, $0x3;
	v18 =	vor.u32 v4, v24  }
0x101: {  	v28 =	vor.u32 v4, v28;
	v24 =	vand.u32 $0xFFFFFC00, v44;
	v44 =	vadd.s32 $0x7, v27  }
0x102: {  	v39 =	vand.u32 $0x7F, v39;
	v24 =	vadd.s32 v11, v24;
	v45 =	vshll.u32 v44, $0x3;
	[tilespmem:v23+s31+$0x0] =	vst.idx.msk $0xffff, v36  }
0x103: {  	v24 =	vor.u32 v39, v24;
	v23 =	vand.u32 $0xFFFFFC00, v45;
	v36 =	vadd.s32 $0x8, v27;
	v39 =	vld.idx.msk [tilespmem:v22+s16+$0x0], $0xffff  }
0x104: {  	v26 =	vor.u32 v4, v26;
	v22 =	vand.u32 $0x7F, v44;
	v23 =	vadd.s32 v11, v23  }
0x105: {  	v45 =	vor.u32 $0x2, v13;
	v46 =	vor.u32 v22, v23;
	v23 =	vshll.u32 v36, $0x3;
	v44 =	vld.idx.msk [tilespmem:v13+s16+$0x0], $0xffff;
	[tilespmem:v17+s31+$0x0] =	vst.idx.msk $0xffff, v40  }
0x106: {  	v22 =	vand.u32 $0x380, v47;
	v23 =	vand.u32 $0xFFFFFC00, v23;
	v40 =	vadd.s32 $0x9, v27;
	v17 =	vmovc v28;
	v31 =	vld.idx.msk [tilespmem:v31+s16+$0x0], $0xffff  }
0x107: {  	v28 =	vor.u32 v22, v25;
	v25 =	vand.u32 $0x7F, v36;
	v23 =	vadd.s32 v11, v23  }
0x108: {  	v47 =	vor.u32 v22, v33;
	v49 =	vshll.u32 v40, $0x3;
	v33 =	vor.u32 v25, v23  }
0x109: {  	v23 =	vand.u32 $0x7F, v43;
	v25 =	vor.u32 v22, v29;
	v43 =	vand.u32 $0x7F, v40;
	[tilespmem:v20+s31+$0x0] =	vst.idx.msk $0xffff, v39  }
0x10a: {  	v29 =	vor.u32 v23, v38;
	v23 =	vor.u32 v22, v41;
	v20 =	vor.u32 v22, v24;
	v24 =	vld.idx.msk [tilespmem:v35+s16+$0x0], $0xffff  }
0x10b: {  	v38 =	vor.u32 v22, v46;
	v36 =	vor.u32 v22, v29;
	v29 =	vadd.s32 $0xA, v27  }
0x10c: {  	v39 =	vadd.s32 $0xB, v27;
	v35 =	vor.u32 $0x3, v13;
	[tilespmem:v28+s31+$0x0] =	vst.idx.msk $0xffff, v44;
	v28 =	vshll.u32 v29, $0x3  }
0x10d: {  	v41 =	vshll.u32 v39, $0x3;
	v40 =	vld.idx.msk [tilespmem:v42+s16+$0x0], $0xffff;
	v28 =	vand.u32 $0xFFFFFC00, v28;
	v42 =	vadd.s32 $0xC, v27;
	[tilespmem:v15+s31+$0x0] =	vst.idx.msk $0xffff, v31;
	v15 =	vmovc v26  }
0x10e: {  	v26 =	vand.u32 $0x7F, v29;
	v31 =	vand.u32 $0xFFFFFC00, v41;
	v28 =	vadd.s32 v11, v28;
	v34 =	vld.idx.msk [tilespmem:v34+s16+$0x0], $0xffff  }
0x10f: {  	v46 =	vor.u32 v22, v33;
	v33 =	vor.u32 $0xA, v3;
	v29 =	vor.u32 v26, v28  }
0x110: {  	v31 =	vadd.s32 v11, v31;
	v26 =	vand.u32 $0xFFFFFC00, v49;
	v28 =	vand.u32 $0x7F, v39;
	[tilespmem:v19+s31+$0x0] =	vst.idx.msk $0xffff, v24;
	v19 =	vmovc v38  }
0x111: {  	v24 =	vor.u32 v28, v31;
	v28 =	vshll.u32 v42, $0x3;
	v31 =	vadd.s32 $0xD, v27;
	v30 =	vld.idx.msk [tilespmem:v30+s16+$0x0], $0xffff  }
0x112: {  	v26 =	vadd.s32 v11, v26;
	v28 =	vand.u32 $0xFFFFFC00, v28;
	v38 =	vshll.u32 v31, $0x3  }
0x113: {  	v39 =	vand.u32 $0x7F, v42;
	v28 =	vadd.s32 v11, v28;
	[tilespmem:v47+s31+$0x0] =	vst.idx.msk $0xffff, v40;
	v40 =	vor.u32 $0x4, v13  }
.Ltmp1:
0x114: {  	v41 =	vand.u32 $0xFFFFFC00, v38;
	v28 =	vor.u32 v39, v28;
	v39 =	vadd.s32 $0xE, v27;
	v44 =	vld.idx.msk [tilespmem:v45+s16+$0x0], $0xffff;
	[tilespmem:v32+s31+$0x0] =	vst.idx.msk $0xffff, v34;
	(pc) =	sbr.rel @p0 .LBB2_5-.Ltmp1, $4  }
0x115: {  	v38 =	vor.u32 v43, v26;
	v26 =	vand.u32 $0x7F, v31;
	v31 =	vadd.s32 v11, v41;
	v32 =	vld.idx.msk [tilespmem:v2+s16+$0x0], $0xffff;
	v2 =	vmovc v10  }
0x116: {  	v26 =	vor.u32 v26, v31;
	v31 =	vshll.u32 v39, $0x3;
	v34 =	vadd.s32 $0xF, v27;
	v10 =	vmovc v37  }
0x117: {  	v41 =	vor.u32 v22, v48;
	v27 =	vand.u32 $0xFFFFFC00, v31;
	v37 =	vor.u32 $0xB, v3;
	[tilespmem:v21+s31+$0x0] =	vst.idx.msk $0xffff, v30;
	v21 =	vmovc v46  }
0x118: {  	s7 =	sadd.s32 $0x10, s7;
	s10 =	sadd.s32 $0x10, s10;
	v31 =	vor.u32 $0xD, v3;
	v42 =	vadd.s32 v11, v27;
	v27 =	vshll.u32 v34, $0x3;
	v43 =	vld.idx.msk [tilespmem:v12+s16+$0x0], $0xffff  }
0x119: {  	_ =	sdelay $0x3  }
0x11a: {  	[tilespmem:v36+s31+$0x0] =	vst.idx.msk $0xffff, v44  }
0x11b: {  	v12 =	vld.idx.msk [tilespmem:v35+s16+$0x0], $0xffff;
	_ =	sdelay $0x4  }
0x11c: {  	[tilespmem:v25+s31+$0x0] =	vst.idx.msk $0xffff, v12  }
0x11d: {  	v12 =	vld.idx.msk [tilespmem:v40+s16+$0x0], $0xffff  }
0x11e: {  	v40 =	vor.u32 $0x5, v13;
	_ =	sdelay $0x3  }
0x11f: {  	[tilespmem:v41+s31+$0x0] =	vst.idx.msk $0xffff, v12  }
0x120: {  	v12 =	vld.idx.msk [tilespmem:v40+s16+$0x0], $0xffff  }
0x121: {  	v44 =	vor.u32 $0x6, v13;
	_ =	sdelay $0x3  }
0x122: {  	[tilespmem:v23+s31+$0x0] =	vst.idx.msk $0xffff, v12  }
0x123: {  	v12 =	vld.idx.msk [tilespmem:v44+s16+$0x0], $0xffff  }
0x124: {  	v45 =	vor.u32 $0x7, v13;
	_ =	sdelay $0x3  }
0x125: {  	[tilespmem:v20+s31+$0x0] =	vst.idx.msk $0xffff, v12  }
0x126: {  	v12 =	vld.idx.msk [tilespmem:v45+s16+$0x0], $0xffff  }
0x127: {  	v46 =	vor.u32 $0x8, v13;
	_ =	sdelay $0x3  }
0x128: {  	[tilespmem:v19+s31+$0x0] =	vst.idx.msk $0xffff, v12  }
0x129: {  	v12 =	vld.idx.msk [tilespmem:v46+s16+$0x0], $0xffff  }
0x12a: {  	v47 =	vor.u32 $0x9, v13;
	_ =	sdelay $0x3  }
0x12b: {  	[tilespmem:v21+s31+$0x0] =	vst.idx.msk $0xffff, v12  }
0x12c: {  	v48 =	vor.u32 v22, v38;
	v19 =	vld.idx.msk [tilespmem:v47+s16+$0x0], $0xffff  }
0x12d: {  	v49 =	vor.u32 $0xA, v13;
	_ =	sdelay $0x2  }
0x12e: {  	[tilespmem:v16+s31+$0x0] =	vst.idx.msk $0xffff, v43  }
0x12f: {  	v16 =	vld.idx.msk [tilespmem:v33+s16+$0x0], $0xffff;
	[tilespmem:v48+s31+$0x0] =	vst.idx.msk $0xffff, v19  }
0x130: {  	v50 =	vor.u32 v22, v29;
	v19 =	vld.idx.msk [tilespmem:v49+s16+$0x0], $0xffff  }
0x131: {  	v51 =	vor.u32 $0xB, v13;
	_ =	sdelay $0x2  }
0x132: {  	[tilespmem:v14+s31+$0x0] =	vst.idx.msk $0xffff, v16  }
0x133: {  	v14 =	vld.idx.msk [tilespmem:v37+s16+$0x0], $0xffff;
	[tilespmem:v50+s31+$0x0] =	vst.idx.msk $0xffff, v19  }
0x134: {  	v52 =	vor.u32 $0xC, v3;
	v53 =	vor.u32 v22, v24;
	v19 =	vld.idx.msk [tilespmem:v51+s16+$0x0], $0xffff  }
0x135: {  	v54 =	vor.u32 $0xC, v13;
	_ =	sdelay $0x2  }
0x136: {  	[tilespmem:v18+s31+$0x0] =	vst.idx.msk $0xffff, v14  }
0x137: {  	v12 =	vld.idx.msk [tilespmem:v52+s16+$0x0], $0xffff;
	[tilespmem:v53+s31+$0x0] =	vst.idx.msk $0xffff, v19  }
0x138: {  	v55 =	vor.u32 v22, v28;
	v16 =	vld.idx.msk [tilespmem:v54+s16+$0x0], $0xffff  }
0x139: {  	v56 =	vor.u32 $0xD, v13;
	_ =	sdelay $0x2  }
0x13a: {  	[tilespmem:v17+s31+$0x0] =	vst.idx.msk $0xffff, v12  }
0x13b: {  	v12 =	vld.idx.msk [tilespmem:v31+s16+$0x0], $0xffff;
	[tilespmem:v55+s31+$0x0] =	vst.idx.msk $0xffff, v16  }
0x13c: {  	v3 =	vor.u32 $0xE, v3;
	v57 =	vor.u32 v22, v26;
	v16 =	vld.idx.msk [tilespmem:v56+s16+$0x0], $0xffff  }
0x13d: {  	v58 =	vor.u32 $0xE, v13;
	_ =	sdelay $0x1  }
0x13e: {  	v7 =	vand.u32 $0x7F, v7  }
0x13f: {  	v59 =	vand.u32 $0x7F, v39;
	v7 =	vor.u32 v7, v9;
	[tilespmem:v15+s31+$0x0] =	vst.idx.msk $0xffff, v12  }
0x140: {  	v9 =	vor.u32 v59, v42;
	v7 =	vor.u32 v4, v7;
	v3 =	vld.idx.msk [tilespmem:v3+s16+$0x0], $0xffff;
	[tilespmem:v57+s31+$0x0] =	vst.idx.msk $0xffff, v16  }
0x141: {  	v9 =	vor.u32 v22, v9;
	v60 =	vld.idx.msk [tilespmem:v58+s16+$0x0], $0xffff;
	_ =	sdelay $0x1  }
0x142: {  	v6 =	vand.u32 $0xFFFFFC00, v6  }
0x143: {  	v5 =	vand.u32 $0x7F, v5;
	v61 =	vand.u32 $0xFFFFFC00, v27;
	v1 =	vadd.s32 v1, v6  }
0x144: {  	v62 =	vadd.s32 v11, v61;
	v1 =	vor.u32 v5, v1;
	[tilespmem:v7+s31+$0x0] =	vst.idx.msk $0xffff, v3;
	v3 =	vand.u32 $0x7F, v34  }
0x145: {  	v1 =	vor.u32 v4, v1;
	v2 =	vld.idx.msk [tilespmem:v2+s16+$0x0], $0xffff;
	v3 =	vor.u32 v3, v62;
	[tilespmem:v9+s31+$0x0] =	vst.idx.msk $0xffff, v60  }
0x146: {  	v3 =	vor.u32 v22, v3;
	v63 =	vld.idx.msk [tilespmem:v10+s16+$0x0], $0xffff  }
0x147: {  	s0 =	smulhi.u32 $0x4EC4EC4F, s1;
	_ =	sdelay $0x1  }
0x148: {  	s3 =	sadd.s32 $0x1, s3;
	[tilespmem:v8+s31+$0x0] =	vst.idx.msk $0xffff, v32;
	s0 =	sshll.u32 s0, $0x3  }
0x149: {  	p0 =	sne.s32 s3, $0x10;
	s0 =	sand.u32 $0xFFFFE00, s0;
	[tilespmem:v1+s31+$0x0] =	vst.idx.msk $0xffff, v2  }
.Ltmp2:
0x14a: {  	s0 =	sadd.s32 s8, s0;
	[tilespmem:v3+s31+$0x0] =	vst.idx.msk $0xffff, v63;
	(pc) =	sbr.rel @p0 .LBB2_2-.Ltmp2, $4  }
0x14b: {  	[hbm4b:s0+s2] =	stream.linear.scatter [tilespmem:s31], [sflag:$0x2], $0x4000, $0x38;
	[tilespmem:$0x1F180] =	vst v63  }
0x14c: {  	_ =	swait.ge [sflag:s12], $0x4000  }
0x14d: {  	[sflag:s12] =	ssyncset.done $0x0  }
0x14e: {  	[sflag:s12] =	ssyncadd.s32 $0xFFFFC000  }
0x14f: {  	s1 =	rddreg [dreg:$0x5]  }
0x150: {  	s0 =	rddreg [dreg:$0x4];
	s1 =	sadd.s32 $0x1, s1  }
0x151: {  	p0 =	sne.s32 s1, s0  }
.Ltmp3:
0x152: {  	_ = 	snop;
	(pc) =	sbr.rel @p0 .LBB2_1-.Ltmp3, $1  }
0x153: {  	_ =	sdelay $0x3  }
0x154: {  	_ =	sfence.sel $0x180000  }
0x155: {  	[bflag:$0x0] =	sbarrier.arrive $0xFFFF  }
0x156: {  	_ =	strace $0x9000004A  }
0x157: {  	s0 =	stileid.u32;
	[bflag:$0x2] =	sbarrier.arrive $0xFFFF  }
0x158: {  	p0 =	sne.s32 s0, $0x0;
	s0 =	rddreg [dreg:$0x2]  }
0x159: {  	s0 =	sadd.s32 @!p0 $0x100000, s0  }
0x15a: {  	[sflag:s0] =	ssyncadd.tile.s32 @!p0 $0x1;
	_ =	shalt  }
.Lfunc_end2:
_tile_overlayer_lowered:
.L_overlay_start_2:
0x15b: {  	(tag) =	ssettag $0x2  }
0x15c: {  	s0 =	rddreg [dreg:$0x0];
	s2 =	stileid.u32  }
0x15d: {  	s1 =	rddreg [dreg:$0x1];
	p0 =	sne.s32 s2, $0x0  }
0x15e: {  	s3 =	rddreg [dreg:$0x2];
	[bflag:$0x3] =	sbarrier.arrive $0xFFFF;
	s2 =	simm.s32 @!p0 $0x1C02  }
0x15f: {  	[timem:s3], [sflag:s2] =	dma.local @!p0 [hbm:s0], s1  }
0x160: {  	s0 =	simm.s32 @!p0 $0x2  }
0x161: {  	_ =	swait.ge @!p0 [sflag:s0], s1  }
0x162: {  	s1 =	ssub.s32 @!p0 $0x0, s1;
	[sflag:s0] =	ssyncset.done @!p0 $0x0  }
0x163: {  	[sflag:s0] =	ssyncadd.s32 @!p0 s1  }
0x164: {  	[bflag:$0x3] =	sbarrier.arrive $0xFFFF  }
0x165: {  	_ =	shalt  }

</sc_bundles>
